<compile_context>
chip_gen: v7x
topology: tpu7x:2x2x1
jax: 0.10.2.dev20260603
libtpu: 0.0.44.dev20260713+nightly
codegen_flags: <defaults>
</compile_context>

<pallas_src>
import functools
import math

import jax
import jax.numpy as jnp
from jax import lax
from jax.experimental import pallas as pl
from jax.experimental.pallas import tpu as pltpu
from jax.experimental.pallas import tpu_sc as plsc

B = 32
N = 8400
C = 80
D = 85
DP = 128
M = 200
SEC = 208
STRIDES = (8, 16, 32)
GRIDS = (80, 40, 20)
OFFSETS = (0, 6400, 8000)
EPS = 1e-7
NC = 2
NS = 16
NW = NC * NS
SLOTS_PER_W = 32
SLOTS = 640


def _softplus(v):
    return jnp.maximum(v, 0.0) + jnp.log1p(jnp.exp(-jnp.abs(v)))


def _objd_body(pl4_ref, dsum_ref):
    dsum_ref[0, 0] = jnp.sum(_softplus(pl4_ref[0]))


_obj_dense = pl.pallas_call(
    _objd_body,
    grid=(1,),
    in_specs=[pl.BlockSpec((1, B, N), lambda i: (4, 0, 0))],
    out_specs=pl.BlockSpec(memory_space=pltpu.SMEM),
    out_shape=jax.ShapeDtypeStruct((1, 1), jnp.float32),
)


@functools.partial(
    pl.kernel,
    out_type=(
        jax.ShapeDtypeStruct((NW * SLOTS_PER_W,), jnp.int32),
        jax.ShapeDtypeStruct((NW * SLOTS_PER_W,), jnp.int32),
    ),
    mesh=plsc.VectorSubcoreMesh(core_axis_name="c", subcore_axis_name="s"),
    compiler_params=pltpu.CompilerParams(use_tc_tiling_on_sc=True),
    scratch_types=[
        pltpu.VMEM((3 * NW * SLOTS_PER_W,), jnp.float32),
        pltpu.VMEM((SLOTS_PER_W,), jnp.int32),
        pltpu.VMEM((SLOTS_PER_W,), jnp.int32),
        pltpu.VMEM((16,), jnp.float32),
    ],
)
def _sc_idx(tcols_hbm, isz_hbm, bv_hbm, nv_hbm, tv, bv, nv, isz_v):
    wid = lax.axis_index("s") * NC + lax.axis_index("c")
    pltpu.sync_copy(tcols_hbm, tv)
    pltpu.sync_copy(isz_hbm, isz_v)
    isz = isz_v[...]
    lanes = lax.iota(jnp.int32, 16)
    npd = NW * SLOTS_PER_W

    for j2 in range(SLOTS_PER_W // 16):
        base_k = wid * SLOTS_PER_W + j2 * 16
        k = base_k + lanes
        s_id = jnp.where(k >= SEC, 1, 0) + jnp.where(k >= 2 * SEC, 1, 0)
        tb = tv[pl.ds(base_k, 16)]
        tx = tv[pl.ds(npd + base_k, 16)]
        ty = tv[pl.ds(2 * npd + base_k, 16)]
        sf = jnp.where(s_id == 0, jnp.float32(8.0),
                       jnp.where(s_id == 1, jnp.float32(16.0),
                                 jnp.float32(32.0)))
        g = jnp.where(s_id == 0, 80, jnp.where(s_id == 1, 40, 20))
        off = jnp.where(s_id == 0, 0, jnp.where(s_id == 1, 6400, 8000))
        gx = jnp.clip(((tx * isz) / sf).astype(jnp.int32), 0, g - 1)
        gy = jnp.clip(((ty * isz) / sf).astype(jnp.int32), 0, g - 1)
        bv[pl.ds(j2 * 16, 16)] = tb.astype(jnp.int32)
        nv[pl.ds(j2 * 16, 16)] = gy * g + gx + off

    pltpu.sync_copy(bv, bv_hbm.at[pl.ds(wid * SLOTS_PER_W, SLOTS_PER_W)])
    pltpu.sync_copy(nv, nv_hbm.at[pl.ds(wid * SLOTS_PER_W, SLOTS_PER_W)])


GB = 20
GSTEPS = SLOTS // GB


def _gather_body(bv_ref, nv_ref, *refs):
    blks = refs[:GB]
    out_ref = refs[GB]
    k = pl.program_id(0)
    lane_iota = lax.broadcasted_iota(jnp.int32, (1, 128), 1)
    for i in range(GB):
        s = k * GB + i
        b7 = bv_ref[s] & 7
        n_loc = nv_ref[s] & 127
        m = blks[i][:, pl.ds(b7, 1), :][:, 0, :]
        e = jnp.where(lane_iota == n_loc, 1.0, 0.0)
        sel = jax.lax.dot_general(e, m, (((1,), (1,)), ((), ())),
                                  preferred_element_type=jnp.float32)
        out_ref[0, i:i + 1, 0:D] = sel


def _mk_gspec(i):
    return pl.BlockSpec(
        (D, 8, 128),
        lambda k, bv, nv, i=i: (0, bv[k * GB + i] >> 3, nv[k * GB + i] >> 7),
    )


_tc_gather = pl.pallas_call(
    _gather_body,
    grid_spec=pltpu.PrefetchScalarGridSpec(
        num_scalar_prefetch=2,
        grid=(GSTEPS,),
        in_specs=[_mk_gspec(i) for i in range(GB)],
        out_specs=pl.BlockSpec((1, GB, DP), lambda k, bv, nv: (k, 0, 0)),
    ),
    out_shape=jax.ShapeDtypeStruct((GSTEPS, GB, DP), jnp.float32),
)


def _atan_pos(x):
    t3 = 2.414213562373095
    t1 = 0.4142135623730950
    c = jnp.where(x > t3, -1.0 / x, jnp.where(x > t1, (x - 1.0) / (x + 1.0),
                                              x))
    base = jnp.where(x > t3, math.pi / 2,
                     jnp.where(x > t1, math.pi / 4, 0.0))
    zz = c * c
    p = (((8.05374449538e-2 * zz - 1.38776856032e-1) * zz
          + 1.99777106478e-1) * zz - 3.33329491539e-1) * zz * c + c
    return base + p


def _fin_body(rows_ref, tgt_ref, dsum_ref, isz_ref, out_ref):
    isz = isz_ref[0, 0]
    dsum = dsum_ref[0, 0]
    t = tgt_ref[...]
    bcol = t[:, 0].astype(jnp.int32)
    ccol = t[:, 1].astype(jnp.int32)
    tx, ty, tw, th = t[:, 2], t[:, 3], t[:, 4], t[:, 5]

    mi = lax.broadcasted_iota(jnp.int32, (SEC, SEC), 0)
    mj = lax.broadcasted_iota(jnp.int32, (SEC, SEC), 1)
    validj = (mj < M) & (mj > mi)
    valid_f = (lax.iota(jnp.int32, SEC) < M).astype(jnp.float32)
    eq_c = ccol[:, None] == ccol[None, :]
    cls_iota = lax.broadcasted_iota(jnp.int32, (SEC, C), 1)
    onehot = jnp.where(ccol[:, None] == cls_iota, 1.0, 0.0)

    num_pos = jnp.float32(0.0)
    s_obj = jnp.float32(0.0)
    s_box = jnp.float32(0.0)
    s_sp = jnp.float32(0.0)
    s_lg = jnp.float32(0.0)
    for si in range(3):
        s = float(STRIDES[si])
        g = GRIDS[si]
        off = OFFSETS[si]
        gx = jnp.clip(((tx * isz) / jnp.float32(s)).astype(jnp.int32), 0,
                      g - 1)
        gy = jnp.clip(((ty * isz) / jnp.float32(s)).astype(jnp.int32), 0,
                      g - 1)
        idx = bcol * N + gy * g + gx + off
        eq = idx[:, None] == idx[None, :]
        dup = jnp.where(eq & validj, 1.0, 0.0)
        win_f = valid_f * jnp.where(jnp.sum(dup, axis=1) > 0.0, 0.0, 1.0)
        dupc = jnp.where(eq & eq_c & validj, 1.0, 0.0)
        keep_f = valid_f * jnp.where(jnp.sum(dupc, axis=1) > 0.0, 0.0, 1.0)

        sl = slice(si * SEC, (si + 1) * SEC)
        lx, ly = rows_ref[sl, 0], rows_ref[sl, 1]
        lw, lh = rows_ref[sl, 2], rows_ref[sl, 3]
        obj = rows_ref[sl, 4]
        cls = rows_ref[sl, 5:5 + C]

        px = (1.0 / (1.0 + jnp.exp(-lx)) + gx.astype(jnp.float32)) * s / isz
        py = (1.0 / (1.0 + jnp.exp(-ly)) + gy.astype(jnp.float32)) * s / isz
        pw = 1.0 / (1.0 + jnp.exp(-lw))
        ph = 1.0 / (1.0 + jnp.exp(-lh))

        px1, px2 = px - pw / 2, px + pw / 2
        py1, py2 = py - ph / 2, py + ph / 2
        tx1, tx2 = tx - tw / 2, tx + tw / 2
        ty1, ty2 = ty - th / 2, ty + th / 2
        ix1 = jnp.maximum(px1, tx1)
        iy1 = jnp.maximum(py1, ty1)
        ix2 = jnp.minimum(px2, tx2)
        iy2 = jnp.minimum(py2, ty2)
        inter = jnp.clip(ix2 - ix1, 0.0) * jnp.clip(iy2 - iy1, 0.0)
        pa = (px2 - px1) * (py2 - py1)
        ta = (tx2 - tx1) * (ty2 - ty1)
        union = pa + ta - inter + EPS
        iou = inter / union
        ex1 = jnp.minimum(px1, tx1)
        ey1 = jnp.minimum(py1, ty1)
        ex2 = jnp.maximum(px2, tx2)
        ey2 = jnp.maximum(py2, ty2)
        c2 = (ex2 - ex1) ** 2 + (ey2 - ey1) ** 2 + EPS
        pcx, pcy = (px1 + px2) / 2, (py1 + py2) / 2
        tcx, tcy = (tx1 + tx2) / 2, (ty1 + ty2) / 2
        rho2 = (pcx - tcx) ** 2 + (pcy - tcy) ** 2
        v = (4.0 / math.pi ** 2) * (_atan_pos(tw / (th + EPS)) -
                                    _atan_pos(pw / (ph + EPS))) ** 2
        alpha = v / (1.0 - iou + v + EPS)
        ciou = iou - rho2 / c2 - alpha * v

        num_pos += jnp.sum(win_f)
        s_obj += jnp.sum(win_f * obj)
        s_box += jnp.sum(win_f * (1.0 - ciou))
        s_sp += jnp.sum(win_f[:, None] * _softplus(cls))
        s_lg += jnp.sum(keep_f[:, None] * onehot * cls)

    obj_loss = (dsum - s_obj) / jnp.float32(B * N)
    box_loss = s_box / jnp.maximum(num_pos, 1.0)
    cls_loss = (s_sp - s_lg) / jnp.maximum(num_pos * C, 1.0)
    out_ref[0, 0] = 5.0 * box_loss + obj_loss + cls_loss


_finalize = pl.pallas_call(
    _fin_body,
    in_specs=[
        pl.BlockSpec((SLOTS, DP), lambda: (0, 0)),
        pl.BlockSpec((SEC, 8), lambda: (0, 0)),
        pl.BlockSpec(memory_space=pltpu.SMEM),
        pl.BlockSpec(memory_space=pltpu.SMEM),
    ],
    out_specs=pl.BlockSpec(memory_space=pltpu.SMEM),
    out_shape=jax.ShapeDtypeStruct((1, 1), jnp.float32),
)


def kernel(predictions, targets, input_size):
    iszf = jnp.asarray(input_size, jnp.float32)
    isz16 = jnp.full((16,), iszf, jnp.float32)
    isz11 = jnp.reshape(iszf, (1, 1))
    m_ids = jnp.minimum(jnp.arange(SEC), M - 1)
    slot_m = jnp.concatenate(
        [m_ids, m_ids, m_ids, jnp.zeros(NW * SLOTS_PER_W - 3 * SEC,
                                        jnp.int32)])
    tcols = jnp.concatenate([targets[:, 0][slot_m], targets[:, 2][slot_m],
                             targets[:, 3][slot_m]])
    tpad = jnp.zeros((SEC, 8), jnp.float32).at[:M, :6].set(targets)
    predt = jnp.transpose(predictions, (2, 0, 1))
    dsum = _obj_dense(predt)
    bv, nv = _sc_idx(tcols, isz16)
    rows = _tc_gather(bv, nv, *([predt] * GB)).reshape(SLOTS, DP)
    total = _finalize(rows, tpad, dsum, isz11)
    return total.reshape(())

# --- scband reference (transcript-rebuilt; emitter-appended) ---
"""Pipeline reference for scband-detection-loss-18090402251137 (READ-ONLY COPY).

The authoritative reference and input builder live on the scoring server;
editing this copy changes nothing except your own understanding.
"""

import jax, jax.numpy as jnp
import numpy as np
import math

NUM_CLASSES = 80
BOX_W, OBJ_W, CLS_W = 5.0, 1.0, 1.0
STRIDES = (8, 16, 32)
EPS = 1e-7


def _make_grid(input_size):
    coords = []
    strs = []
    for s in STRIDES:
        g = input_size // s
        x = jnp.arange(g)
        y = jnp.arange(g)
        yy, xx = jnp.meshgrid(y, x, indexing='ij')
        c = jnp.stack([xx.flatten(), yy.flatten()], axis=-1)
        coords.append(c)
        strs.append(jnp.full((g * g,), float(s), dtype=jnp.float32))
    return jnp.concatenate(coords, 0).astype(jnp.float32), jnp.concatenate(strs, 0)


def _bce_with_logits(logits, targets):
    return jnp.maximum(logits, 0.0) - logits * targets + jnp.log1p(jnp.exp(-jnp.abs(logits)))


def _build_targets(targets, B, N, C, input_size, input_size_static):
    obj = jnp.zeros((B * N,), jnp.float32)
    box = jnp.zeros((B * N, 4), jnp.float32)
    cls_t = jnp.zeros((B * N, C), jnp.float32)
    b = targets[:, 0].astype(jnp.int32)
    c = targets[:, 1].astype(jnp.int32)
    xywh = targets[:, 2:6]
    offset = 0
    for s in STRIDES:
        g = input_size_static // s
        gx = jnp.clip(jnp.floor(xywh[:, 0] * input_size / s).astype(jnp.int32), 0, g - 1)
        gy = jnp.clip(jnp.floor(xywh[:, 1] * input_size / s).astype(jnp.int32), 0, g - 1)
        idx = b * N + gy * g + gx + offset
        obj = obj.at[idx].set(1.0)
        box = box.at[idx].set(xywh)
        cls_t = cls_t.at[idx, c].set(1.0)
        offset += g * g
    return obj.reshape(B, N), box.reshape(B, N, 4), cls_t.reshape(B, N, C)


def _ciou_per_elem(pred, target, eps=EPS):
    px1, px2 = pred[:, 0] - pred[:, 2] / 2, pred[:, 0] + pred[:, 2] / 2
    py1, py2 = pred[:, 1] - pred[:, 3] / 2, pred[:, 1] + pred[:, 3] / 2
    tx1, tx2 = target[:, 0] - target[:, 2] / 2, target[:, 0] + target[:, 2] / 2
    ty1, ty2 = target[:, 1] - target[:, 3] / 2, target[:, 1] + target[:, 3] / 2
    ix1 = jnp.maximum(px1, tx1)
    iy1 = jnp.maximum(py1, ty1)
    ix2 = jnp.minimum(px2, tx2)
    iy2 = jnp.minimum(py2, ty2)
    inter = jnp.clip(ix2 - ix1, 0.0) * jnp.clip(iy2 - iy1, 0.0)
    pa = (px2 - px1) * (py2 - py1)
    ta = (tx2 - tx1) * (ty2 - ty1)
    union = pa + ta - inter + eps
    iou = inter / union
    ex1 = jnp.minimum(px1, tx1)
    ey1 = jnp.minimum(py1, ty1)
    ex2 = jnp.maximum(px2, tx2)
    ey2 = jnp.maximum(py2, ty2)
    c2 = (ex2 - ex1) ** 2 + (ey2 - ey1) ** 2 + eps
    pcx, pcy = (px1 + px2) / 2, (py1 + py2) / 2
    tcx, tcy = (tx1 + tx2) / 2, (ty1 + ty2) / 2
    rho2 = (pcx - tcx) ** 2 + (pcy - tcy) ** 2
    v = 4.0 / math.pi ** 2 * (jnp.arctan(target[:, 2] / (target[:, 3] + eps)) - jnp.arctan(pred[:, 2] / (pred[:, 3] + eps))) ** 2
    alpha = jax.lax.stop_gradient(v / (1.0 - iou + v + eps))
    return iou - rho2 / c2 - alpha * v


def _forward(predictions, targets, input_size):
    B, N, D = predictions.shape
    C = D - 5
    input_size_static = int(round(math.sqrt(N / sum(1.0 / (s * s) for s in STRIDES))))
    pred_xy = predictions[..., :2]
    pred_wh = predictions[..., 2:4]
    pred_obj = predictions[..., 4]
    pred_cls = predictions[..., 5:]
    grid, strides = _make_grid(input_size_static)
    pred_xy = (jax.nn.sigmoid(pred_xy) + grid) * strides[:, None] / input_size
    pred_wh = jax.nn.sigmoid(pred_wh)
    pred_box = jnp.concatenate([pred_xy, pred_wh], axis=-1)
    obj_t, box_t, cls_t = _build_targets(targets, B, N, C, input_size, input_size_static)
    obj_loss = jnp.mean(_bce_with_logits(pred_obj, obj_t))
    mask = (obj_t > 0).astype(jnp.float32)
    num_pos = jnp.sum(mask)
    denom = jnp.maximum(num_pos, 1.0)
    ciou = _ciou_per_elem(pred_box.reshape(-1, 4), box_t.reshape(-1, 4))
    box_loss = jnp.sum(mask.reshape(-1) * (1.0 - ciou)) / denom
    cls_elem = _bce_with_logits(pred_cls, cls_t)
    cls_loss = jnp.sum(mask[..., None] * cls_elem) / jnp.maximum(num_pos * C, 1.0)
    total = BOX_W * box_loss + OBJ_W * obj_loss + CLS_W * cls_loss
    return total


def setup_inputs(seed: int = 0) -> dict:
    key = jax.random.key(seed)
    k1, k2, k3, k4, k5 = jax.random.split(key, 5)
    B, N, C, M = 32, 8400, 80, 200
    predictions = jax.random.normal(k1, (B, N, 4 + 1 + C), dtype=jnp.float32)
    b = jax.random.randint(k2, (M,), 0, B).astype(jnp.float32)
    c = jax.random.randint(k3, (M,), 0, C).astype(jnp.float32)
    xy = jax.random.uniform(k4, (M, 2), dtype=jnp.float32)
    wh = jax.random.uniform(k5, (M, 2), dtype=jnp.float32) * 0.3 + 0.01
    targets = jnp.concatenate([b[:, None], c[:, None], xy, wh], axis=1)
    return {"predictions": predictions, "targets": targets, "input_size": 640}


def reference(predictions, targets, input_size):
    return _forward(predictions, targets, input_size)

if __name__ == "__main__":
    import jax
    _d = setup_inputs()
    print(jax.jit(kernel)(*tuple(_d.values())))

</pallas_src>

<mosaic_0001>
#map = affine_map<(d0, d1) -> (0)>
module attributes {stable_mosaic.version = 14 : i64} {
  func.func @_sc_idx(%arg0: i32, %arg1: i32, %arg2: memref<3072xf32, #tpu.memory_space<hbm>>, %arg3: memref<16xf32, #tpu.memory_space<hbm>>, %arg4: memref<1024xi32, #tpu.memory_space<hbm>>, %arg5: memref<1024xi32, #tpu.memory_space<hbm>>, %arg6: memref<3072xf32, #tpu.memory_space<vmem>>, %arg7: memref<32xi32, #tpu.memory_space<vmem>>, %arg8: memref<32xi32, #tpu.memory_space<vmem>>, %arg9: memref<16xf32, #tpu.memory_space<vmem>>) attributes {dimension_semantics = [#tpu.dimension_semantics<core_parallel>, #tpu.dimension_semantics<subcore_parallel>], iteration_bounds = array<i64: 2, 16>, scalar_prefetch = 0 : i64, scratch_operands = 4 : i64, tpu.core_type = #tpu.core_type<sc_vector_subcore>, window_params = [{transform_indices = #map}, {transform_indices = #map}, {transform_indices = #map}, {transform_indices = #map}]} {
    %mul3A = arith.constant 2 : i32
    %mul3A_0 = arith.muli %arg1, %mul3A : i32
    %add3A = arith.addi %mul3A_0, %arg0 : i32
    "tpu.region"() ({
      %run_scoped3A = tpu.sem_alloc : memref<!tpu.dma_semaphore, #tpu.memory_space<semaphore_mem>>
      tpu.enqueue_dma source(%arg2 : memref<3072xf32, #tpu.memory_space<hbm>>) target(%arg6 : memref<3072xf32, #tpu.memory_space<vmem>>) target_semaphore(%run_scoped3A : memref<!tpu.dma_semaphore, #tpu.memory_space<semaphore_mem>>)
      tpu.wait_dma2 semaphore(%run_scoped3A : memref<!tpu.dma_semaphore, #tpu.memory_space<semaphore_mem>>) src(%arg2 : memref<3072xf32, #tpu.memory_space<hbm>>) dst(%arg6 : memref<3072xf32, #tpu.memory_space<vmem>>)
      tpu.yield
    }) : () -> ()
    "tpu.region"() ({
      %run_scoped3A = tpu.sem_alloc : memref<!tpu.dma_semaphore, #tpu.memory_space<semaphore_mem>>
      tpu.enqueue_dma source(%arg3 : memref<16xf32, #tpu.memory_space<hbm>>) target(%arg9 : memref<16xf32, #tpu.memory_space<vmem>>) target_semaphore(%run_scoped3A : memref<!tpu.dma_semaphore, #tpu.memory_space<semaphore_mem>>)
      tpu.wait_dma2 semaphore(%run_scoped3A : memref<!tpu.dma_semaphore, #tpu.memory_space<semaphore_mem>>) src(%arg3 : memref<16xf32, #tpu.memory_space<hbm>>) dst(%arg9 : memref<16xf32, #tpu.memory_space<vmem>>)
      tpu.yield
    }) : () -> ()
    %get3A = arith.constant 0 : index
    %get3A_1 = tpu.vector_load %arg9[%get3A] {strides = array<i32>} : memref<16xf32, #tpu.memory_space<vmem>>, vector<16xf32>,
    %get3A_2 = vector.shape_cast %get3A_1 : vector<16xf32> to vector<16xf32>
    %iota3A = tpu.iota {dimensions = array<i32: 0>} : vector<16xi32>
    %mul3A_3 = arith.constant 32 : i32
    %mul3A_4 = arith.muli %add3A, %mul3A_3 : i32
    %add3A_5 = arith.constant 0 : i32
    %add3A_6 = arith.addi %mul3A_4, %add3A_5 : i32
    %add3A_7 = vector.broadcast %add3A_6 : i32 to vector<16xi32>
    %add3A_8 = arith.addi %add3A_7, %iota3A : vector<16xi32>
    %ge3A = arith.constant 208 : i32
    %ge3A_9 = vector.broadcast %ge3A : i32 to vector<16xi32>
    %ge3A_10 = arith.cmpi sge, %add3A_8, %ge3A_9 : vector<16xi32>
    %jit3A = arith.constant 1 : i32
    %jit3A_11 = arith.constant 0 : i32
    %broadcast_in_dim3A = vector.broadcast %jit3A : i32 to vector<16xi32>
    %broadcast_in_dim3A_12 = vector.broadcast %jit3A_11 : i32 to vector<16xi32>
    %select_n3A = arith.select %ge3A_10, %broadcast_in_dim3A, %broadcast_in_dim3A_12 : vector<16xi1>, vector<16xi32>
    %ge3A_13 = arith.constant 416 : i32
    %ge3A_14 = vector.broadcast %ge3A_13 : i32 to vector<16xi32>
    %ge3A_15 = arith.cmpi sge, %add3A_8, %ge3A_14 : vector<16xi32>
    %jit3A_16 = arith.constant 1 : i32
    %jit3A_17 = arith.constant 0 : i32
    %broadcast_in_dim3A_18 = vector.broadcast %jit3A_16 : i32 to vector<16xi32>
    %broadcast_in_dim3A_19 = vector.broadcast %jit3A_17 : i32 to vector<16xi32>
    %select_n3A_20 = arith.select %ge3A_15, %broadcast_in_dim3A_18, %broadcast_in_dim3A_19 : vector<16xi1>, vector<16xi32>
    %add3A_21 = arith.addi %select_n3A, %select_n3A_20 : vector<16xi32>
    %get3A_22 = arith.index_cast %add3A_6 : i32 to index
    %get3A_23 = tpu.vector_load %arg6[%get3A_22] {strides = array<i32>} : memref<3072xf32, #tpu.memory_space<vmem>>, vector<16xf32>,
    %get3A_24 = vector.shape_cast %get3A_23 : vector<16xf32> to vector<16xf32>
    %add3A_25 = arith.constant 1024 : i32
    %add3A_26 = arith.addi %add3A_25, %add3A_6 : i32
    %get3A_27 = arith.index_cast %add3A_26 : i32 to index
    %get3A_28 = tpu.vector_load %arg6[%get3A_27] {strides = array<i32>} : memref<3072xf32, #tpu.memory_space<vmem>>, vector<16xf32>,
    %get3A_29 = vector.shape_cast %get3A_28 : vector<16xf32> to vector<16xf32>
    %add3A_30 = arith.constant 2048 : i32
    %add3A_31 = arith.addi %add3A_30, %add3A_6 : i32
    %get3A_32 = arith.index_cast %add3A_31 : i32 to index
    %get3A_33 = tpu.vector_load %arg6[%get3A_32] {strides = array<i32>} : memref<3072xf32, #tpu.memory_space<vmem>>, vector<16xf32>,
    %get3A_34 = vector.shape_cast %get3A_33 : vector<16xf32> to vector<16xf32>
    %eq3A = arith.constant 0 : i32
    %eq3A_35 = vector.broadcast %eq3A : i32 to vector<16xi32>
    %eq3A_36 = arith.cmpi eq, %add3A_21, %eq3A_35 : vector<16xi32>
    %eq3A_37 = arith.constant 1 : i32
    %eq3A_38 = vector.broadcast %eq3A_37 : i32 to vector<16xi32>
    %eq3A_39 = arith.cmpi eq, %add3A_21, %eq3A_38 : vector<16xi32>
    %jit3A_40 = arith.constant 1.600000e+01 : f32
    %jit3A_41 = arith.constant 3.200000e+01 : f32
    %broadcast_in_dim3A_42 = vector.broadcast %jit3A_40 : f32 to vector<16xf32>
    %broadcast_in_dim3A_43 = vector.broadcast %jit3A_41 : f32 to vector<16xf32>
    %select_n3A_44 = arith.select %eq3A_39, %broadcast_in_dim3A_42, %broadcast_in_dim3A_43 : vector<16xi1>, vector<16xf32>
    %jit3A_45 = arith.constant 8.000000e+00 : f32
    %broadcast_in_dim3A_46 = vector.broadcast %jit3A_45 : f32 to vector<16xf32>
    %select_n3A_47 = arith.select %eq3A_36, %broadcast_in_dim3A_46, %select_n3A_44 : vector<16xi1>, vector<16xf32>
    %eq3A_48 = arith.constant 0 : i32
    %eq3A_49 = vector.broadcast %eq3A_48 : i32 to vector<16xi32>
    %eq3A_50 = arith.cmpi eq, %add3A_21, %eq3A_49 : vector<16xi32>
    %eq3A_51 = arith.constant 1 : i32
    %eq3A_52 = vector.broadcast %eq3A_51 : i32 to vector<16xi32>
    %eq3A_53 = arith.cmpi eq, %add3A_21, %eq3A_52 : vector<16xi32>
    %jit3A_54 = arith.constant 40 : i32
    %jit3A_55 = arith.constant 20 : i32
    %broadcast_in_dim3A_56 = vector.broadcast %jit3A_54 : i32 to vector<16xi32>
    %broadcast_in_dim3A_57 = vector.broadcast %jit3A_55 : i32 to vector<16xi32>
    %select_n3A_58 = arith.select %eq3A_53, %broadcast_in_dim3A_56, %broadcast_in_dim3A_57 : vector<16xi1>, vector<16xi32>
    %jit3A_59 = arith.constant 80 : i32
    %broadcast_in_dim3A_60 = vector.broadcast %jit3A_59 : i32 to vector<16xi32>
    %select_n3A_61 = arith.select %eq3A_50, %broadcast_in_dim3A_60, %select_n3A_58 : vector<16xi1>, vector<16xi32>
    %eq3A_62 = arith.constant 0 : i32
    %eq3A_63 = vector.broadcast %eq3A_62 : i32 to vector<16xi32>
    %eq3A_64 = arith.cmpi eq, %add3A_21, %eq3A_63 : vector<16xi32>
    %eq3A_65 = arith.constant 1 : i32
    %eq3A_66 = vector.broadcast %eq3A_65 : i32 to vector<16xi32>
    %eq3A_67 = arith.cmpi eq, %add3A_21, %eq3A_66 : vector<16xi32>
    %jit3A_68 = arith.constant 6400 : i32
    %jit3A_69 = arith.constant 8000 : i32
    %broadcast_in_dim3A_70 = vector.broadcast %jit3A_68 : i32 to vector<16xi32>
    %broadcast_in_dim3A_71 = vector.broadcast %jit3A_69 : i32 to vector<16xi32>
    %select_n3A_72 = arith.select %eq3A_67, %broadcast_in_dim3A_70, %broadcast_in_dim3A_71 : vector<16xi1>, vector<16xi32>
    %jit3A_73 = arith.constant 0 : i32
    %broadcast_in_dim3A_74 = vector.broadcast %jit3A_73 : i32 to vector<16xi32>
    %select_n3A_75 = arith.select %eq3A_64, %broadcast_in_dim3A_74, %select_n3A_72 : vector<16xi1>, vector<16xi32>
    %mul3A_76 = arith.mulf %get3A_29, %get3A_2 : vector<16xf32>
    %div3A = arith.divf %mul3A_76, %select_n3A_47 : vector<16xf32>
    %convert_element_type3A = arith.fptosi %div3A : vector<16xf32> to vector<16xi32>
    %sub3A = arith.constant 1 : i32
    %sub3A_77 = vector.broadcast %sub3A : i32 to vector<16xi32>
    %sub3A_78 = arith.subi %select_n3A_61, %sub3A_77 : vector<16xi32>
    %jit3A_79 = arith.constant 0 : i32
    %max3A = vector.broadcast %jit3A_79 : i32 to vector<16xi32>
    %max3A_80 = arith.maxsi %max3A, %convert_element_type3A : vector<16xi32>
    %min3A = arith.minsi %sub3A_78, %max3A_80 : vector<16xi32>
    %mul3A_81 = arith.mulf %get3A_34, %get3A_2 : vector<16xf32>
    %div3A_82 = arith.divf %mul3A_81, %select_n3A_47 : vector<16xf32>
    %convert_element_type3A_83 = arith.fptosi %div3A_82 : vector<16xf32> to vector<16xi32>
    %sub3A_84 = arith.constant 1 : i32
    %sub3A_85 = vector.broadcast %sub3A_84 : i32 to vector<16xi32>
    %sub3A_86 = arith.subi %select_n3A_61, %sub3A_85 : vector<16xi32>
    %jit3A_87 = arith.constant 0 : i32
    %max3A_88 = vector.broadcast %jit3A_87 : i32 to vector<16xi32>
    %max3A_89 = arith.maxsi %max3A_88, %convert_element_type3A_83 : vector<16xi32>
    %min3A_90 = arith.minsi %sub3A_86, %max3A_89 : vector<16xi32>
    %convert_element_type3A_91 = arith.fptosi %get3A_24 : vector<16xf32> to vector<16xi32>
    %swap3A = arith.constant 0 : index
    %swap3A_92 = tpu.vector_load %arg7[%swap3A] {strides = array<i32>} : memref<32xi32, #tpu.memory_space<vmem>>, vector<16xi32>,
    %swap3A_93 = vector.shape_cast %swap3A_92 : vector<16xi32> to vector<16xi32>
    %swap3A_94 = vector.shape_cast %convert_element_type3A_91 : vector<16xi32> to vector<16xi32>
    tpu.vector_store %arg7[%swap3A], %swap3A_94 {strides = array<i32>} : memref<32xi32, #tpu.memory_space<vmem>>, vector<16xi32>,
    %mul3A_95 = arith.muli %min3A_90, %select_n3A_61 : vector<16xi32>
    %add3A_96 = arith.addi %mul3A_95, %min3A : vector<16xi32>
    %add3A_97 = arith.addi %add3A_96, %select_n3A_75 : vector<16xi32>
    %swap3A_98 = arith.constant 0 : index
    %swap3A_99 = tpu.vector_load %arg8[%swap3A_98] {strides = array<i32>} : memref<32xi32, #tpu.memory_space<vmem>>, vector<16xi32>,
    %swap3A_100 = vector.shape_cast %swap3A_99 : vector<16xi32> to vector<16xi32>
    %swap3A_101 = vector.shape_cast %add3A_97 : vector<16xi32> to vector<16xi32>
    tpu.vector_store %arg8[%swap3A_98], %swap3A_101 {strides = array<i32>} : memref<32xi32, #tpu.memory_space<vmem>>, vector<16xi32>,
    %mul3A_102 = arith.constant 32 : i32
    %mul3A_103 = arith.muli %add3A, %mul3A_102 : i32
    %add3A_104 = arith.constant 16 : i32
    %add3A_105 = arith.addi %mul3A_103, %add3A_104 : i32
    %add3A_106 = vector.broadcast %add3A_105 : i32 to vector<16xi32>
    %add3A_107 = arith.addi %add3A_106, %iota3A : vector<16xi32>
    %ge3A_108 = arith.constant 208 : i32
    %ge3A_109 = vector.broadcast %ge3A_108 : i32 to vector<16xi32>
    %ge3A_110 = arith.cmpi sge, %add3A_107, %ge3A_109 : vector<16xi32>
    %jit3A_111 = arith.constant 1 : i32
    %jit3A_112 = arith.constant 0 : i32
    %broadcast_in_dim3A_113 = vector.broadcast %jit3A_111 : i32 to vector<16xi32>
    %broadcast_in_dim3A_114 = vector.broadcast %jit3A_112 : i32 to vector<16xi32>
    %select_n3A_115 = arith.select %ge3A_110, %broadcast_in_dim3A_113, %broadcast_in_dim3A_114 : vector<16xi1>, vector<16xi32>
    %ge3A_116 = arith.constant 416 : i32
    %ge3A_117 = vector.broadcast %ge3A_116 : i32 to vector<16xi32>
    %ge3A_118 = arith.cmpi sge, %add3A_107, %ge3A_117 : vector<16xi32>
    %jit3A_119 = arith.constant 1 : i32
    %jit3A_120 = arith.constant 0 : i32
    %broadcast_in_dim3A_121 = vector.broadcast %jit3A_119 : i32 to vector<16xi32>
    %broadcast_in_dim3A_122 = vector.broadcast %jit3A_120 : i32 to vector<16xi32>
    %select_n3A_123 = arith.select %ge3A_118, %broadcast_in_dim3A_121, %broadcast_in_dim3A_122 : vector<16xi1>, vector<16xi32>
    %add3A_124 = arith.addi %select_n3A_115, %select_n3A_123 : vector<16xi32>
    %get3A_125 = arith.index_cast %add3A_105 : i32 to index
    %get3A_126 = tpu.vector_load %arg6[%get3A_125] {strides = array<i32>} : memref<3072xf32, #tpu.memory_space<vmem>>, vector<16xf32>,
    %get3A_127 = vector.shape_cast %get3A_126 : vector<16xf32> to vector<16xf32>
    %add3A_128 = arith.constant 1024 : i32
    %add3A_129 = arith.addi %add3A_128, %add3A_105 : i32
    %get3A_130 = arith.index_cast %add3A_129 : i32 to index
    %get3A_131 = tpu.vector_load %arg6[%get3A_130] {strides = array<i32>} : memref<3072xf32, #tpu.memory_space<vmem>>, vector<16xf32>,
    %get3A_132 = vector.shape_cast %get3A_131 : vector<16xf32> to vector<16xf32>
    %add3A_133 = arith.constant 2048 : i32
    %add3A_134 = arith.addi %add3A_133, %add3A_105 : i32
    %get3A_135 = arith.index_cast %add3A_134 : i32 to index
    %get3A_136 = tpu.vector_load %arg6[%get3A_135] {strides = array<i32>} : memref<3072xf32, #tpu.memory_space<vmem>>, vector<16xf32>,
    %get3A_137 = vector.shape_cast %get3A_136 : vector<16xf32> to vector<16xf32>
    %eq3A_138 = arith.constant 0 : i32
    %eq3A_139 = vector.broadcast %eq3A_138 : i32 to vector<16xi32>
    %eq3A_140 = arith.cmpi eq, %add3A_124, %eq3A_139 : vector<16xi32>
    %eq3A_141 = arith.constant 1 : i32
    %eq3A_142 = vector.broadcast %eq3A_141 : i32 to vector<16xi32>
    %eq3A_143 = arith.cmpi eq, %add3A_124, %eq3A_142 : vector<16xi32>
    %jit3A_144 = arith.constant 1.600000e+01 : f32
    %jit3A_145 = arith.constant 3.200000e+01 : f32
    %broadcast_in_dim3A_146 = vector.broadcast %jit3A_144 : f32 to vector<16xf32>
    %broadcast_in_dim3A_147 = vector.broadcast %jit3A_145 : f32 to vector<16xf32>
    %select_n3A_148 = arith.select %eq3A_143, %broadcast_in_dim3A_146, %broadcast_in_dim3A_147 : vector<16xi1>, vector<16xf32>
    %jit3A_149 = arith.constant 8.000000e+00 : f32
    %broadcast_in_dim3A_150 = vector.broadcast %jit3A_149 : f32 to vector<16xf32>
    %select_n3A_151 = arith.select %eq3A_140, %broadcast_in_dim3A_150, %select_n3A_148 : vector<16xi1>, vector<16xf32>
    %eq3A_152 = arith.constant 0 : i32
    %eq3A_153 = vector.broadcast %eq3A_152 : i32 to vector<16xi32>
    %eq3A_154 = arith.cmpi eq, %add3A_124, %eq3A_153 : vector<16xi32>
    %eq3A_155 = arith.constant 1 : i32
    %eq3A_156 = vector.broadcast %eq3A_155 : i32 to vector<16xi32>
    %eq3A_157 = arith.cmpi eq, %add3A_124, %eq3A_156 : vector<16xi32>
    %jit3A_158 = arith.constant 40 : i32
    %jit3A_159 = arith.constant 20 : i32
    %broadcast_in_dim3A_160 = vector.broadcast %jit3A_158 : i32 to vector<16xi32>
    %broadcast_in_dim3A_161 = vector.broadcast %jit3A_159 : i32 to vector<16xi32>
    %select_n3A_162 = arith.select %eq3A_157, %broadcast_in_dim3A_160, %broadcast_in_dim3A_161 : vector<16xi1>, vector<16xi32>
    %jit3A_163 = arith.constant 80 : i32
    %broadcast_in_dim3A_164 = vector.broadcast %jit3A_163 : i32 to vector<16xi32>
    %select_n3A_165 = arith.select %eq3A_154, %broadcast_in_dim3A_164, %select_n3A_162 : vector<16xi1>, vector<16xi32>
    %eq3A_166 = arith.constant 0 : i32
    %eq3A_167 = vector.broadcast %eq3A_166 : i32 to vector<16xi32>
    %eq3A_168 = arith.cmpi eq, %add3A_124, %eq3A_167 : vector<16xi32>
    %eq3A_169 = arith.constant 1 : i32
    %eq3A_170 = vector.broadcast %eq3A_169 : i32 to vector<16xi32>
    %eq3A_171 = arith.cmpi eq, %add3A_124, %eq3A_170 : vector<16xi32>
    %jit3A_172 = arith.constant 6400 : i32
    %jit3A_173 = arith.constant 8000 : i32
    %broadcast_in_dim3A_174 = vector.broadcast %jit3A_172 : i32 to vector<16xi32>
    %broadcast_in_dim3A_175 = vector.broadcast %jit3A_173 : i32 to vector<16xi32>
    %select_n3A_176 = arith.select %eq3A_171, %broadcast_in_dim3A_174, %broadcast_in_dim3A_175 : vector<16xi1>, vector<16xi32>
    %jit3A_177 = arith.constant 0 : i32
    %broadcast_in_dim3A_178 = vector.broadcast %jit3A_177 : i32 to vector<16xi32>
    %select_n3A_179 = arith.select %eq3A_168, %broadcast_in_dim3A_178, %select_n3A_176 : vector<16xi1>, vector<16xi32>
    %mul3A_180 = arith.mulf %get3A_132, %get3A_2 : vector<16xf32>
    %div3A_181 = arith.divf %mul3A_180, %select_n3A_151 : vector<16xf32>
    %convert_element_type3A_182 = arith.fptosi %div3A_181 : vector<16xf32> to vector<16xi32>
    %sub3A_183 = arith.constant 1 : i32
    %sub3A_184 = vector.broadcast %sub3A_183 : i32 to vector<16xi32>
    %sub3A_185 = arith.subi %select_n3A_165, %sub3A_184 : vector<16xi32>
    %jit3A_186 = arith.constant 0 : i32
    %max3A_187 = vector.broadcast %jit3A_186 : i32 to vector<16xi32>
    %max3A_188 = arith.maxsi %max3A_187, %convert_element_type3A_182 : vector<16xi32>
    %min3A_189 = arith.minsi %sub3A_185, %max3A_188 : vector<16xi32>
    %mul3A_190 = arith.mulf %get3A_137, %get3A_2 : vector<16xf32>
    %div3A_191 = arith.divf %mul3A_190, %select_n3A_151 : vector<16xf32>
    %convert_element_type3A_192 = arith.fptosi %div3A_191 : vector<16xf32> to vector<16xi32>
    %sub3A_193 = arith.constant 1 : i32
    %sub3A_194 = vector.broadcast %sub3A_193 : i32 to vector<16xi32>
    %sub3A_195 = arith.subi %select_n3A_165, %sub3A_194 : vector<16xi32>
    %jit3A_196 = arith.constant 0 : i32
    %max3A_197 = vector.broadcast %jit3A_196 : i32 to vector<16xi32>
    %max3A_198 = arith.maxsi %max3A_197, %convert_element_type3A_192 : vector<16xi32>
    %min3A_199 = arith.minsi %sub3A_195, %max3A_198 : vector<16xi32>
    %convert_element_type3A_200 = arith.fptosi %get3A_127 : vector<16xf32> to vector<16xi32>
    %swap3A_201 = arith.constant 16 : index
    %swap3A_202 = tpu.vector_load %arg7[%swap3A_201] {strides = array<i32>} : memref<32xi32, #tpu.memory_space<vmem>>, vector<16xi32>,
    %swap3A_203 = vector.shape_cast %swap3A_202 : vector<16xi32> to vector<16xi32>
    %swap3A_204 = vector.shape_cast %convert_element_type3A_200 : vector<16xi32> to vector<16xi32>
    tpu.vector_store %arg7[%swap3A_201], %swap3A_204 {strides = array<i32>} : memref<32xi32, #tpu.memory_space<vmem>>, vector<16xi32>,
    %mul3A_205 = arith.muli %min3A_199, %select_n3A_165 : vector<16xi32>
    %add3A_206 = arith.addi %mul3A_205, %min3A_189 : vector<16xi32>
    %add3A_207 = arith.addi %add3A_206, %select_n3A_179 : vector<16xi32>
    %swap3A_208 = arith.constant 16 : index
    %swap3A_209 = tpu.vector_load %arg8[%swap3A_208] {strides = array<i32>} : memref<32xi32, #tpu.memory_space<vmem>>, vector<16xi32>,
    %swap3A_210 = vector.shape_cast %swap3A_209 : vector<16xi32> to vector<16xi32>
    %swap3A_211 = vector.shape_cast %add3A_207 : vector<16xi32> to vector<16xi32>
    tpu.vector_store %arg8[%swap3A_208], %swap3A_211 {strides = array<i32>} : memref<32xi32, #tpu.memory_space<vmem>>, vector<16xi32>,
    %mul3A_212 = arith.constant 32 : i32
    %mul3A_213 = arith.muli %add3A, %mul3A_212 : i32
    "tpu.region"() ({
      %run_scoped3A = tpu.sem_alloc : memref<!tpu.dma_semaphore, #tpu.memory_space<semaphore_mem>>
      %dma_start3A = tpu.memref_slice %arg4[%mul3A_213] : memref<1024xi32, #tpu.memory_space<hbm>> -> memref<32xi32, #tpu.memory_space<hbm>>
      %dma_start3A_216 = tpu.memref_slice %arg4[%mul3A_213] : memref<1024xi32, #tpu.memory_space<hbm>> -> memref<32xi32, #tpu.memory_space<hbm>>
      tpu.enqueue_dma source(%arg7 : memref<32xi32, #tpu.memory_space<vmem>>) target(%dma_start3A_216 : memref<32xi32, #tpu.memory_space<hbm>>) target_semaphore(%run_scoped3A : memref<!tpu.dma_semaphore, #tpu.memory_space<semaphore_mem>>)
      %dma_wait3A = tpu.memref_slice %arg4[%mul3A_213] : memref<1024xi32, #tpu.memory_space<hbm>> -> memref<32xi32, #tpu.memory_space<hbm>>
      %dma_wait3A_217 = tpu.memref_slice %arg4[%mul3A_213] : memref<1024xi32, #tpu.memory_space<hbm>> -> memref<32xi32, #tpu.memory_space<hbm>>
      tpu.wait_dma2 semaphore(%run_scoped3A : memref<!tpu.dma_semaphore, #tpu.memory_space<semaphore_mem>>) src(%arg7 : memref<32xi32, #tpu.memory_space<vmem>>) dst(%dma_wait3A_217 : memref<32xi32, #tpu.memory_space<hbm>>)
      tpu.yield
    }) : () -> ()
    %mul3A_214 = arith.constant 32 : i32
    %mul3A_215 = arith.muli %add3A, %mul3A_214 : i32
    "tpu.region"() ({
      %run_scoped3A = tpu.sem_alloc : memref<!tpu.dma_semaphore, #tpu.memory_space<semaphore_mem>>
      %dma_start3A = tpu.memref_slice %arg5[%mul3A_215] : memref<1024xi32, #tpu.memory_space<hbm>> -> memref<32xi32, #tpu.memory_space<hbm>>
      %dma_start3A_216 = tpu.memref_slice %arg5[%mul3A_215] : memref<1024xi32, #tpu.memory_space<hbm>> -> memref<32xi32, #tpu.memory_space<hbm>>
      tpu.enqueue_dma source(%arg8 : memref<32xi32, #tpu.memory_space<vmem>>) target(%dma_start3A_216 : memref<32xi32, #tpu.memory_space<hbm>>) target_semaphore(%run_scoped3A : memref<!tpu.dma_semaphore, #tpu.memory_space<semaphore_mem>>)
      %dma_wait3A = tpu.memref_slice %arg5[%mul3A_215] : memref<1024xi32, #tpu.memory_space<hbm>> -> memref<32xi32, #tpu.memory_space<hbm>>
      %dma_wait3A_217 = tpu.memref_slice %arg5[%mul3A_215] : memref<1024xi32, #tpu.memory_space<hbm>> -> memref<32xi32, #tpu.memory_space<hbm>>
      tpu.wait_dma2 semaphore(%run_scoped3A : memref<!tpu.dma_semaphore, #tpu.memory_space<semaphore_mem>>) src(%arg8 : memref<32xi32, #tpu.memory_space<vmem>>) dst(%dma_wait3A_217 : memref<32xi32, #tpu.memory_space<hbm>>)
      tpu.yield
    }) : () -> ()
    return
  }
}

module attributes {stable_mosaic.version = 14 : i64} {
  func.func @_gather_body(%arg0: i32, %arg1: memref<1024xi32, #tpu.memory_space<smem>>, %arg2: memref<1024xi32, #tpu.memory_space<smem>>, %arg3: memref<85x8x128xf32, #tpu.memory_space<vmem>>, %arg4: memref<85x8x128xf32, #tpu.memory_space<vmem>>, %arg5: memref<85x8x128xf32, #tpu.memory_space<vmem>>, %arg6: memref<85x8x128xf32, #tpu.memory_space<vmem>>, %arg7: memref<85x8x128xf32, #tpu.memory_space<vmem>>, %arg8: memref<85x8x128xf32, #tpu.memory_space<vmem>>, %arg9: memref<85x8x128xf32, #tpu.memory_space<vmem>>, %arg10: memref<85x8x128xf32, #tpu.memory_space<vmem>>, %arg11: memref<85x8x128xf32, #tpu.memory_space<vmem>>, %arg12: memref<85x8x128xf32, #tpu.memory_space<vmem>>, %arg13: memref<85x8x128xf32, #tpu.memory_space<vmem>>, %arg14: memref<85x8x128xf32, #tpu.memory_space<vmem>>, %arg15: memref<85x8x128xf32, #tpu.memory_space<vmem>>, %arg16: memref<85x8x128xf32, #tpu.memory_space<vmem>>, %arg17: memref<85x8x128xf32, #tpu.memory_space<vmem>>, %arg18: memref<85x8x128xf32, #tpu.memory_space<vmem>>, %arg19: memref<85x8x128xf32, #tpu.memory_space<vmem>>, %arg20: memref<85x8x128xf32, #tpu.memory_space<vmem>>, %arg21: memref<85x8x128xf32, #tpu.memory_space<vmem>>, %arg22: memref<85x8x128xf32, #tpu.memory_space<vmem>>, %arg23: memref<1x20x128xf32, #tpu.memory_space<vmem>>) attributes {dimension_semantics = [#tpu.dimension_semantics<arbitrary>], iteration_bounds = array<i64: 32>, scalar_prefetch = 2 : i64, scratch_operands = 0 : i64, tpu.core_type = #tpu.core_type<tc>, window_params = [{transform_indices = @transform_0, window_bounds = array<i64: 85, 8, 128>}, {transform_indices = @transform_1, window_bounds = array<i64: 85, 8, 128>}, {transform_indices = @transform_2, window_bounds = array<i64: 85, 8, 128>}, {transform_indices = @transform_3, window_bounds = array<i64: 85, 8, 128>}, {transform_indices = @transform_4, window_bounds = array<i64: 85, 8, 128>}, {transform_indices = @transform_5, window_bounds = array<i64: 85, 8, 128>}, {transform_indices = @transform_6, window_bounds = array<i64: 85, 8, 128>}, {transform_indices = @transform_7, window_bounds = array<i64: 85, 8, 128>}, {transform_indices = @transform_8, window_bounds = array<i64: 85, 8, 128>}, {transform_indices = @transform_9, window_bounds = array<i64: 85, 8, 128>}, {transform_indices = @transform_10, window_bounds = array<i64: 85, 8, 128>}, {transform_indices = @transform_11, window_bounds = array<i64: 85, 8, 128>}, {transform_indices = @transform_12, window_bounds = array<i64: 85, 8, 128>}, {transform_indices = @transform_13, window_bounds = array<i64: 85, 8, 128>}, {transform_indices = @transform_14, window_bounds = array<i64: 85, 8, 128>}, {transform_indices = @transform_15, window_bounds = array<i64: 85, 8, 128>}, {transform_indices = @transform_16, window_bounds = array<i64: 85, 8, 128>}, {transform_indices = @transform_17, window_bounds = array<i64: 85, 8, 128>}, {transform_indices = @transform_18, window_bounds = array<i64: 85, 8, 128>}, {transform_indices = @transform_19, window_bounds = array<i64: 85, 8, 128>}, {transform_indices = @transform_20, window_bounds = array<i64: 1, 20, 128>}]} {
    %iota3A = tpu.iota {dimensions = array<i32: 1>} : vector<1x128xi32>
    %mul3A = arith.constant 20 : i32
    %mul3A_0 = arith.muli %arg0, %mul3A : i32
    %add3A = arith.constant 0 : i32
    %add3A_1 = arith.addi %mul3A_0, %add3A : i32
    %get3A = arith.index_cast %add3A_1 : i32 to index
    %get3A_2 = memref.load %arg1[%get3A] : memref<1024xi32, #tpu.memory_space<smem>>
    %and3A = arith.constant 7 : i32
    %and3A_3 = arith.andi %get3A_2, %and3A : i32
    %get3A_4 = arith.index_cast %add3A_1 : i32 to index
    %get3A_5 = memref.load %arg2[%get3A_4] : memref<1024xi32, #tpu.memory_space<smem>>
    %and3A_6 = arith.constant 127 : i32
    %and3A_7 = arith.andi %get3A_5, %and3A_6 : i32
    %get3A_8 = arith.constant 0 : index
    %get3A_9 = arith.index_cast %and3A_3 : i32 to index
    %get3A_10 = arith.constant 0 : index
    %get3A_11 = vector.load %arg3[%get3A_8, %get3A_9, %get3A_10] : memref<85x8x128xf32, #tpu.memory_space<vmem>>, vector<85x1x128xf32>
    %squeeze3A = vector.shape_cast %get3A_11 : vector<85x1x128xf32> to vector<85x128xf32>
    %eq3A = vector.broadcast %and3A_7 : i32 to vector<1x128xi32>
    %eq3A_12 = arith.cmpi eq, %iota3A, %eq3A : vector<1x128xi32>
    %jit3A = arith.constant 1.000000e+00 : f32
    %jit3A_13 = arith.constant 0.000000e+00 : f32
    %broadcast_in_dim3A = vector.broadcast %jit3A : f32 to vector<1x128xf32>
    %broadcast_in_dim3A_14 = vector.broadcast %jit3A_13 : f32 to vector<1x128xf32>
    %select_n3A = arith.select %eq3A_12, %broadcast_in_dim3A, %broadcast_in_dim3A_14 : vector<1x128xi1>, vector<1x128xf32>
    %dot_general3A = arith.constant dense<0.000000e+00> : vector<1x85xf32>
    %dot_general3A_15 = tpu.matmul %select_n3A, %squeeze3A, %dot_general3A {dimension_numbers = #tpu.dot_dimension_numbers<[1], [1], [0], [0], [0, 0, 1, 0], [], []>, transpose_lhs_hint = false} : vector<1x128xf32>, vector<85x128xf32>, vector<1x85xf32> -> vector<1x85xf32>
    %swap3A = arith.constant 0 : index
    %swap3A_16 = arith.constant 0 : index
    %swap3A_17 = arith.constant 0 : index
    %swap3A_18 = vector.load %arg23[%swap3A, %swap3A_16, %swap3A_17] : memref<1x20x128xf32, #tpu.memory_space<vmem>>, vector<1x1x85xf32>
    %swap3A_19 = vector.shape_cast %swap3A_18 : vector<1x1x85xf32> to vector<1x85xf32>
    %swap3A_20 = vector.shape_cast %dot_general3A_15 : vector<1x85xf32> to vector<1x1x85xf32>
    tpu.vector_store %arg23[%swap3A, %swap3A_16, %swap3A_17], %swap3A_20 {strides = array<i32>} : memref<1x20x128xf32, #tpu.memory_space<vmem>>, vector<1x1x85xf32>,
    %mul3A_21 = arith.constant 20 : i32
    %mul3A_22 = arith.muli %arg0, %mul3A_21 : i32
    %add3A_23 = arith.constant 1 : i32
    %add3A_24 = arith.addi %mul3A_22, %add3A_23 : i32
    %get3A_25 = arith.index_cast %add3A_24 : i32 to index
    %get3A_26 = memref.load %arg1[%get3A_25] : memref<1024xi32, #tpu.memory_space<smem>>
    %and3A_27 = arith.constant 7 : i32
    %and3A_28 = arith.andi %get3A_26, %and3A_27 : i32
    %get3A_29 = arith.index_cast %add3A_24 : i32 to index
    %get3A_30 = memref.load %arg2[%get3A_29] : memref<1024xi32, #tpu.memory_space<smem>>
    %and3A_31 = arith.constant 127 : i32
    %and3A_32 = arith.andi %get3A_30, %and3A_31 : i32
    %get3A_33 = arith.constant 0 : index
    %get3A_34 = arith.index_cast %and3A_28 : i32 to index
    %get3A_35 = arith.constant 0 : index
    %get3A_36 = vector.load %arg4[%get3A_33, %get3A_34, %get3A_35] : memref<85x8x128xf32, #tpu.memory_space<vmem>>, vector<85x1x128xf32>
    %squeeze3A_37 = vector.shape_cast %get3A_36 : vector<85x1x128xf32> to vector<85x128xf32>
    %eq3A_38 = vector.broadcast %and3A_32 : i32 to vector<1x128xi32>
    %eq3A_39 = arith.cmpi eq, %iota3A, %eq3A_38 : vector<1x128xi32>
    %jit3A_40 = arith.constant 1.000000e+00 : f32
    %jit3A_41 = arith.constant 0.000000e+00 : f32
    %broadcast_in_dim3A_42 = vector.broadcast %jit3A_40 : f32 to vector<1x128xf32>
    %broadcast_in_dim3A_43 = vector.broadcast %jit3A_41 : f32 to vector<1x128xf32>
    %select_n3A_44 = arith.select %eq3A_39, %broadcast_in_dim3A_42, %broadcast_in_dim3A_43 : vector<1x128xi1>, vector<1x128xf32>
    %dot_general3A_45 = arith.constant dense<0.000000e+00> : vector<1x85xf32>
    %dot_general3A_46 = tpu.matmul %select_n3A_44, %squeeze3A_37, %dot_general3A_45 {dimension_numbers = #tpu.dot_dimension_numbers<[1], [1], [0], [0], [0, 0, 1, 0], [], []>, transpose_lhs_hint = false} : vector<1x128xf32>, vector<85x128xf32>, vector<1x85xf32> -> vector<1x85xf32>
    %swap3A_47 = arith.constant 0 : index
    %swap3A_48 = arith.constant 1 : index
    %swap3A_49 = arith.constant 0 : index
    %swap3A_50 = vector.load %arg23[%swap3A_47, %swap3A_48, %swap3A_49] : memref<1x20x128xf32, #tpu.memory_space<vmem>>, vector<1x1x85xf32>
    %swap3A_51 = vector.shape_cast %swap3A_50 : vector<1x1x85xf32> to vector<1x85xf32>
    %swap3A_52 = vector.shape_cast %dot_general3A_46 : vector<1x85xf32> to vector<1x1x85xf32>
    tpu.vector_store %arg23[%swap3A_47, %swap3A_48, %swap3A_49], %swap3A_52 {strides = array<i32>} : memref<1x20x128xf32, #tpu.memory_space<vmem>>, vector<1x1x85xf32>,
    %mul3A_53 = arith.constant 20 : i32
    %mul3A_54 = arith.muli %arg0, %mul3A_53 : i32
    %add3A_55 = arith.constant 2 : i32
    %add3A_56 = arith.addi %mul3A_54, %add3A_55 : i32
    %get3A_57 = arith.index_cast %add3A_56 : i32 to index
    %get3A_58 = memref.load %arg1[%get3A_57] : memref<1024xi32, #tpu.memory_space<smem>>
    %and3A_59 = arith.constant 7 : i32
    %and3A_60 = arith.andi %get3A_58, %and3A_59 : i32
    %get3A_61 = arith.index_cast %add3A_56 : i32 to index
    %get3A_62 = memref.load %arg2[%get3A_61] : memref<1024xi32, #tpu.memory_space<smem>>
    %and3A_63 = arith.constant 127 : i32
    %and3A_64 = arith.andi %get3A_62, %and3A_63 : i32
    %get3A_65 = arith.constant 0 : index
    %get3A_66 = arith.index_cast %and3A_60 : i32 to index
    %get3A_67 = arith.constant 0 : index
    %get3A_68 = vector.load %arg5[%get3A_65, %get3A_66, %get3A_67] : memref<85x8x128xf32, #tpu.memory_space<vmem>>, vector<85x1x128xf32>
    %squeeze3A_69 = vector.shape_cast %get3A_68 : vector<85x1x128xf32> to vector<85x128xf32>
    %eq3A_70 = vector.broadcast %and3A_64 : i32 to vector<1x128xi32>
    %eq3A_71 = arith.cmpi eq, %iota3A, %eq3A_70 : vector<1x128xi32>
    %jit3A_72 = arith.constant 1.000000e+00 : f32
    %jit3A_73 = arith.constant 0.000000e+00 : f32
    %broadcast_in_dim3A_74 = vector.broadcast %jit3A_72 : f32 to vector<1x128xf32>
    %broadcast_in_dim3A_75 = vector.broadcast %jit3A_73 : f32 to vector<1x128xf32>
    %select_n3A_76 = arith.select %eq3A_71, %broadcast_in_dim3A_74, %broadcast_in_dim3A_75 : vector<1x128xi1>, vector<1x128xf32>
    %dot_general3A_77 = arith.constant dense<0.000000e+00> : vector<1x85xf32>
    %dot_general3A_78 = tpu.matmul %select_n3A_76, %squeeze3A_69, %dot_general3A_77 {dimension_numbers = #tpu.dot_dimension_numbers<[1], [1], [0], [0], [0, 0, 1, 0], [], []>, transpose_lhs_hint = false} : vector<1x128xf32>, vector<85x128xf32>, vector<1x85xf32> -> vector<1x85xf32>
    %swap3A_79 = arith.constant 0 : index
    %swap3A_80 = arith.constant 2 : index
    %swap3A_81 = arith.constant 0 : index
    %swap3A_82 = vector.load %arg23[%swap3A_79, %swap3A_80, %swap3A_81] : memref<1x20x128xf32, #tpu.memory_space<vmem>>, vector<1x1x85xf32>
    %swap3A_83 = vector.shape_cast %swap3A_82 : vector<1x1x85xf32> to vector<1x85xf32>
    %swap3A_84 = vector.shape_cast %dot_general3A_78 : vector<1x85xf32> to vector<1x1x85xf32>
    tpu.vector_store %arg23[%swap3A_79, %swap3A_80, %swap3A_81], %swap3A_84 {strides = array<i32>} : memref<1x20x128xf32, #tpu.memory_space<vmem>>, vector<1x1x85xf32>,
    %mul3A_85 = arith.constant 20 : i32
    %mul3A_86 = arith.muli %arg0, %mul3A_85 : i32
    %add3A_87 = arith.constant 3 : i32
    %add3A_88 = arith.addi %mul3A_86, %add3A_87 : i32
    %get3A_89 = arith.index_cast %add3A_88 : i32 to index
    %get3A_90 = memref.load %arg1[%get3A_89] : memref<1024xi32, #tpu.memory_space<smem>>
    %and3A_91 = arith.constant 7 : i32
    %and3A_92 = arith.andi %get3A_90, %and3A_91 : i32
    %get3A_93 = arith.index_cast %add3A_88 : i32 to index
    %get3A_94 = memref.load %arg2[%get3A_93] : memref<1024xi32, #tpu.memory_space<smem>>
    %and3A_95 = arith.constant 127 : i32
    %and3A_96 = arith.andi %get3A_94, %and3A_95 : i32
    %get3A_97 = arith.constant 0 : index
    %get3A_98 = arith.index_cast %and3A_92 : i32 to index
    %get3A_99 = arith.constant 0 : index
    %get3A_100 = vector.load %arg6[%get3A_97, %get3A_98, %get3A_99] : memref<85x8x128xf32, #tpu.memory_space<vmem>>, vector<85x1x128xf32>
    %squeeze3A_101 = vector.shape_cast %get3A_100 : vector<85x1x128xf32> to vector<85x128xf32>
    %eq3A_102 = vector.broadcast %and3A_96 : i32 to vector<1x128xi32>
    %eq3A_103 = arith.cmpi eq, %iota3A, %eq3A_102 : vector<1x128xi32>
    %jit3A_104 = arith.constant 1.000000e+00 : f32
    %jit3A_105 = arith.constant 0.000000e+00 : f32
    %broadcast_in_dim3A_106 = vector.broadcast %jit3A_104 : f32 to vector<1x128xf32>
    %broadcast_in_dim3A_107 = vector.broadcast %jit3A_105 : f32 to vector<1x128xf32>
    %select_n3A_108 = arith.select %eq3A_103, %broadcast_in_dim3A_106, %broadcast_in_dim3A_107 : vector<1x128xi1>, vector<1x128xf32>
    %dot_general3A_109 = arith.constant dense<0.000000e+00> : vector<1x85xf32>
    %dot_general3A_110 = tpu.matmul %select_n3A_108, %squeeze3A_101, %dot_general3A_109 {dimension_numbers = #tpu.dot_dimension_numbers<[1], [1], [0], [0], [0, 0, 1, 0], [], []>, transpose_lhs_hint = false} : vector<1x128xf32>, vector<85x128xf32>, vector<1x85xf32> -> vector<1x85xf32>
    %swap3A_111 = arith.constant 0 : index
    %swap3A_112 = arith.constant 3 : index
    %swap3A_113 = arith.constant 0 : index
    %swap3A_114 = vector.load %arg23[%swap3A_111, %swap3A_112, %swap3A_113] : memref<1x20x128xf32, #tpu.memory_space<vmem>>, vector<1x1x85xf32>
    %swap3A_115 = vector.shape_cast %swap3A_114 : vector<1x1x85xf32> to vector<1x85xf32>
    %swap3A_116 = vector.shape_cast %dot_general3A_110 : vector<1x85xf32> to vector<1x1x85xf32>
    tpu.vector_store %arg23[%swap3A_111, %swap3A_112, %swap3A_113], %swap3A_116 {strides = array<i32>} : memref<1x20x128xf32, #tpu.memory_space<vmem>>, vector<1x1x85xf32>,
    %mul3A_117 = arith.constant 20 : i32
    %mul3A_118 = arith.muli %arg0, %mul3A_117 : i32
    %add3A_119 = arith.constant 4 : i32
    %add3A_120 = arith.addi %mul3A_118, %add3A_119 : i32
    %get3A_121 = arith.index_cast %add3A_120 : i32 to index
    %get3A_122 = memref.load %arg1[%get3A_121] : memref<1024xi32, #tpu.memory_space<smem>>
    %and3A_123 = arith.constant 7 : i32
    %and3A_124 = arith.andi %get3A_122, %and3A_123 : i32
    %get3A_125 = arith.index_cast %add3A_120 : i32 to index
    %get3A_126 = memref.load %arg2[%get3A_125] : memref<1024xi32, #tpu.memory_space<smem>>
    %and3A_127 = arith.constant 127 : i32
    %and3A_128 = arith.andi %get3A_126, %and3A_127 : i32
    %get3A_129 = arith.constant 0 : index
    %get3A_130 = arith.index_cast %and3A_124 : i32 to index
    %get3A_131 = arith.constant 0 : index
    %get3A_132 = vector.load %arg7[%get3A_129, %get3A_130, %get3A_131] : memref<85x8x128xf32, #tpu.memory_space<vmem>>, vector<85x1x128xf32>
    %squeeze3A_133 = vector.shape_cast %get3A_132 : vector<85x1x128xf32> to vector<85x128xf32>
    %eq3A_134 = vector.broadcast %and3A_128 : i32 to vector<1x128xi32>
    %eq3A_135 = arith.cmpi eq, %iota3A, %eq3A_134 : vector<1x128xi32>
    %jit3A_136 = arith.constant 1.000000e+00 : f32
    %jit3A_137 = arith.constant 0.000000e+00 : f32
    %broadcast_in_dim3A_138 = vector.broadcast %jit3A_136 : f32 to vector<1x128xf32>
    %broadcast_in_dim3A_139 = vector.broadcast %jit3A_137 : f32 to vector<1x128xf32>
    %select_n3A_140 = arith.select %eq3A_135, %broadcast_in_dim3A_138, %broadcast_in_dim3A_139 : vector<1x128xi1>, vector<1x128xf32>
    %dot_general3A_141 = arith.constant dense<0.000000e+00> : vector<1x85xf32>
    %dot_general3A_142 = tpu.matmul %select_n3A_140, %squeeze3A_133, %dot_general3A_141 {dimension_numbers = #tpu.dot_dimension_numbers<[1], [1], [0], [0], [0, 0, 1, 0], [], []>, transpose_lhs_hint = false} : vector<1x128xf32>, vector<85x128xf32>, vector<1x85xf32> -> vector<1x85xf32>
    %swap3A_143 = arith.constant 0 : index
    %swap3A_144 = arith.constant 4 : index
    %swap3A_145 = arith.constant 0 : index
    %swap3A_146 = vector.load %arg23[%swap3A_143, %swap3A_144, %swap3A_145] : memref<1x20x128xf32, #tpu.memory_space<vmem>>, vector<1x1x85xf32>
    %swap3A_147 = vector.shape_cast %swap3A_146 : vector<1x1x85xf32> to vector<1x85xf32>
    %swap3A_148 = vector.shape_cast %dot_general3A_142 : vector<1x85xf32> to vector<1x1x85xf32>
    tpu.vector_store %arg23[%swap3A_143, %swap3A_144, %swap3A_145], %swap3A_148 {strides = array<i32>} : memref<1x20x128xf32, #tpu.memory_space<vmem>>, vector<1x1x85xf32>,
    %mul3A_149 = arith.constant 20 : i32
    %mul3A_150 = arith.muli %arg0, %mul3A_149 : i32
    %add3A_151 = arith.constant 5 : i32
    %add3A_152 = arith.addi %mul3A_150, %add3A_151 : i32
    %get3A_153 = arith.index_cast %add3A_152 : i32 to index
    %get3A_154 = memref.load %arg1[%get3A_153] : memref<1024xi32, #tpu.memory_space<smem>>
    %and3A_155 = arith.constant 7 : i32
    %and3A_156 = arith.andi %get3A_154, %and3A_155 : i32
    %get3A_157 = arith.index_cast %add3A_152 : i32 to index
    %get3A_158 = memref.load %arg2[%get3A_157] : memref<1024xi32, #tpu.memory_space<smem>>
    %and3A_159 = arith.constant 127 : i32
    %and3A_160 = arith.andi %get3A_158, %and3A_159 : i32
    %get3A_161 = arith.constant 0 : index
    %get3A_162 = arith.index_cast %and3A_156 : i32 to index
    %get3A_163 = arith.constant 0 : index
    %get3A_164 = vector.load %arg8[%get3A_161, %get3A_162, %get3A_163] : memref<85x8x128xf32, #tpu.memory_space<vmem>>, vector<85x1x128xf32>
    %squeeze3A_165 = vector.shape_cast %get3A_164 : vector<85x1x128xf32> to vector<85x128xf32>
    %eq3A_166 = vector.broadcast %and3A_160 : i32 to vector<1x128xi32>
    %eq3A_167 = arith.cmpi eq, %iota3A, %eq3A_166 : vector<1x128xi32>
    %jit3A_168 = arith.constant 1.000000e+00 : f32
    %jit3A_169 = arith.constant 0.000000e+00 : f32
    %broadcast_in_dim3A_170 = vector.broadcast %jit3A_168 : f32 to vector<1x128xf32>
    %broadcast_in_dim3A_171 = vector.broadcast %jit3A_169 : f32 to vector<1x128xf32>
    %select_n3A_172 = arith.select %eq3A_167, %broadcast_in_dim3A_170, %broadcast_in_dim3A_171 : vector<1x128xi1>, vector<1x128xf32>
    %dot_general3A_173 = arith.constant dense<0.000000e+00> : vector<1x85xf32>
    %dot_general3A_174 = tpu.matmul %select_n3A_172, %squeeze3A_165, %dot_general3A_173 {dimension_numbers = #tpu.dot_dimension_numbers<[1], [1], [0], [0], [0, 0, 1, 0], [], []>, transpose_lhs_hint = false} : vector<1x128xf32>, vector<85x128xf32>, vector<1x85xf32> -> vector<1x85xf32>
    %swap3A_175 = arith.constant 0 : index
    %swap3A_176 = arith.constant 5 : index
    %swap3A_177 = arith.constant 0 : index
    %swap3A_178 = vector.load %arg23[%swap3A_175, %swap3A_176, %swap3A_177] : memref<1x20x128xf32, #tpu.memory_space<vmem>>, vector<1x1x85xf32>
    %swap3A_179 = vector.shape_cast %swap3A_178 : vector<1x1x85xf32> to vector<1x85xf32>
    %swap3A_180 = vector.shape_cast %dot_general3A_174 : vector<1x85xf32> to vector<1x1x85xf32>
    tpu.vector_store %arg23[%swap3A_175, %swap3A_176, %swap3A_177], %swap3A_180 {strides = array<i32>} : memref<1x20x128xf32, #tpu.memory_space<vmem>>, vector<1x1x85xf32>,
    %mul3A_181 = arith.constant 20 : i32
    %mul3A_182 = arith.muli %arg0, %mul3A_181 : i32
    %add3A_183 = arith.constant 6 : i32
    %add3A_184 = arith.addi %mul3A_182, %add3A_183 : i32
    %get3A_185 = arith.index_cast %add3A_184 : i32 to index
    %get3A_186 = memref.load %arg1[%get3A_185] : memref<1024xi32, #tpu.memory_space<smem>>
    %and3A_187 = arith.constant 7 : i32
    %and3A_188 = arith.andi %get3A_186, %and3A_187 : i32
    %get3A_189 = arith.index_cast %add3A_184 : i32 to index
    %get3A_190 = memref.load %arg2[%get3A_189] : memref<1024xi32, #tpu.memory_space<smem>>
    %and3A_191 = arith.constant 127 : i32
    %and3A_192 = arith.andi %get3A_190, %and3A_191 : i32
    %get3A_193 = arith.constant 0 : index
    %get3A_194 = arith.index_cast %and3A_188 : i32 to index
    %get3A_195 = arith.constant 0 : index
    %get3A_196 = vector.load %arg9[%get3A_193, %get3A_194, %get3A_195] : memref<85x8x128xf32, #tpu.memory_space<vmem>>, vector<85x1x128xf32>
    %squeeze3A_197 = vector.shape_cast %get3A_196 : vector<85x1x128xf32> to vector<85x128xf32>
    %eq3A_198 = vector.broadcast %and3A_192 : i32 to vector<1x128xi32>
    %eq3A_199 = arith.cmpi eq, %iota3A, %eq3A_198 : vector<1x128xi32>
    %jit3A_200 = arith.constant 1.000000e+00 : f32
    %jit3A_201 = arith.constant 0.000000e+00 : f32
    %broadcast_in_dim3A_202 = vector.broadcast %jit3A_200 : f32 to vector<1x128xf32>
    %broadcast_in_dim3A_203 = vector.broadcast %jit3A_201 : f32 to vector<1x128xf32>
    %select_n3A_204 = arith.select %eq3A_199, %broadcast_in_dim3A_202, %broadcast_in_dim3A_203 : vector<1x128xi1>, vector<1x128xf32>
    %dot_general3A_205 = arith.constant dense<0.000000e+00> : vector<1x85xf32>
    %dot_general3A_206 = tpu.matmul %select_n3A_204, %squeeze3A_197, %dot_general3A_205 {dimension_numbers = #tpu.dot_dimension_numbers<[1], [1], [0], [0], [0, 0, 1, 0], [], []>, transpose_lhs_hint = false} : vector<1x128xf32>, vector<85x128xf32>, vector<1x85xf32> -> vector<1x85xf32>
    %swap3A_207 = arith.constant 0 : index
    %swap3A_208 = arith.constant 6 : index
    %swap3A_209 = arith.constant 0 : index
    %swap3A_210 = vector.load %arg23[%swap3A_207, %swap3A_208, %swap3A_209] : memref<1x20x128xf32, #tpu.memory_space<vmem>>, vector<1x1x85xf32>
    %swap3A_211 = vector.shape_cast %swap3A_210 : vector<1x1x85xf32> to vector<1x85xf32>
    %swap3A_212 = vector.shape_cast %dot_general3A_206 : vector<1x85xf32> to vector<1x1x85xf32>
    tpu.vector_store %arg23[%swap3A_207, %swap3A_208, %swap3A_209], %swap3A_212 {strides = array<i32>} : memref<1x20x128xf32, #tpu.memory_space<vmem>>, vector<1x1x85xf32>,
    %mul3A_213 = arith.constant 20 : i32
    %mul3A_214 = arith.muli %arg0, %mul3A_213 : i32
    %add3A_215 = arith.constant 7 : i32
    %add3A_216 = arith.addi %mul3A_214, %add3A_215 : i32
    %get3A_217 = arith.index_cast %add3A_216 : i32 to index
    %get3A_218 = memref.load %arg1[%get3A_217] : memref<1024xi32, #tpu.memory_space<smem>>
    %and3A_219 = arith.constant 7 : i32
    %and3A_220 = arith.andi %get3A_218, %and3A_219 : i32
    %get3A_221 = arith.index_cast %add3A_216 : i32 to index
    %get3A_222 = memref.load %arg2[%get3A_221] : memref<1024xi32, #tpu.memory_space<smem>>
    %and3A_223 = arith.constant 127 : i32
    %and3A_224 = arith.andi %get3A_222, %and3A_223 : i32
    %get3A_225 = arith.constant 0 : index
    %get3A_226 = arith.index_cast %and3A_220 : i32 to index
    %get3A_227 = arith.constant 0 : index
    %get3A_228 = vector.load %arg10[%get3A_225, %get3A_226, %get3A_227] : memref<85x8x128xf32, #tpu.memory_space<vmem>>, vector<85x1x128xf32>
    %squeeze3A_229 = vector.shape_cast %get3A_228 : vector<85x1x128xf32> to vector<85x128xf32>
    %eq3A_230 = vector.broadcast %and3A_224 : i32 to vector<1x128xi32>
    %eq3A_231 = arith.cmpi eq, %iota3A, %eq3A_230 : vector<1x128xi32>
    %jit3A_232 = arith.constant 1.000000e+00 : f32
    %jit3A_233 = arith.constant 0.000000e+00 : f32
    %broadcast_in_dim3A_234 = vector.broadcast %jit3A_232 : f32 to vector<1x128xf32>
    %broadcast_in_dim3A_235 = vector.broadcast %jit3A_233 : f32 to vector<1x128xf32>
    %select_n3A_236 = arith.select %eq3A_231, %broadcast_in_dim3A_234, %broadcast_in_dim3A_235 : vector<1x128xi1>, vector<1x128xf32>
    %dot_general3A_237 = arith.constant dense<0.000000e+00> : vector<1x85xf32>
    %dot_general3A_238 = tpu.matmul %select_n3A_236, %squeeze3A_229, %dot_general3A_237 {dimension_numbers = #tpu.dot_dimension_numbers<[1], [1], [0], [0], [0, 0, 1, 0], [], []>, transpose_lhs_hint = false} : vector<1x128xf32>, vector<85x128xf32>, vector<1x85xf32> -> vector<1x85xf32>
    %swap3A_239 = arith.constant 0 : index
    %swap3A_240 = arith.constant 7 : index
    %swap3A_241 = arith.constant 0 : index
    %swap3A_242 = vector.load %arg23[%swap3A_239, %swap3A_240, %swap3A_241] : memref<1x20x128xf32, #tpu.memory_space<vmem>>, vector<1x1x85xf32>
    %swap3A_243 = vector.shape_cast %swap3A_242 : vector<1x1x85xf32> to vector<1x85xf32>
    %swap3A_244 = vector.shape_cast %dot_general3A_238 : vector<1x85xf32> to vector<1x1x85xf32>
    tpu.vector_store %arg23[%swap3A_239, %swap3A_240, %swap3A_241], %swap3A_244 {strides = array<i32>} : memref<1x20x128xf32, #tpu.memory_space<vmem>>, vector<1x1x85xf32>,
    %mul3A_245 = arith.constant 20 : i32
    %mul3A_246 = arith.muli %arg0, %mul3A_245 : i32
    %add3A_247 = arith.constant 8 : i32
    %add3A_248 = arith.addi %mul3A_246, %add3A_247 : i32
    %get3A_249 = arith.index_cast %add3A_248 : i32 to index
    %get3A_250 = memref.load %arg1[%get3A_249] : memref<1024xi32, #tpu.memory_space<smem>>
    %and3A_251 = arith.constant 7 : i32
    %and3A_252 = arith.andi %get3A_250, %and3A_251 : i32
    %get3A_253 = arith.index_cast %add3A_248 : i32 to index
    %get3A_254 = memref.load %arg2[%get3A_253] : memref<1024xi32, #tpu.memory_space<smem>>
    %and3A_255 = arith.constant 127 : i32
    %and3A_256 = arith.andi %get3A_254, %and3A_255 : i32
    %get3A_257 = arith.constant 0 : index
    %get3A_258 = arith.index_cast %and3A_252 : i32 to index
    %get3A_259 = arith.constant 0 : index
    %get3A_260 = vector.load %arg11[%get3A_257, %get3A_258, %get3A_259] : memref<85x8x128xf32, #tpu.memory_space<vmem>>, vector<85x1x128xf32>
    %squeeze3A_261 = vector.shape_cast %get3A_260 : vector<85x1x128xf32> to vector<85x128xf32>
    %eq3A_262 = vector.broadcast %and3A_256 : i32 to vector<1x128xi32>
    %eq3A_263 = arith.cmpi eq, %iota3A, %eq3A_262 : vector<1x128xi32>
    %jit3A_264 = arith.constant 1.000000e+00 : f32
    %jit3A_265 = arith.constant 0.000000e+00 : f32
    %broadcast_in_dim3A_266 = vector.broadcast %jit3A_264 : f32 to vector<1x128xf32>
    %broadcast_in_dim3A_267 = vector.broadcast %jit3A_265 : f32 to vector<1x128xf32>
    %select_n3A_268 = arith.select %eq3A_263, %broadcast_in_dim3A_266, %broadcast_in_dim3A_267 : vector<1x128xi1>, vector<1x128xf32>
    %dot_general3A_269 = arith.constant dense<0.000000e+00> : vector<1x85xf32>
    %dot_general3A_270 = tpu.matmul %select_n3A_268, %squeeze3A_261, %dot_general3A_269 {dimension_numbers = #tpu.dot_dimension_numbers<[1], [1], [0], [0], [0, 0, 1, 0], [], []>, transpose_lhs_hint = false} : vector<1x128xf32>, vector<85x128xf32>, vector<1x85xf32> -> vector<1x85xf32>
    %swap3A_271 = arith.constant 0 : index
    %swap3A_272 = arith.constant 8 : index
    %swap3A_273 = arith.constant 0 : index
    %swap3A_274 = vector.load %arg23[%swap3A_271, %swap3A_272, %swap3A_273] : memref<1x20x128xf32, #tpu.memory_space<vmem>>, vector<1x1x85xf32>
    %swap3A_275 = vector.shape_cast %swap3A_274 : vector<1x1x85xf32> to vector<1x85xf32>
    %swap3A_276 = vector.shape_cast %dot_general3A_270 : vector<1x85xf32> to vector<1x1x85xf32>
    tpu.vector_store %arg23[%swap3A_271, %swap3A_272, %swap3A_273], %swap3A_276 {strides = array<i32>} : memref<1x20x128xf32, #tpu.memory_space<vmem>>, vector<1x1x85xf32>,
    %mul3A_277 = arith.constant 20 : i32
    %mul3A_278 = arith.muli %arg0, %mul3A_277 : i32
    %add3A_279 = arith.constant 9 : i32
    %add3A_280 = arith.addi %mul3A_278, %add3A_279 : i32
    %get3A_281 = arith.index_cast %add3A_280 : i32 to index
    %get3A_282 = memref.load %arg1[%get3A_281] : memref<1024xi32, #tpu.memory_space<smem>>
    %and3A_283 = arith.constant 7 : i32
    %and3A_284 = arith.andi %get3A_282, %and3A_283 : i32
    %get3A_285 = arith.index_cast %add3A_280 : i32 to index
    %get3A_286 = memref.load %arg2[%get3A_285] : memref<1024xi32, #tpu.memory_space<smem>>
    %and3A_287 = arith.constant 127 : i32
    %and3A_288 = arith.andi %get3A_286, %and3A_287 : i32
    %get3A_289 = arith.constant 0 : index
    %get3A_290 = arith.index_cast %and3A_284 : i32 to index
    %get3A_291 = arith.constant 0 : index
    %get3A_292 = vector.load %arg12[%get3A_289, %get3A_290, %get3A_291] : memref<85x8x128xf32, #tpu.memory_space<vmem>>, vector<85x1x128xf32>
    %squeeze3A_293 = vector.shape_cast %get3A_292 : vector<85x1x128xf32> to vector<85x128xf32>
    %eq3A_294 = vector.broadcast %and3A_288 : i32 to vector<1x128xi32>
    %eq3A_295 = arith.cmpi eq, %iota3A, %eq3A_294 : vector<1x128xi32>
    %jit3A_296 = arith.constant 1.000000e+00 : f32
    %jit3A_297 = arith.constant 0.000000e+00 : f32
    %broadcast_in_dim3A_298 = vector.broadcast %jit3A_296 : f32 to vector<1x128xf32>
    %broadcast_in_dim3A_299 = vector.broadcast %jit3A_297 : f32 to vector<1x128xf32>
    %select_n3A_300 = arith.select %eq3A_295, %broadcast_in_dim3A_298, %broadcast_in_dim3A_299 : vector<1x128xi1>, vector<1x128xf32>
    %dot_general3A_301 = arith.constant dense<0.000000e+00> : vector<1x85xf32>
    %dot_general3A_302 = tpu.matmul %select_n3A_300, %squeeze3A_293, %dot_general3A_301 {dimension_numbers = #tpu.dot_dimension_numbers<[1], [1], [0], [0], [0, 0, 1, 0], [], []>, transpose_lhs_hint = false} : vector<1x128xf32>, vector<85x128xf32>, vector<1x85xf32> -> vector<1x85xf32>
    %swap3A_303 = arith.constant 0 : index
    %swap3A_304 = arith.constant 9 : index
    %swap3A_305 = arith.constant 0 : index
    %swap3A_306 = vector.load %arg23[%swap3A_303, %swap3A_304, %swap3A_305] : memref<1x20x128xf32, #tpu.memory_space<vmem>>, vector<1x1x85xf32>
    %swap3A_307 = vector.shape_cast %swap3A_306 : vector<1x1x85xf32> to vector<1x85xf32>
    %swap3A_308 = vector.shape_cast %dot_general3A_302 : vector<1x85xf32> to vector<1x1x85xf32>
    tpu.vector_store %arg23[%swap3A_303, %swap3A_304, %swap3A_305], %swap3A_308 {strides = array<i32>} : memref<1x20x128xf32, #tpu.memory_space<vmem>>, vector<1x1x85xf32>,
    %mul3A_309 = arith.constant 20 : i32
    %mul3A_310 = arith.muli %arg0, %mul3A_309 : i32
    %add3A_311 = arith.constant 10 : i32
    %add3A_312 = arith.addi %mul3A_310, %add3A_311 : i32
    %get3A_313 = arith.index_cast %add3A_312 : i32 to index
    %get3A_314 = memref.load %arg1[%get3A_313] : memref<1024xi32, #tpu.memory_space<smem>>
    %and3A_315 = arith.constant 7 : i32
    %and3A_316 = arith.andi %get3A_314, %and3A_315 : i32
    %get3A_317 = arith.index_cast %add3A_312 : i32 to index
    %get3A_318 = memref.load %arg2[%get3A_317] : memref<1024xi32, #tpu.memory_space<smem>>
    %and3A_319 = arith.constant 127 : i32
    %and3A_320 = arith.andi %get3A_318, %and3A_319 : i32
    %get3A_321 = arith.constant 0 : index
    %get3A_322 = arith.index_cast %and3A_316 : i32 to index
    %get3A_323 = arith.constant 0 : index
    %get3A_324 = vector.load %arg13[%get3A_321, %get3A_322, %get3A_323] : memref<85x8x128xf32, #tpu.memory_space<vmem>>, vector<85x1x128xf32>
    %squeeze3A_325 = vector.shape_cast %get3A_324 : vector<85x1x128xf32> to vector<85x128xf32>
    %eq3A_326 = vector.broadcast %and3A_320 : i32 to vector<1x128xi32>
    %eq3A_327 = arith.cmpi eq, %iota3A, %eq3A_326 : vector<1x128xi32>
    %jit3A_328 = arith.constant 1.000000e+00 : f32
    %jit3A_329 = arith.constant 0.000000e+00 : f32
    %broadcast_in_dim3A_330 = vector.broadcast %jit3A_328 : f32 to vector<1x128xf32>
    %broadcast_in_dim3A_331 = vector.broadcast %jit3A_329 : f32 to vector<1x128xf32>
    %select_n3A_332 = arith.select %eq3A_327, %broadcast_in_dim3A_330, %broadcast_in_dim3A_331 : vector<1x128xi1>, vector<1x128xf32>
    %dot_general3A_333 = arith.constant dense<0.000000e+00> : vector<1x85xf32>
    %dot_general3A_334 = tpu.matmul %select_n3A_332, %squeeze3A_325, %dot_general3A_333 {dimension_numbers = #tpu.dot_dimension_numbers<[1], [1], [0], [0], [0, 0, 1, 0], [], []>, transpose_lhs_hint = false} : vector<1x128xf32>, vector<85x128xf32>, vector<1x85xf32> -> vector<1x85xf32>
    %swap3A_335 = arith.constant 0 : index
    %swap3A_336 = arith.constant 10 : index
    %swap3A_337 = arith.constant 0 : index
    %swap3A_338 = vector.load %arg23[%swap3A_335, %swap3A_336, %swap3A_337] : memref<1x20x128xf32, #tpu.memory_space<vmem>>, vector<1x1x85xf32>
    %swap3A_339 = vector.shape_cast %swap3A_338 : vector<1x1x85xf32> to vector<1x85xf32>
    %swap3A_340 = vector.shape_cast %dot_general3A_334 : vector<1x85xf32> to vector<1x1x85xf32>
    tpu.vector_store %arg23[%swap3A_335, %swap3A_336, %swap3A_337], %swap3A_340 {strides = array<i32>} : memref<1x20x128xf32, #tpu.memory_space<vmem>>, vector<1x1x85xf32>,
    %mul3A_341 = arith.constant 20 : i32
    %mul3A_342 = arith.muli %arg0, %mul3A_341 : i32
    %add3A_343 = arith.constant 11 : i32
    %add3A_344 = arith.addi %mul3A_342, %add3A_343 : i32
    %get3A_345 = arith.index_cast %add3A_344 : i32 to index
    %get3A_346 = memref.load %arg1[%get3A_345] : memref<1024xi32, #tpu.memory_space<smem>>
    %and3A_347 = arith.constant 7 : i32
    %and3A_348 = arith.andi %get3A_346, %and3A_347 : i32
    %get3A_349 = arith.index_cast %add3A_344 : i32 to index
    %get3A_350 = memref.load %arg2[%get3A_349] : memref<1024xi32, #tpu.memory_space<smem>>
    %and3A_351 = arith.constant 127 : i32
    %and3A_352 = arith.andi %get3A_350, %and3A_351 : i32
    %get3A_353 = arith.constant 0 : index
    %get3A_354 = arith.index_cast %and3A_348 : i32 to index
    %get3A_355 = arith.constant 0 : index
    %get3A_356 = vector.load %arg14[%get3A_353, %get3A_354, %get3A_355] : memref<85x8x128xf32, #tpu.memory_space<vmem>>, vector<85x1x128xf32>
    %squeeze3A_357 = vector.shape_cast %get3A_356 : vector<85x1x128xf32> to vector<85x128xf32>
    %eq3A_358 = vector.broadcast %and3A_352 : i32 to vector<1x128xi32>
    %eq3A_359 = arith.cmpi eq, %iota3A, %eq3A_358 : vector<1x128xi32>
    %jit3A_360 = arith.constant 1.000000e+00 : f32
    %jit3A_361 = arith.constant 0.000000e+00 : f32
    %broadcast_in_dim3A_362 = vector.broadcast %jit3A_360 : f32 to vector<1x128xf32>
    %broadcast_in_dim3A_363 = vector.broadcast %jit3A_361 : f32 to vector<1x128xf32>
    %select_n3A_364 = arith.select %eq3A_359, %broadcast_in_dim3A_362, %broadcast_in_dim3A_363 : vector<1x128xi1>, vector<1x128xf32>
    %dot_general3A_365 = arith.constant dense<0.000000e+00> : vector<1x85xf32>
    %dot_general3A_366 = tpu.matmul %select_n3A_364, %squeeze3A_357, %dot_general3A_365 {dimension_numbers = #tpu.dot_dimension_numbers<[1], [1], [0], [0], [0, 0, 1, 0], [], []>, transpose_lhs_hint = false} : vector<1x128xf32>, vector<85x128xf32>, vector<1x85xf32> -> vector<1x85xf32>
    %swap3A_367 = arith.constant 0 : index
    %swap3A_368 = arith.constant 11 : index
    %swap3A_369 = arith.constant 0 : index
    %swap3A_370 = vector.load %arg23[%swap3A_367, %swap3A_368, %swap3A_369] : memref<1x20x128xf32, #tpu.memory_space<vmem>>, vector<1x1x85xf32>
    %swap3A_371 = vector.shape_cast %swap3A_370 : vector<1x1x85xf32> to vector<1x85xf32>
    %swap3A_372 = vector.shape_cast %dot_general3A_366 : vector<1x85xf32> to vector<1x1x85xf32>
    tpu.vector_store %arg23[%swap3A_367, %swap3A_368, %swap3A_369], %swap3A_372 {strides = array<i32>} : memref<1x20x128xf32, #tpu.memory_space<vmem>>, vector<1x1x85xf32>,
    %mul3A_373 = arith.constant 20 : i32
    %mul3A_374 = arith.muli %arg0, %mul3A_373 : i32
    %add3A_375 = arith.constant 12 : i32
    %add3A_376 = arith.addi %mul3A_374, %add3A_375 : i32
    %get3A_377 = arith.index_cast %add3A_376 : i32 to index
    %get3A_378 = memref.load %arg1[%get3A_377] : memref<1024xi32, #tpu.memory_space<smem>>
    %and3A_379 = arith.constant 7 : i32
    %and3A_380 = arith.andi %get3A_378, %and3A_379 : i32
    %get3A_381 = arith.index_cast %add3A_376 : i32 to index
    %get3A_382 = memref.load %arg2[%get3A_381] : memref<1024xi32, #tpu.memory_space<smem>>
    %and3A_383 = arith.constant 127 : i32
    %and3A_384 = arith.andi %get3A_382, %and3A_383 : i32
    %get3A_385 = arith.constant 0 : index
    %get3A_386 = arith.index_cast %and3A_380 : i32 to index
    %get3A_387 = arith.constant 0 : index
    %get3A_388 = vector.load %arg15[%get3A_385, %get3A_386, %get3A_387] : memref<85x8x128xf32, #tpu.memory_space<vmem>>, vector<85x1x128xf32>
    %squeeze3A_389 = vector.shape_cast %get3A_388 : vector<85x1x128xf32> to vector<85x128xf32>
    %eq3A_390 = vector.broadcast %and3A_384 : i32 to vector<1x128xi32>
    %eq3A_391 = arith.cmpi eq, %iota3A, %eq3A_390 : vector<1x128xi32>
    %jit3A_392 = arith.constant 1.000000e+00 : f32
    %jit3A_393 = arith.constant 0.000000e+00 : f32
    %broadcast_in_dim3A_394 = vector.broadcast %jit3A_392 : f32 to vector<1x128xf32>
    %broadcast_in_dim3A_395 = vector.broadcast %jit3A_393 : f32 to vector<1x128xf32>
    %select_n3A_396 = arith.select %eq3A_391, %broadcast_in_dim3A_394, %broadcast_in_dim3A_395 : vector<1x128xi1>, vector<1x128xf32>
    %dot_general3A_397 = arith.constant dense<0.000000e+00> : vector<1x85xf32>
    %dot_general3A_398 = tpu.matmul %select_n3A_396, %squeeze3A_389, %dot_general3A_397 {dimension_numbers = #tpu.dot_dimension_numbers<[1], [1], [0], [0], [0, 0, 1, 0], [], []>, transpose_lhs_hint = false} : vector<1x128xf32>, vector<85x128xf32>, vector<1x85xf32> -> vector<1x85xf32>
    %swap3A_399 = arith.constant 0 : index
    %swap3A_400 = arith.constant 12 : index
    %swap3A_401 = arith.constant 0 : index
    %swap3A_402 = vector.load %arg23[%swap3A_399, %swap3A_400, %swap3A_401] : memref<1x20x128xf32, #tpu.memory_space<vmem>>, vector<1x1x85xf32>
    %swap3A_403 = vector.shape_cast %swap3A_402 : vector<1x1x85xf32> to vector<1x85xf32>
    %swap3A_404 = vector.shape_cast %dot_general3A_398 : vector<1x85xf32> to vector<1x1x85xf32>
    tpu.vector_store %arg23[%swap3A_399, %swap3A_400, %swap3A_401], %swap3A_404 {strides = array<i32>} : memref<1x20x128xf32, #tpu.memory_space<vmem>>, vector<1x1x85xf32>,
    %mul3A_405 = arith.constant 20 : i32
    %mul3A_406 = arith.muli %arg0, %mul3A_405 : i32
    %add3A_407 = arith.constant 13 : i32
    %add3A_408 = arith.addi %mul3A_406, %add3A_407 : i32
    %get3A_409 = arith.index_cast %add3A_408 : i32 to index
    %get3A_410 = memref.load %arg1[%get3A_409] : memref<1024xi32, #tpu.memory_space<smem>>
    %and3A_411 = arith.constant 7 : i32
    %and3A_412 = arith.andi %get3A_410, %and3A_411 : i32
    %get3A_413 = arith.index_cast %add3A_408 : i32 to index
    %get3A_414 = memref.load %arg2[%get3A_413] : memref<1024xi32, #tpu.memory_space<smem>>
    %and3A_415 = arith.constant 127 : i32
    %and3A_416 = arith.andi %get3A_414, %and3A_415 : i32
    %get3A_417 = arith.constant 0 : index
    %get3A_418 = arith.index_cast %and3A_412 : i32 to index
    %get3A_419 = arith.constant 0 : index
    %get3A_420 = vector.load %arg16[%get3A_417, %get3A_418, %get3A_419] : memref<85x8x128xf32, #tpu.memory_space<vmem>>, vector<85x1x128xf32>
    %squeeze3A_421 = vector.shape_cast %get3A_420 : vector<85x1x128xf32> to vector<85x128xf32>
    %eq3A_422 = vector.broadcast %and3A_416 : i32 to vector<1x128xi32>
    %eq3A_423 = arith.cmpi eq, %iota3A, %eq3A_422 : vector<1x128xi32>
    %jit3A_424 = arith.constant 1.000000e+00 : f32
    %jit3A_425 = arith.constant 0.000000e+00 : f32
    %broadcast_in_dim3A_426 = vector.broadcast %jit3A_424 : f32 to vector<1x128xf32>
    %broadcast_in_dim3A_427 = vector.broadcast %jit3A_425 : f32 to vector<1x128xf32>
    %select_n3A_428 = arith.select %eq3A_423, %broadcast_in_dim3A_426, %broadcast_in_dim3A_427 : vector<1x128xi1>, vector<1x128xf32>
    %dot_general3A_429 = arith.constant dense<0.000000e+00> : vector<1x85xf32>
    %dot_general3A_430 = tpu.matmul %select_n3A_428, %squeeze3A_421, %dot_general3A_429 {dimension_numbers = #tpu.dot_dimension_numbers<[1], [1], [0], [0], [0, 0, 1, 0], [], []>, transpose_lhs_hint = false} : vector<1x128xf32>, vector<85x128xf32>, vector<1x85xf32> -> vector<1x85xf32>
    %swap3A_431 = arith.constant 0 : index
    %swap3A_432 = arith.constant 13 : index
    %swap3A_433 = arith.constant 0 : index
    %swap3A_434 = vector.load %arg23[%swap3A_431, %swap3A_432, %swap3A_433] : memref<1x20x128xf32, #tpu.memory_space<vmem>>, vector<1x1x85xf32>
    %swap3A_435 = vector.shape_cast %swap3A_434 : vector<1x1x85xf32> to vector<1x85xf32>
    %swap3A_436 = vector.shape_cast %dot_general3A_430 : vector<1x85xf32> to vector<1x1x85xf32>
    tpu.vector_store %arg23[%swap3A_431, %swap3A_432, %swap3A_433], %swap3A_436 {strides = array<i32>} : memref<1x20x128xf32, #tpu.memory_space<vmem>>, vector<1x1x85xf32>,
    %mul3A_437 = arith.constant 20 : i32
    %mul3A_438 = arith.muli %arg0, %mul3A_437 : i32
    %add3A_439 = arith.constant 14 : i32
    %add3A_440 = arith.addi %mul3A_438, %add3A_439 : i32
    %get3A_441 = arith.index_cast %add3A_440 : i32 to index
    %get3A_442 = memref.load %arg1[%get3A_441] : memref<1024xi32, #tpu.memory_space<smem>>
    %and3A_443 = arith.constant 7 : i32
    %and3A_444 = arith.andi %get3A_442, %and3A_443 : i32
    %get3A_445 = arith.index_cast %add3A_440 : i32 to index
    %get3A_446 = memref.load %arg2[%get3A_445] : memref<1024xi32, #tpu.memory_space<smem>>
    %and3A_447 = arith.constant 127 : i32
    %and3A_448 = arith.andi %get3A_446, %and3A_447 : i32
    %get3A_449 = arith.constant 0 : index
    %get3A_450 = arith.index_cast %and3A_444 : i32 to index
    %get3A_451 = arith.constant 0 : index
    %get3A_452 = vector.load %arg17[%get3A_449, %get3A_450, %get3A_451] : memref<85x8x128xf32, #tpu.memory_space<vmem>>, vector<85x1x128xf32>
    %squeeze3A_453 = vector.shape_cast %get3A_452 : vector<85x1x128xf32> to vector<85x128xf32>
    %eq3A_454 = vector.broadcast %and3A_448 : i32 to vector<1x128xi32>
    %eq3A_455 = arith.cmpi eq, %iota3A, %eq3A_454 : vector<1x128xi32>
    %jit3A_456 = arith.constant 1.000000e+00 : f32
    %jit3A_457 = arith.constant 0.000000e+00 : f32
    %broadcast_in_dim3A_458 = vector.broadcast %jit3A_456 : f32 to vector<1x128xf32>
    %broadcast_in_dim3A_459 = vector.broadcast %jit3A_457 : f32 to vector<1x128xf32>
    %select_n3A_460 = arith.select %eq3A_455, %broadcast_in_dim3A_458, %broadcast_in_dim3A_459 : vector<1x128xi1>, vector<1x128xf32>
    %dot_general3A_461 = arith.constant dense<0.000000e+00> : vector<1x85xf32>
    %dot_general3A_462 = tpu.matmul %select_n3A_460, %squeeze3A_453, %dot_general3A_461 {dimension_numbers = #tpu.dot_dimension_numbers<[1], [1], [0], [0], [0, 0, 1, 0], [], []>, transpose_lhs_hint = false} : vector<1x128xf32>, vector<85x128xf32>, vector<1x85xf32> -> vector<1x85xf32>
    %swap3A_463 = arith.constant 0 : index
    %swap3A_464 = arith.constant 14 : index
    %swap3A_465 = arith.constant 0 : index
    %swap3A_466 = vector.load %arg23[%swap3A_463, %swap3A_464, %swap3A_465] : memref<1x20x128xf32, #tpu.memory_space<vmem>>, vector<1x1x85xf32>
    %swap3A_467 = vector.shape_cast %swap3A_466 : vector<1x1x85xf32> to vector<1x85xf32>
    %swap3A_468 = vector.shape_cast %dot_general3A_462 : vector<1x85xf32> to vector<1x1x85xf32>
    tpu.vector_store %arg23[%swap3A_463, %swap3A_464, %swap3A_465], %swap3A_468 {strides = array<i32>} : memref<1x20x128xf32, #tpu.memory_space<vmem>>, vector<1x1x85xf32>,
    %mul3A_469 = arith.constant 20 : i32
    %mul3A_470 = arith.muli %arg0, %mul3A_469 : i32
    %add3A_471 = arith.constant 15 : i32
    %add3A_472 = arith.addi %mul3A_470, %add3A_471 : i32
    %get3A_473 = arith.index_cast %add3A_472 : i32 to index
    %get3A_474 = memref.load %arg1[%get3A_473] : memref<1024xi32, #tpu.memory_space<smem>>
    %and3A_475 = arith.constant 7 : i32
    %and3A_476 = arith.andi %get3A_474, %and3A_475 : i32
    %get3A_477 = arith.index_cast %add3A_472 : i32 to index
    %get3A_478 = memref.load %arg2[%get3A_477] : memref<1024xi32, #tpu.memory_space<smem>>
    %and3A_479 = arith.constant 127 : i32
    %and3A_480 = arith.andi %get3A_478, %and3A_479 : i32
    %get3A_481 = arith.constant 0 : index
    %get3A_482 = arith.index_cast %and3A_476 : i32 to index
    %get3A_483 = arith.constant 0 : index
    %get3A_484 = vector.load %arg18[%get3A_481, %get3A_482, %get3A_483] : memref<85x8x128xf32, #tpu.memory_space<vmem>>, vector<85x1x128xf32>
    %squeeze3A_485 = vector.shape_cast %get3A_484 : vector<85x1x128xf32> to vector<85x128xf32>
    %eq3A_486 = vector.broadcast %and3A_480 : i32 to vector<1x128xi32>
    %eq3A_487 = arith.cmpi eq, %iota3A, %eq3A_486 : vector<1x128xi32>
    %jit3A_488 = arith.constant 1.000000e+00 : f32
    %jit3A_489 = arith.constant 0.000000e+00 : f32
    %broadcast_in_dim3A_490 = vector.broadcast %jit3A_488 : f32 to vector<1x128xf32>
    %broadcast_in_dim3A_491 = vector.broadcast %jit3A_489 : f32 to vector<1x128xf32>
    %select_n3A_492 = arith.select %eq3A_487, %broadcast_in_dim3A_490, %broadcast_in_dim3A_491 : vector<1x128xi1>, vector<1x128xf32>
    %dot_general3A_493 = arith.constant dense<0.000000e+00> : vector<1x85xf32>
    %dot_general3A_494 = tpu.matmul %select_n3A_492, %squeeze3A_485, %dot_general3A_493 {dimension_numbers = #tpu.dot_dimension_numbers<[1], [1], [0], [0], [0, 0, 1, 0], [], []>, transpose_lhs_hint = false} : vector<1x128xf32>, vector<85x128xf32>, vector<1x85xf32> -> vector<1x85xf32>
    %swap3A_495 = arith.constant 0 : index
    %swap3A_496 = arith.constant 15 : index
    %swap3A_497 = arith.constant 0 : index
    %swap3A_498 = vector.load %arg23[%swap3A_495, %swap3A_496, %swap3A_497] : memref<1x20x128xf32, #tpu.memory_space<vmem>>, vector<1x1x85xf32>
    %swap3A_499 = vector.shape_cast %swap3A_498 : vector<1x1x85xf32> to vector<1x85xf32>
    %swap3A_500 = vector.shape_cast %dot_general3A_494 : vector<1x85xf32> to vector<1x1x85xf32>
    tpu.vector_store %arg23[%swap3A_495, %swap3A_496, %swap3A_497], %swap3A_500 {strides = array<i32>} : memref<1x20x128xf32, #tpu.memory_space<vmem>>, vector<1x1x85xf32>,
    %mul3A_501 = arith.constant 20 : i32
    %mul3A_502 = arith.muli %arg0, %mul3A_501 : i32
    %add3A_503 = arith.constant 16 : i32
    %add3A_504 = arith.addi %mul3A_502, %add3A_503 : i32
    %get3A_505 = arith.index_cast %add3A_504 : i32 to index
    %get3A_506 = memref.load %arg1[%get3A_505] : memref<1024xi32, #tpu.memory_space<smem>>
    %and3A_507 = arith.constant 7 : i32
    %and3A_508 = arith.andi %get3A_506, %and3A_507 : i32
    %get3A_509 = arith.index_cast %add3A_504 : i32 to index
    %get3A_510 = memref.load %arg2[%get3A_509] : memref<1024xi32, #tpu.memory_space<smem>>
    %and3A_511 = arith.constant 127 : i32
    %and3A_512 = arith.andi %get3A_510, %and3A_511 : i32
    %get3A_513 = arith.constant 0 : index
    %get3A_514 = arith.index_cast %and3A_508 : i32 to index
    %get3A_515 = arith.constant 0 : index
    %get3A_516 = vector.load %arg19[%get3A_513, %get3A_514, %get3A_515] : memref<85x8x128xf32, #tpu.memory_space<vmem>>, vector<85x1x128xf32>
    %squeeze3A_517 = vector.shape_cast %get3A_516 : vector<85x1x128xf32> to vector<85x128xf32>
    %eq3A_518 = vector.broadcast %and3A_512 : i32 to vector<1x128xi32>
    %eq3A_519 = arith.cmpi eq, %iota3A, %eq3A_518 : vector<1x128xi32>
    %jit3A_520 = arith.constant 1.000000e+00 : f32
    %jit3A_521 = arith.constant 0.000000e+00 : f32
    %broadcast_in_dim3A_522 = vector.broadcast %jit3A_520 : f32 to vector<1x128xf32>
    %broadcast_in_dim3A_523 = vector.broadcast %jit3A_521 : f32 to vector<1x128xf32>
    %select_n3A_524 = arith.select %eq3A_519, %broadcast_in_dim3A_522, %broadcast_in_dim3A_523 : vector<1x128xi1>, vector<1x128xf32>
    %dot_general3A_525 = arith.constant dense<0.000000e+00> : vector<1x85xf32>
    %dot_general3A_526 = tpu.matmul %select_n3A_524, %squeeze3A_517, %dot_general3A_525 {dimension_numbers = #tpu.dot_dimension_numbers<[1], [1], [0], [0], [0, 0, 1, 0], [], []>, transpose_lhs_hint = false} : vector<1x128xf32>, vector<85x128xf32>, vector<1x85xf32> -> vector<1x85xf32>
    %swap3A_527 = arith.constant 0 : index
    %swap3A_528 = arith.constant 16 : index
    %swap3A_529 = arith.constant 0 : index
    %swap3A_530 = vector.load %arg23[%swap3A_527, %swap3A_528, %swap3A_529] : memref<1x20x128xf32, #tpu.memory_space<vmem>>, vector<1x1x85xf32>
    %swap3A_531 = vector.shape_cast %swap3A_530 : vector<1x1x85xf32> to vector<1x85xf32>
    %swap3A_532 = vector.shape_cast %dot_general3A_526 : vector<1x85xf32> to vector<1x1x85xf32>
    tpu.vector_store %arg23[%swap3A_527, %swap3A_528, %swap3A_529], %swap3A_532 {strides = array<i32>} : memref<1x20x128xf32, #tpu.memory_space<vmem>>, vector<1x1x85xf32>,
    %mul3A_533 = arith.constant 20 : i32
    %mul3A_534 = arith.muli %arg0, %mul3A_533 : i32
    %add3A_535 = arith.constant 17 : i32
    %add3A_536 = arith.addi %mul3A_534, %add3A_535 : i32
    %get3A_537 = arith.index_cast %add3A_536 : i32 to index
    %get3A_538 = memref.load %arg1[%get3A_537] : memref<1024xi32, #tpu.memory_space<smem>>
    %and3A_539 = arith.constant 7 : i32
    %and3A_540 = arith.andi %get3A_538, %and3A_539 : i32
    %get3A_541 = arith.index_cast %add3A_536 : i32 to index
    %get3A_542 = memref.load %arg2[%get3A_541] : memref<1024xi32, #tpu.memory_space<smem>>
    %and3A_543 = arith.constant 127 : i32
    %and3A_544 = arith.andi %get3A_542, %and3A_543 : i32
    %get3A_545 = arith.constant 0 : index
    %get3A_546 = arith.index_cast %and3A_540 : i32 to index
    %get3A_547 = arith.constant 0 : index
    %get3A_548 = vector.load %arg20[%get3A_545, %get3A_546, %get3A_547] : memref<85x8x128xf32, #tpu.memory_space<vmem>>, vector<85x1x128xf32>
    %squeeze3A_549 = vector.shape_cast %get3A_548 : vector<85x1x128xf32> to vector<85x128xf32>
    %eq3A_550 = vector.broadcast %and3A_544 : i32 to vector<1x128xi32>
    %eq3A_551 = arith.cmpi eq, %iota3A, %eq3A_550 : vector<1x128xi32>
    %jit3A_552 = arith.constant 1.000000e+00 : f32
    %jit3A_553 = arith.constant 0.000000e+00 : f32
    %broadcast_in_dim3A_554 = vector.broadcast %jit3A_552 : f32 to vector<1x128xf32>
    %broadcast_in_dim3A_555 = vector.broadcast %jit3A_553 : f32 to vector<1x128xf32>
    %select_n3A_556 = arith.select %eq3A_551, %broadcast_in_dim3A_554, %broadcast_in_dim3A_555 : vector<1x128xi1>, vector<1x128xf32>
    %dot_general3A_557 = arith.constant dense<0.000000e+00> : vector<1x85xf32>
    %dot_general3A_558 = tpu.matmul %select_n3A_556, %squeeze3A_549, %dot_general3A_557 {dimension_numbers = #tpu.dot_dimension_numbers<[1], [1], [0], [0], [0, 0, 1, 0], [], []>, transpose_lhs_hint = false} : vector<1x128xf32>, vector<85x128xf32>, vector<1x85xf32> -> vector<1x85xf32>
    %swap3A_559 = arith.constant 0 : index
    %swap3A_560 = arith.constant 17 : index
    %swap3A_561 = arith.constant 0 : index
    %swap3A_562 = vector.load %arg23[%swap3A_559, %swap3A_560, %swap3A_561] : memref<1x20x128xf32, #tpu.memory_space<vmem>>, vector<1x1x85xf32>
    %swap3A_563 = vector.shape_cast %swap3A_562 : vector<1x1x85xf32> to vector<1x85xf32>
    %swap3A_564 = vector.shape_cast %dot_general3A_558 : vector<1x85xf32> to vector<1x1x85xf32>
    tpu.vector_store %arg23[%swap3A_559, %swap3A_560, %swap3A_561], %swap3A_564 {strides = array<i32>} : memref<1x20x128xf32, #tpu.memory_space<vmem>>, vector<1x1x85xf32>,
    %mul3A_565 = arith.constant 20 : i32
    %mul3A_566 = arith.muli %arg0, %mul3A_565 : i32
    %add3A_567 = arith.constant 18 : i32
    %add3A_568 = arith.addi %mul3A_566, %add3A_567 : i32
    %get3A_569 = arith.index_cast %add3A_568 : i32 to index
    %get3A_570 = memref.load %arg1[%get3A_569] : memref<1024xi32, #tpu.memory_space<smem>>
    %and3A_571 = arith.constant 7 : i32
    %and3A_572 = arith.andi %get3A_570, %and3A_571 : i32
    %get3A_573 = arith.index_cast %add3A_568 : i32 to index
    %get3A_574 = memref.load %arg2[%get3A_573] : memref<1024xi32, #tpu.memory_space<smem>>
    %and3A_575 = arith.constant 127 : i32
    %and3A_576 = arith.andi %get3A_574, %and3A_575 : i32
    %get3A_577 = arith.constant 0 : index
    %get3A_578 = arith.index_cast %and3A_572 : i32 to index
    %get3A_579 = arith.constant 0 : index
    %get3A_580 = vector.load %arg21[%get3A_577, %get3A_578, %get3A_579] : memref<85x8x128xf32, #tpu.memory_space<vmem>>, vector<85x1x128xf32>
    %squeeze3A_581 = vector.shape_cast %get3A_580 : vector<85x1x128xf32> to vector<85x128xf32>
    %eq3A_582 = vector.broadcast %and3A_576 : i32 to vector<1x128xi32>
    %eq3A_583 = arith.cmpi eq, %iota3A, %eq3A_582 : vector<1x128xi32>
    %jit3A_584 = arith.constant 1.000000e+00 : f32
    %jit3A_585 = arith.constant 0.000000e+00 : f32
    %broadcast_in_dim3A_586 = vector.broadcast %jit3A_584 : f32 to vector<1x128xf32>
    %broadcast_in_dim3A_587 = vector.broadcast %jit3A_585 : f32 to vector<1x128xf32>
    %select_n3A_588 = arith.select %eq3A_583, %broadcast_in_dim3A_586, %broadcast_in_dim3A_587 : vector<1x128xi1>, vector<1x128xf32>
    %dot_general3A_589 = arith.constant dense<0.000000e+00> : vector<1x85xf32>
    %dot_general3A_590 = tpu.matmul %select_n3A_588, %squeeze3A_581, %dot_general3A_589 {dimension_numbers = #tpu.dot_dimension_numbers<[1], [1], [0], [0], [0, 0, 1, 0], [], []>, transpose_lhs_hint = false} : vector<1x128xf32>, vector<85x128xf32>, vector<1x85xf32> -> vector<1x85xf32>
    %swap3A_591 = arith.constant 0 : index
    %swap3A_592 = arith.constant 18 : index
    %swap3A_593 = arith.constant 0 : index
    %swap3A_594 = vector.load %arg23[%swap3A_591, %swap3A_592, %swap3A_593] : memref<1x20x128xf32, #tpu.memory_space<vmem>>, vector<1x1x85xf32>
    %swap3A_595 = vector.shape_cast %swap3A_594 : vector<1x1x85xf32> to vector<1x85xf32>
    %swap3A_596 = vector.shape_cast %dot_general3A_590 : vector<1x85xf32> to vector<1x1x85xf32>
    tpu.vector_store %arg23[%swap3A_591, %swap3A_592, %swap3A_593], %swap3A_596 {strides = array<i32>} : memref<1x20x128xf32, #tpu.memory_space<vmem>>, vector<1x1x85xf32>,
    %mul3A_597 = arith.constant 20 : i32
    %mul3A_598 = arith.muli %arg0, %mul3A_597 : i32
    %add3A_599 = arith.constant 19 : i32
    %add3A_600 = arith.addi %mul3A_598, %add3A_599 : i32
    %get3A_601 = arith.index_cast %add3A_600 : i32 to index
    %get3A_602 = memref.load %arg1[%get3A_601] : memref<1024xi32, #tpu.memory_space<smem>>
    %and3A_603 = arith.constant 7 : i32
    %and3A_604 = arith.andi %get3A_602, %and3A_603 : i32
    %get3A_605 = arith.index_cast %add3A_600 : i32 to index
    %get3A_606 = memref.load %arg2[%get3A_605] : memref<1024xi32, #tpu.memory_space<smem>>
    %and3A_607 = arith.constant 127 : i32
    %and3A_608 = arith.andi %get3A_606, %and3A_607 : i32
    %get3A_609 = arith.constant 0 : index
    %get3A_610 = arith.index_cast %and3A_604 : i32 to index
    %get3A_611 = arith.constant 0 : index
    %get3A_612 = vector.load %arg22[%get3A_609, %get3A_610, %get3A_611] : memref<85x8x128xf32, #tpu.memory_space<vmem>>, vector<85x1x128xf32>
    %squeeze3A_613 = vector.shape_cast %get3A_612 : vector<85x1x128xf32> to vector<85x128xf32>
    %eq3A_614 = vector.broadcast %and3A_608 : i32 to vector<1x128xi32>
    %eq3A_615 = arith.cmpi eq, %iota3A, %eq3A_614 : vector<1x128xi32>
    %jit3A_616 = arith.constant 1.000000e+00 : f32
    %jit3A_617 = arith.constant 0.000000e+00 : f32
    %broadcast_in_dim3A_618 = vector.broadcast %jit3A_616 : f32 to vector<1x128xf32>
    %broadcast_in_dim3A_619 = vector.broadcast %jit3A_617 : f32 to vector<1x128xf32>
    %select_n3A_620 = arith.select %eq3A_615, %broadcast_in_dim3A_618, %broadcast_in_dim3A_619 : vector<1x128xi1>, vector<1x128xf32>
    %dot_general3A_621 = arith.constant dense<0.000000e+00> : vector<1x85xf32>
    %dot_general3A_622 = tpu.matmul %select_n3A_620, %squeeze3A_613, %dot_general3A_621 {dimension_numbers = #tpu.dot_dimension_numbers<[1], [1], [0], [0], [0, 0, 1, 0], [], []>, transpose_lhs_hint = false} : vector<1x128xf32>, vector<85x128xf32>, vector<1x85xf32> -> vector<1x85xf32>
    %swap3A_623 = arith.constant 0 : index
    %swap3A_624 = arith.constant 19 : index
    %swap3A_625 = arith.constant 0 : index
    %swap3A_626 = vector.load %arg23[%swap3A_623, %swap3A_624, %swap3A_625] : memref<1x20x128xf32, #tpu.memory_space<vmem>>, vector<1x1x85xf32>
    %swap3A_627 = vector.shape_cast %swap3A_626 : vector<1x1x85xf32> to vector<1x85xf32>
    %swap3A_628 = vector.shape_cast %dot_general3A_622 : vector<1x85xf32> to vector<1x1x85xf32>
    tpu.vector_store %arg23[%swap3A_623, %swap3A_624, %swap3A_625], %swap3A_628 {strides = array<i32>} : memref<1x20x128xf32, #tpu.memory_space<vmem>>, vector<1x1x85xf32>,
    return
  }
  func.func @transform_0(%arg0: i32, %arg1: memref<1024xi32, #tpu.memory_space<smem>>, %arg2: memref<1024xi32, #tpu.memory_space<smem>>) -> (i32, i32, i32) {
    %mul3A = arith.constant 20 : i32
    %mul3A_0 = arith.muli %arg0, %mul3A : i32
    %add3A = arith.constant 0 : i32
    %add3A_1 = arith.addi %mul3A_0, %add3A : i32
    %get3A = arith.index_cast %add3A_1 : i32 to index
    %get3A_2 = memref.load %arg1[%get3A] : memref<1024xi32, #tpu.memory_space<smem>>
    %shift_right_arithmetic3A = arith.constant 3 : i32
    %shift_right_arithmetic3A_3 = arith.shrsi %get3A_2, %shift_right_arithmetic3A : i32
    %mul3A_4 = arith.constant 20 : i32
    %mul3A_5 = arith.muli %arg0, %mul3A_4 : i32
    %add3A_6 = arith.constant 0 : i32
    %add3A_7 = arith.addi %mul3A_5, %add3A_6 : i32
    %get3A_8 = arith.index_cast %add3A_7 : i32 to index
    %get3A_9 = memref.load %arg2[%get3A_8] : memref<1024xi32, #tpu.memory_space<smem>>
    %shift_right_arithmetic3A_10 = arith.constant 7 : i32
    %shift_right_arithmetic3A_11 = arith.shrsi %get3A_9, %shift_right_arithmetic3A_10 : i32
    %c0_i32 = arith.constant 0 : i32
    %c0_i32_12 = arith.constant 0 : i32
    return %c0_i32, %shift_right_arithmetic3A_3, %shift_right_arithmetic3A_11 : i32, i32, i32
  }
  func.func @transform_1(%arg0: i32, %arg1: memref<1024xi32, #tpu.memory_space<smem>>, %arg2: memref<1024xi32, #tpu.memory_space<smem>>) -> (i32, i32, i32) {
    %mul3A = arith.constant 20 : i32
    %mul3A_0 = arith.muli %arg0, %mul3A : i32
    %add3A = arith.constant 1 : i32
    %add3A_1 = arith.addi %mul3A_0, %add3A : i32
    %get3A = arith.index_cast %add3A_1 : i32 to index
    %get3A_2 = memref.load %arg1[%get3A] : memref<1024xi32, #tpu.memory_space<smem>>
    %shift_right_arithmetic3A = arith.constant 3 : i32
    %shift_right_arithmetic3A_3 = arith.shrsi %get3A_2, %shift_right_arithmetic3A : i32
    %mul3A_4 = arith.constant 20 : i32
    %mul3A_5 = arith.muli %arg0, %mul3A_4 : i32
    %add3A_6 = arith.constant 1 : i32
    %add3A_7 = arith.addi %mul3A_5, %add3A_6 : i32
    %get3A_8 = arith.index_cast %add3A_7 : i32 to index
    %get3A_9 = memref.load %arg2[%get3A_8] : memref<1024xi32, #tpu.memory_space<smem>>
    %shift_right_arithmetic3A_10 = arith.constant 7 : i32
    %shift_right_arithmetic3A_11 = arith.shrsi %get3A_9, %shift_right_arithmetic3A_10 : i32
    %c0_i32 = arith.constant 0 : i32
    %c0_i32_12 = arith.constant 0 : i32
    return %c0_i32, %shift_right_arithmetic3A_3, %shift_right_arithmetic3A_11 : i32, i32, i32
  }
  func.func @transform_2(%arg0: i32, %arg1: memref<1024xi32, #tpu.memory_space<smem>>, %arg2: memref<1024xi32, #tpu.memory_space<smem>>) -> (i32, i32, i32) {
    %mul3A = arith.constant 20 : i32
    %mul3A_0 = arith.muli %arg0, %mul3A : i32
    %add3A = arith.constant 2 : i32
    %add3A_1 = arith.addi %mul3A_0, %add3A : i32
    %get3A = arith.index_cast %add3A_1 : i32 to index
    %get3A_2 = memref.load %arg1[%get3A] : memref<1024xi32, #tpu.memory_space<smem>>
    %shift_right_arithmetic3A = arith.constant 3 : i32
    %shift_right_arithmetic3A_3 = arith.shrsi %get3A_2, %shift_right_arithmetic3A : i32
    %mul3A_4 = arith.constant 20 : i32
    %mul3A_5 = arith.muli %arg0, %mul3A_4 : i32
    %add3A_6 = arith.constant 2 : i32
    %add3A_7 = arith.addi %mul3A_5, %add3A_6 : i32
    %get3A_8 = arith.index_cast %add3A_7 : i32 to index
    %get3A_9 = memref.load %arg2[%get3A_8] : memref<1024xi32, #tpu.memory_space<smem>>
    %shift_right_arithmetic3A_10 = arith.constant 7 : i32
    %shift_right_arithmetic3A_11 = arith.shrsi %get3A_9, %shift_right_arithmetic3A_10 : i32
    %c0_i32 = arith.constant 0 : i32
    %c0_i32_12 = arith.constant 0 : i32
    return %c0_i32, %shift_right_arithmetic3A_3, %shift_right_arithmetic3A_11 : i32, i32, i32
  }
  func.func @transform_3(%arg0: i32, %arg1: memref<1024xi32, #tpu.memory_space<smem>>, %arg2: memref<1024xi32, #tpu.memory_space<smem>>) -> (i32, i32, i32) {
    %mul3A = arith.constant 20 : i32
    %mul3A_0 = arith.muli %arg0, %mul3A : i32
    %add3A = arith.constant 3 : i32
    %add3A_1 = arith.addi %mul3A_0, %add3A : i32
    %get3A = arith.index_cast %add3A_1 : i32 to index
    %get3A_2 = memref.load %arg1[%get3A] : memref<1024xi32, #tpu.memory_space<smem>>
    %shift_right_arithmetic3A = arith.constant 3 : i32
    %shift_right_arithmetic3A_3 = arith.shrsi %get3A_2, %shift_right_arithmetic3A : i32
    %mul3A_4 = arith.constant 20 : i32
    %mul3A_5 = arith.muli %arg0, %mul3A_4 : i32
    %add3A_6 = arith.constant 3 : i32
    %add3A_7 = arith.addi %mul3A_5, %add3A_6 : i32
    %get3A_8 = arith.index_cast %add3A_7 : i32 to index
    %get3A_9 = memref.load %arg2[%get3A_8] : memref<1024xi32, #tpu.memory_space<smem>>
    %shift_right_arithmetic3A_10 = arith.constant 7 : i32
    %shift_right_arithmetic3A_11 = arith.shrsi %get3A_9, %shift_right_arithmetic3A_10 : i32
    %c0_i32 = arith.constant 0 : i32
    %c0_i32_12 = arith.constant 0 : i32
    return %c0_i32, %shift_right_arithmetic3A_3, %shift_right_arithmetic3A_11 : i32, i32, i32
  }
  func.func @transform_4(%arg0: i32, %arg1: memref<1024xi32, #tpu.memory_space<smem>>, %arg2: memref<1024xi32, #tpu.memory_space<smem>>) -> (i32, i32, i32) {
    %mul3A = arith.constant 20 : i32
    %mul3A_0 = arith.muli %arg0, %mul3A : i32
    %add3A = arith.constant 4 : i32
    %add3A_1 = arith.addi %mul3A_0, %add3A : i32
    %get3A = arith.index_cast %add3A_1 : i32 to index
    %get3A_2 = memref.load %arg1[%get3A] : memref<1024xi32, #tpu.memory_space<smem>>
    %shift_right_arithmetic3A = arith.constant 3 : i32
    %shift_right_arithmetic3A_3 = arith.shrsi %get3A_2, %shift_right_arithmetic3A : i32
    %mul3A_4 = arith.constant 20 : i32
    %mul3A_5 = arith.muli %arg0, %mul3A_4 : i32
    %add3A_6 = arith.constant 4 : i32
    %add3A_7 = arith.addi %mul3A_5, %add3A_6 : i32
    %get3A_8 = arith.index_cast %add3A_7 : i32 to index
    %get3A_9 = memref.load %arg2[%get3A_8] : memref<1024xi32, #tpu.memory_space<smem>>
    %shift_right_arithmetic3A_10 = arith.constant 7 : i32
    %shift_right_arithmetic3A_11 = arith.shrsi %get3A_9, %shift_right_arithmetic3A_10 : i32
    %c0_i32 = arith.constant 0 : i32
    %c0_i32_12 = arith.constant 0 : i32
    return %c0_i32, %shift_right_arithmetic3A_3, %shift_right_arithmetic3A_11 : i32, i32, i32
  }
  func.func @transform_5(%arg0: i32, %arg1: memref<1024xi32, #tpu.memory_space<smem>>, %arg2: memref<1024xi32, #tpu.memory_space<smem>>) -> (i32, i32, i32) {
    %mul3A = arith.constant 20 : i32
    %mul3A_0 = arith.muli %arg0, %mul3A : i32
    %add3A = arith.constant 5 : i32
    %add3A_1 = arith.addi %mul3A_0, %add3A : i32
    %get3A = arith.index_cast %add3A_1 : i32 to index
    %get3A_2 = memref.load %arg1[%get3A] : memref<1024xi32, #tpu.memory_space<smem>>
    %shift_right_arithmetic3A = arith.constant 3 : i32
    %shift_right_arithmetic3A_3 = arith.shrsi %get3A_2, %shift_right_arithmetic3A : i32
    %mul3A_4 = arith.constant 20 : i32
    %mul3A_5 = arith.muli %arg0, %mul3A_4 : i32
    %add3A_6 = arith.constant 5 : i32
    %add3A_7 = arith.addi %mul3A_5, %add3A_6 : i32
    %get3A_8 = arith.index_cast %add3A_7 : i32 to index
    %get3A_9 = memref.load %arg2[%get3A_8] : memref<1024xi32, #tpu.memory_space<smem>>
    %shift_right_arithmetic3A_10 = arith.constant 7 : i32
    %shift_right_arithmetic3A_11 = arith.shrsi %get3A_9, %shift_right_arithmetic3A_10 : i32
    %c0_i32 = arith.constant 0 : i32
    %c0_i32_12 = arith.constant 0 : i32
    return %c0_i32, %shift_right_arithmetic3A_3, %shift_right_arithmetic3A_11 : i32, i32, i32
  }
  func.func @transform_6(%arg0: i32, %arg1: memref<1024xi32, #tpu.memory_space<smem>>, %arg2: memref<1024xi32, #tpu.memory_space<smem>>) -> (i32, i32, i32) {
    %mul3A = arith.constant 20 : i32
    %mul3A_0 = arith.muli %arg0, %mul3A : i32
    %add3A = arith.constant 6 : i32
    %add3A_1 = arith.addi %mul3A_0, %add3A : i32
    %get3A = arith.index_cast %add3A_1 : i32 to index
    %get3A_2 = memref.load %arg1[%get3A] : memref<1024xi32, #tpu.memory_space<smem>>
    %shift_right_arithmetic3A = arith.constant 3 : i32
    %shift_right_arithmetic3A_3 = arith.shrsi %get3A_2, %shift_right_arithmetic3A : i32
    %mul3A_4 = arith.constant 20 : i32
    %mul3A_5 = arith.muli %arg0, %mul3A_4 : i32
    %add3A_6 = arith.constant 6 : i32
    %add3A_7 = arith.addi %mul3A_5, %add3A_6 : i32
    %get3A_8 = arith.index_cast %add3A_7 : i32 to index
    %get3A_9 = memref.load %arg2[%get3A_8] : memref<1024xi32, #tpu.memory_space<smem>>
    %shift_right_arithmetic3A_10 = arith.constant 7 : i32
    %shift_right_arithmetic3A_11 = arith.shrsi %get3A_9, %shift_right_arithmetic3A_10 : i32
    %c0_i32 = arith.constant 0 : i32
    %c0_i32_12 = arith.constant 0 : i32
    return %c0_i32, %shift_right_arithmetic3A_3, %shift_right_arithmetic3A_11 : i32, i32, i32
  }
  func.func @transform_7(%arg0: i32, %arg1: memref<1024xi32, #tpu.memory_space<smem>>, %arg2: memref<1024xi32, #tpu.memory_space<smem>>) -> (i32, i32, i32) {
    %mul3A = arith.constant 20 : i32
    %mul3A_0 = arith.muli %arg0, %mul3A : i32
    %add3A = arith.constant 7 : i32
    %add3A_1 = arith.addi %mul3A_0, %add3A : i32
    %get3A = arith.index_cast %add3A_1 : i32 to index
    %get3A_2 = memref.load %arg1[%get3A] : memref<1024xi32, #tpu.memory_space<smem>>
    %shift_right_arithmetic3A = arith.constant 3 : i32
    %shift_right_arithmetic3A_3 = arith.shrsi %get3A_2, %shift_right_arithmetic3A : i32
    %mul3A_4 = arith.constant 20 : i32
    %mul3A_5 = arith.muli %arg0, %mul3A_4 : i32
    %add3A_6 = arith.constant 7 : i32
    %add3A_7 = arith.addi %mul3A_5, %add3A_6 : i32
    %get3A_8 = arith.index_cast %add3A_7 : i32 to index
    %get3A_9 = memref.load %arg2[%get3A_8] : memref<1024xi32, #tpu.memory_space<smem>>
    %shift_right_arithmetic3A_10 = arith.constant 7 : i32
    %shift_right_arithmetic3A_11 = arith.shrsi %get3A_9, %shift_right_arithmetic3A_10 : i32
    %c0_i32 = arith.constant 0 : i32
    %c0_i32_12 = arith.constant 0 : i32
    return %c0_i32, %shift_right_arithmetic3A_3, %shift_right_arithmetic3A_11 : i32, i32, i32
  }
  func.func @transform_8(%arg0: i32, %arg1: memref<1024xi32, #tpu.memory_space<smem>>, %arg2: memref<1024xi32, #tpu.memory_space<smem>>) -> (i32, i32, i32) {
    %mul3A = arith.constant 20 : i32
    %mul3A_0 = arith.muli %arg0, %mul3A : i32
    %add3A = arith.constant 8 : i32
    %add3A_1 = arith.addi %mul3A_0, %add3A : i32
    %get3A = arith.index_cast %add3A_1 : i32 to index
    %get3A_2 = memref.load %arg1[%get3A] : memref<1024xi32, #tpu.memory_space<smem>>
    %shift_right_arithmetic3A = arith.constant 3 : i32
    %shift_right_arithmetic3A_3 = arith.shrsi %get3A_2, %shift_right_arithmetic3A : i32
    %mul3A_4 = arith.constant 20 : i32
    %mul3A_5 = arith.muli %arg0, %mul3A_4 : i32
    %add3A_6 = arith.constant 8 : i32
    %add3A_7 = arith.addi %mul3A_5, %add3A_6 : i32
    %get3A_8 = arith.index_cast %add3A_7 : i32 to index
    %get3A_9 = memref.load %arg2[%get3A_8] : memref<1024xi32, #tpu.memory_space<smem>>
    %shift_right_arithmetic3A_10 = arith.constant 7 : i32
    %shift_right_arithmetic3A_11 = arith.shrsi %get3A_9, %shift_right_arithmetic3A_10 : i32
    %c0_i32 = arith.constant 0 : i32
    %c0_i32_12 = arith.constant 0 : i32
    return %c0_i32, %shift_right_arithmetic3A_3, %shift_right_arithmetic3A_11 : i32, i32, i32
  }
  func.func @transform_9(%arg0: i32, %arg1: memref<1024xi32, #tpu.memory_space<smem>>, %arg2: memref<1024xi32, #tpu.memory_space<smem>>) -> (i32, i32, i32) {
    %mul3A = arith.constant 20 : i32
    %mul3A_0 = arith.muli %arg0, %mul3A : i32
    %add3A = arith.constant 9 : i32
    %add3A_1 = arith.addi %mul3A_0, %add3A : i32
    %get3A = arith.index_cast %add3A_1 : i32 to index
    %get3A_2 = memref.load %arg1[%get3A] : memref<1024xi32, #tpu.memory_space<smem>>
    %shift_right_arithmetic3A = arith.constant 3 : i32
    %shift_right_arithmetic3A_3 = arith.shrsi %get3A_2, %shift_right_arithmetic3A : i32
    %mul3A_4 = arith.constant 20 : i32
    %mul3A_5 = arith.muli %arg0, %mul3A_4 : i32
    %add3A_6 = arith.constant 9 : i32
    %add3A_7 = arith.addi %mul3A_5, %add3A_6 : i32
    %get3A_8 = arith.index_cast %add3A_7 : i32 to index
    %get3A_9 = memref.load %arg2[%get3A_8] : memref<1024xi32, #tpu.memory_space<smem>>
    %shift_right_arithmetic3A_10 = arith.constant 7 : i32
    %shift_right_arithmetic3A_11 = arith.shrsi %get3A_9, %shift_right_arithmetic3A_10 : i32
    %c0_i32 = arith.constant 0 : i32
    %c0_i32_12 = arith.constant 0 : i32
    return %c0_i32, %shift_right_arithmetic3A_3, %shift_right_arithmetic3A_11 : i32, i32, i32
  }
  func.func @transform_10(%arg0: i32, %arg1: memref<1024xi32, #tpu.memory_space<smem>>, %arg2: memref<1024xi32, #tpu.memory_space<smem>>) -> (i32, i32, i32) {
    %mul3A = arith.constant 20 : i32
    %mul3A_0 = arith.muli %arg0, %mul3A : i32
    %add3A = arith.constant 10 : i32
    %add3A_1 = arith.addi %mul3A_0, %add3A : i32
    %get3A = arith.index_cast %add3A_1 : i32 to index
    %get3A_2 = memref.load %arg1[%get3A] : memref<1024xi32, #tpu.memory_space<smem>>
    %shift_right_arithmetic3A = arith.constant 3 : i32
    %shift_right_arithmetic3A_3 = arith.shrsi %get3A_2, %shift_right_arithmetic3A : i32
    %mul3A_4 = arith.constant 20 : i32
    %mul3A_5 = arith.muli %arg0, %mul3A_4 : i32
    %add3A_6 = arith.constant 10 : i32
    %add3A_7 = arith.addi %mul3A_5, %add3A_6 : i32
    %get3A_8 = arith.index_cast %add3A_7 : i32 to index
    %get3A_9 = memref.load %arg2[%get3A_8] : memref<1024xi32, #tpu.memory_space<smem>>
    %shift_right_arithmetic3A_10 = arith.constant 7 : i32
    %shift_right_arithmetic3A_11 = arith.shrsi %get3A_9, %shift_right_arithmetic3A_10 : i32
    %c0_i32 = arith.constant 0 : i32
    %c0_i32_12 = arith.constant 0 : i32
    return %c0_i32, %shift_right_arithmetic3A_3, %shift_right_arithmetic3A_11 : i32, i32, i32
  }
  func.func @transform_11(%arg0: i32, %arg1: memref<1024xi32, #tpu.memory_space<smem>>, %arg2: memref<1024xi32, #tpu.memory_space<smem>>) -> (i32, i32, i32) {
    %mul3A = arith.constant 20 : i32
    %mul3A_0 = arith.muli %arg0, %mul3A : i32
    %add3A = arith.constant 11 : i32
    %add3A_1 = arith.addi %mul3A_0, %add3A : i32
    %get3A = arith.index_cast %add3A_1 : i32 to index
    %get3A_2 = memref.load %arg1[%get3A] : memref<1024xi32, #tpu.memory_space<smem>>
    %shift_right_arithmetic3A = arith.constant 3 : i32
    %shift_right_arithmetic3A_3 = arith.shrsi %get3A_2, %shift_right_arithmetic3A : i32
    %mul3A_4 = arith.constant 20 : i32
    %mul3A_5 = arith.muli %arg0, %mul3A_4 : i32
    %add3A_6 = arith.constant 11 : i32
    %add3A_7 = arith.addi %mul3A_5, %add3A_6 : i32
    %get3A_8 = arith.index_cast %add3A_7 : i32 to index
    %get3A_9 = memref.load %arg2[%get3A_8] : memref<1024xi32, #tpu.memory_space<smem>>
    %shift_right_arithmetic3A_10 = arith.constant 7 : i32
    %shift_right_arithmetic3A_11 = arith.shrsi %get3A_9, %shift_right_arithmetic3A_10 : i32
    %c0_i32 = arith.constant 0 : i32
    %c0_i32_12 = arith.constant 0 : i32
    return %c0_i32, %shift_right_arithmetic3A_3, %shift_right_arithmetic3A_11 : i32, i32, i32
  }
  func.func @transform_12(%arg0: i32, %arg1: memref<1024xi32, #tpu.memory_space<smem>>, %arg2: memref<1024xi32, #tpu.memory_space<smem>>) -> (i32, i32, i32) {
    %mul3A = arith.constant 20 : i32
    %mul3A_0 = arith.muli %arg0, %mul3A : i32
    %add3A = arith.constant 12 : i32
    %add3A_1 = arith.addi %mul3A_0, %add3A : i32
    %get3A = arith.index_cast %add3A_1 : i32 to index
    %get3A_2 = memref.load %arg1[%get3A] : memref<1024xi32, #tpu.memory_space<smem>>
    %shift_right_arithmetic3A = arith.constant 3 : i32
    %shift_right_arithmetic3A_3 = arith.shrsi %get3A_2, %shift_right_arithmetic3A : i32
    %mul3A_4 = arith.constant 20 : i32
    %mul3A_5 = arith.muli %arg0, %mul3A_4 : i32
    %add3A_6 = arith.constant 12 : i32
    %add3A_7 = arith.addi %mul3A_5, %add3A_6 : i32
    %get3A_8 = arith.index_cast %add3A_7 : i32 to index
    %get3A_9 = memref.load %arg2[%get3A_8] : memref<1024xi32, #tpu.memory_space<smem>>
    %shift_right_arithmetic3A_10 = arith.constant 7 : i32
    %shift_right_arithmetic3A_11 = arith.shrsi %get3A_9, %shift_right_arithmetic3A_10 : i32
    %c0_i32 = arith.constant 0 : i32
    %c0_i32_12 = arith.constant 0 : i32
    return %c0_i32, %shift_right_arithmetic3A_3, %shift_right_arithmetic3A_11 : i32, i32, i32
  }
  func.func @transform_13(%arg0: i32, %arg1: memref<1024xi32, #tpu.memory_space<smem>>, %arg2: memref<1024xi32, #tpu.memory_space<smem>>) -> (i32, i32, i32) {
    %mul3A = arith.constant 20 : i32
    %mul3A_0 = arith.muli %arg0, %mul3A : i32
    %add3A = arith.constant 13 : i32
    %add3A_1 = arith.addi %mul3A_0, %add3A : i32
    %get3A = arith.index_cast %add3A_1 : i32 to index
    %get3A_2 = memref.load %arg1[%get3A] : memref<1024xi32, #tpu.memory_space<smem>>
    %shift_right_arithmetic3A = arith.constant 3 : i32
    %shift_right_arithmetic3A_3 = arith.shrsi %get3A_2, %shift_right_arithmetic3A : i32
    %mul3A_4 = arith.constant 20 : i32
    %mul3A_5 = arith.muli %arg0, %mul3A_4 : i32
    %add3A_6 = arith.constant 13 : i32
    %add3A_7 = arith.addi %mul3A_5, %add3A_6 : i32
    %get3A_8 = arith.index_cast %add3A_7 : i32 to index
    %get3A_9 = memref.load %arg2[%get3A_8] : memref<1024xi32, #tpu.memory_space<smem>>
    %shift_right_arithmetic3A_10 = arith.constant 7 : i32
    %shift_right_arithmetic3A_11 = arith.shrsi %get3A_9, %shift_right_arithmetic3A_10 : i32
    %c0_i32 = arith.constant 0 : i32
    %c0_i32_12 = arith.constant 0 : i32
    return %c0_i32, %shift_right_arithmetic3A_3, %shift_right_arithmetic3A_11 : i32, i32, i32
  }
  func.func @transform_14(%arg0: i32, %arg1: memref<1024xi32, #tpu.memory_space<smem>>, %arg2: memref<1024xi32, #tpu.memory_space<smem>>) -> (i32, i32, i32) {
    %mul3A = arith.constant 20 : i32
    %mul3A_0 = arith.muli %arg0, %mul3A : i32
    %add3A = arith.constant 14 : i32
    %add3A_1 = arith.addi %mul3A_0, %add3A : i32
    %get3A = arith.index_cast %add3A_1 : i32 to index
    %get3A_2 = memref.load %arg1[%get3A] : memref<1024xi32, #tpu.memory_space<smem>>
    %shift_right_arithmetic3A = arith.constant 3 : i32
    %shift_right_arithmetic3A_3 = arith.shrsi %get3A_2, %shift_right_arithmetic3A : i32
    %mul3A_4 = arith.constant 20 : i32
    %mul3A_5 = arith.muli %arg0, %mul3A_4 : i32
    %add3A_6 = arith.constant 14 : i32
    %add3A_7 = arith.addi %mul3A_5, %add3A_6 : i32
    %get3A_8 = arith.index_cast %add3A_7 : i32 to index
    %get3A_9 = memref.load %arg2[%get3A_8] : memref<1024xi32, #tpu.memory_space<smem>>
    %shift_right_arithmetic3A_10 = arith.constant 7 : i32
    %shift_right_arithmetic3A_11 = arith.shrsi %get3A_9, %shift_right_arithmetic3A_10 : i32
    %c0_i32 = arith.constant 0 : i32
    %c0_i32_12 = arith.constant 0 : i32
    return %c0_i32, %shift_right_arithmetic3A_3, %shift_right_arithmetic3A_11 : i32, i32, i32
  }
  func.func @transform_15(%arg0: i32, %arg1: memref<1024xi32, #tpu.memory_space<smem>>, %arg2: memref<1024xi32, #tpu.memory_space<smem>>) -> (i32, i32, i32) {
    %mul3A = arith.constant 20 : i32
    %mul3A_0 = arith.muli %arg0, %mul3A : i32
    %add3A = arith.constant 15 : i32
    %add3A_1 = arith.addi %mul3A_0, %add3A : i32
    %get3A = arith.index_cast %add3A_1 : i32 to index
    %get3A_2 = memref.load %arg1[%get3A] : memref<1024xi32, #tpu.memory_space<smem>>
    %shift_right_arithmetic3A = arith.constant 3 : i32
    %shift_right_arithmetic3A_3 = arith.shrsi %get3A_2, %shift_right_arithmetic3A : i32
    %mul3A_4 = arith.constant 20 : i32
    %mul3A_5 = arith.muli %arg0, %mul3A_4 : i32
    %add3A_6 = arith.constant 15 : i32
    %add3A_7 = arith.addi %mul3A_5, %add3A_6 : i32
    %get3A_8 = arith.index_cast %add3A_7 : i32 to index
    %get3A_9 = memref.load %arg2[%get3A_8] : memref<1024xi32, #tpu.memory_space<smem>>
    %shift_right_arithmetic3A_10 = arith.constant 7 : i32
    %shift_right_arithmetic3A_11 = arith.shrsi %get3A_9, %shift_right_arithmetic3A_10 : i32
    %c0_i32 = arith.constant 0 : i32
    %c0_i32_12 = arith.constant 0 : i32
    return %c0_i32, %shift_right_arithmetic3A_3, %shift_right_arithmetic3A_11 : i32, i32, i32
  }
  func.func @transform_16(%arg0: i32, %arg1: memref<1024xi32, #tpu.memory_space<smem>>, %arg2: memref<1024xi32, #tpu.memory_space<smem>>) -> (i32, i32, i32) {
    %mul3A = arith.constant 20 : i32
    %mul3A_0 = arith.muli %arg0, %mul3A : i32
    %add3A = arith.constant 16 : i32
    %add3A_1 = arith.addi %mul3A_0, %add3A : i32
    %get3A = arith.index_cast %add3A_1 : i32 to index
    %get3A_2 = memref.load %arg1[%get3A] : memref<1024xi32, #tpu.memory_space<smem>>
    %shift_right_arithmetic3A = arith.constant 3 : i32
    %shift_right_arithmetic3A_3 = arith.shrsi %get3A_2, %shift_right_arithmetic3A : i32
    %mul3A_4 = arith.constant 20 : i32
    %mul3A_5 = arith.muli %arg0, %mul3A_4 : i32
    %add3A_6 = arith.constant 16 : i32
    %add3A_7 = arith.addi %mul3A_5, %add3A_6 : i32
    %get3A_8 = arith.index_cast %add3A_7 : i32 to index
    %get3A_9 = memref.load %arg2[%get3A_8] : memref<1024xi32, #tpu.memory_space<smem>>
    %shift_right_arithmetic3A_10 = arith.constant 7 : i32
    %shift_right_arithmetic3A_11 = arith.shrsi %get3A_9, %shift_right_arithmetic3A_10 : i32
    %c0_i32 = arith.constant 0 : i32
    %c0_i32_12 = arith.constant 0 : i32
    return %c0_i32, %shift_right_arithmetic3A_3, %shift_right_arithmetic3A_11 : i32, i32, i32
  }
  func.func @transform_17(%arg0: i32, %arg1: memref<1024xi32, #tpu.memory_space<smem>>, %arg2: memref<1024xi32, #tpu.memory_space<smem>>) -> (i32, i32, i32) {
    %mul3A = arith.constant 20 : i32
    %mul3A_0 = arith.muli %arg0, %mul3A : i32
    %add3A = arith.constant 17 : i32
    %add3A_1 = arith.addi %mul3A_0, %add3A : i32
    %get3A = arith.index_cast %add3A_1 : i32 to index
    %get3A_2 = memref.load %arg1[%get3A] : memref<1024xi32, #tpu.memory_space<smem>>
    %shift_right_arithmetic3A = arith.constant 3 : i32
    %shift_right_arithmetic3A_3 = arith.shrsi %get3A_2, %shift_right_arithmetic3A : i32
    %mul3A_4 = arith.constant 20 : i32
    %mul3A_5 = arith.muli %arg0, %mul3A_4 : i32
    %add3A_6 = arith.constant 17 : i32
    %add3A_7 = arith.addi %mul3A_5, %add3A_6 : i32
    %get3A_8 = arith.index_cast %add3A_7 : i32 to index
    %get3A_9 = memref.load %arg2[%get3A_8] : memref<1024xi32, #tpu.memory_space<smem>>
    %shift_right_arithmetic3A_10 = arith.constant 7 : i32
    %shift_right_arithmetic3A_11 = arith.shrsi %get3A_9, %shift_right_arithmetic3A_10 : i32
    %c0_i32 = arith.constant 0 : i32
    %c0_i32_12 = arith.constant 0 : i32
    return %c0_i32, %shift_right_arithmetic3A_3, %shift_right_arithmetic3A_11 : i32, i32, i32
  }
  func.func @transform_18(%arg0: i32, %arg1: memref<1024xi32, #tpu.memory_space<smem>>, %arg2: memref<1024xi32, #tpu.memory_space<smem>>) -> (i32, i32, i32) {
    %mul3A = arith.constant 20 : i32
    %mul3A_0 = arith.muli %arg0, %mul3A : i32
    %add3A = arith.constant 18 : i32
    %add3A_1 = arith.addi %mul3A_0, %add3A : i32
    %get3A = arith.index_cast %add3A_1 : i32 to index
    %get3A_2 = memref.load %arg1[%get3A] : memref<1024xi32, #tpu.memory_space<smem>>
    %shift_right_arithmetic3A = arith.constant 3 : i32
    %shift_right_arithmetic3A_3 = arith.shrsi %get3A_2, %shift_right_arithmetic3A : i32
    %mul3A_4 = arith.constant 20 : i32
    %mul3A_5 = arith.muli %arg0, %mul3A_4 : i32
    %add3A_6 = arith.constant 18 : i32
    %add3A_7 = arith.addi %mul3A_5, %add3A_6 : i32
    %get3A_8 = arith.index_cast %add3A_7 : i32 to index
    %get3A_9 = memref.load %arg2[%get3A_8] : memref<1024xi32, #tpu.memory_space<smem>>
    %shift_right_arithmetic3A_10 = arith.constant 7 : i32
    %shift_right_arithmetic3A_11 = arith.shrsi %get3A_9, %shift_right_arithmetic3A_10 : i32
    %c0_i32 = arith.constant 0 : i32
    %c0_i32_12 = arith.constant 0 : i32
    return %c0_i32, %shift_right_arithmetic3A_3, %shift_right_arithmetic3A_11 : i32, i32, i32
  }
  func.func @transform_19(%arg0: i32, %arg1: memref<1024xi32, #tpu.memory_space<smem>>, %arg2: memref<1024xi32, #tpu.memory_space<smem>>) -> (i32, i32, i32) {
    %mul3A = arith.constant 20 : i32
    %mul3A_0 = arith.muli %arg0, %mul3A : i32
    %add3A = arith.constant 19 : i32
    %add3A_1 = arith.addi %mul3A_0, %add3A : i32
    %get3A = arith.index_cast %add3A_1 : i32 to index
    %get3A_2 = memref.load %arg1[%get3A] : memref<1024xi32, #tpu.memory_space<smem>>
    %shift_right_arithmetic3A = arith.constant 3 : i32
    %shift_right_arithmetic3A_3 = arith.shrsi %get3A_2, %shift_right_arithmetic3A : i32
    %mul3A_4 = arith.constant 20 : i32
    %mul3A_5 = arith.muli %arg0, %mul3A_4 : i32
    %add3A_6 = arith.constant 19 : i32
    %add3A_7 = arith.addi %mul3A_5, %add3A_6 : i32
    %get3A_8 = arith.index_cast %add3A_7 : i32 to index
    %get3A_9 = memref.load %arg2[%get3A_8] : memref<1024xi32, #tpu.memory_space<smem>>
    %shift_right_arithmetic3A_10 = arith.constant 7 : i32
    %shift_right_arithmetic3A_11 = arith.shrsi %get3A_9, %shift_right_arithmetic3A_10 : i32
    %c0_i32 = arith.constant 0 : i32
    %c0_i32_12 = arith.constant 0 : i32
    return %c0_i32, %shift_right_arithmetic3A_3, %shift_right_arithmetic3A_11 : i32, i32, i32
  }
  func.func @transform_20(%arg0: i32, %arg1: memref<1024xi32, #tpu.memory_space<smem>>, %arg2: memref<1024xi32, #tpu.memory_space<smem>>) -> (i32, i32, i32) {
    %c0_i32 = arith.constant 0 : i32
    %c0_i32_0 = arith.constant 0 : i32
    %c0_i32_1 = arith.constant 0 : i32
    return %arg0, %c0_i32, %c0_i32_0 : i32, i32, i32
  }
}

module attributes {stable_mosaic.version = 14 : i64} {
  func.func @_objd_body(%arg0: i32, %arg1: memref<1x32x8400xf32, #tpu.memory_space<vmem>>, %arg2: memref<1x1xf32, #tpu.memory_space<smem>>) attributes {dimension_semantics = [#tpu.dimension_semantics<arbitrary>], iteration_bounds = array<i64: 1>, scalar_prefetch = 0 : i64, scratch_operands = 0 : i64, tpu.core_type = #tpu.core_type<tc>, window_params = [{transform_indices = @transform_0, window_bounds = array<i64: 1, 32, 8400>}, {transform_indices = @transform_1, window_bounds = array<i64: 1, 1>}]} {
    %get3A = arith.constant 0 : index
    %get3A_0 = arith.constant 0 : index
    %get3A_1 = arith.constant 0 : index
    %get3A_2 = vector.load %arg1[%get3A, %get3A_0, %get3A_1] : memref<1x32x8400xf32, #tpu.memory_space<vmem>>, vector<1x32x8400xf32>
    %get3A_3 = vector.shape_cast %get3A_2 : vector<1x32x8400xf32> to vector<32x8400xf32>
    %max3A = arith.constant 0.000000e+00 : f32
    %max3A_4 = vector.broadcast %max3A : f32 to vector<32x8400xf32>
    %max3A_5 = arith.maximumf %get3A_3, %max3A_4 : vector<32x8400xf32>
    %abs3A = math.absf %get3A_3 : vector<32x8400xf32>
    %neg3A = arith.constant 0.000000e+00 : f32
    %neg3A_6 = vector.broadcast %neg3A : f32 to vector<32x8400xf32>
    %neg3A_7 = arith.subf %neg3A_6, %abs3A : vector<32x8400xf32>
    %exp3A = math.exp %neg3A_7 : vector<32x8400xf32>
    %log1p3A = math.log1p %exp3A : vector<32x8400xf32>
    %add3A = arith.addf %max3A_5, %log1p3A : vector<32x8400xf32>
    %reduce_sum3A = vector.shape_cast %add3A : vector<32x8400xf32> to vector<1x32x8400xf32>
    %reduce_sum3A_8 = arith.constant dense<0.000000e+00> : vector<1xf32>
    %reduce_sum3A_9 = vector.multi_reduction <add>, %reduce_sum3A, %reduce_sum3A_8 [1, 2] : vector<1x32x8400xf32> to vector<1xf32>
    %reduce_sum3A_10 = vector.shape_cast %reduce_sum3A_9 : vector<1xf32> to vector<1x1x1xf32>
    %reduce_sum3A_11 = vector.extract %reduce_sum3A_10[0, 0, 0] : f32 from vector<1x1x1xf32>
    %swap3A = arith.constant 0 : index
    %swap3A_12 = arith.constant 0 : index
    %swap3A_13 = memref.load %arg2[%swap3A, %swap3A_12] : memref<1x1xf32, #tpu.memory_space<smem>>
    memref.store %reduce_sum3A_11, %arg2[%swap3A, %swap3A_12] : memref<1x1xf32, #tpu.memory_space<smem>>
    return
  }
  func.func @transform_0(%arg0: i32) -> (i32, i32, i32) {
    %c4_i32 = arith.constant 4 : i32
    %c0_i32 = arith.constant 0 : i32
    %c0_i32_0 = arith.constant 0 : i32
    %c0_i32_1 = arith.constant 0 : i32
    return %c4_i32, %c0_i32, %c0_i32_0 : i32, i32, i32
  }
  func.func @transform_1(%arg0: i32) -> (i32, i32) {
    %c0_i32 = arith.constant 0 : i32
    %c0_i32_0 = arith.constant 0 : i32
    %c0_i32_1 = arith.constant 0 : i32
    return %c0_i32, %c0_i32_0 : i32, i32
  }
}

module attributes {stable_mosaic.version = 14 : i64} {
  func.func @_fin_body(%arg0: memref<640x128xf32, #tpu.memory_space<vmem>>, %arg1: memref<208x8xf32, #tpu.memory_space<vmem>>, %arg2: memref<1x1xf32, #tpu.memory_space<smem>>, %arg3: memref<1x1xf32, #tpu.memory_space<smem>>, %arg4: memref<1x1xf32, #tpu.memory_space<smem>>) attributes {dimension_semantics = [], scalar_prefetch = 0 : i64, scratch_operands = 0 : i64, tpu.core_type = #tpu.core_type<tc>} {
    %get3A = arith.constant 0 : index
    %get3A_0 = arith.constant 0 : index
    %get3A_1 = memref.load %arg3[%get3A, %get3A_0] : memref<1x1xf32, #tpu.memory_space<smem>>
    %get3A_2 = arith.constant 0 : index
    %get3A_3 = arith.constant 0 : index
    %get3A_4 = memref.load %arg2[%get3A_2, %get3A_3] : memref<1x1xf32, #tpu.memory_space<smem>>
    %get3A_5 = arith.constant 0 : index
    %get3A_6 = arith.constant 0 : index
    %get3A_7 = vector.load %arg1[%get3A_5, %get3A_6] : memref<208x8xf32, #tpu.memory_space<vmem>>, vector<208x8xf32>
    %slice3A = vector.extract_strided_slice %get3A_7 {offsets = [0, 0], sizes = [208, 1], strides = [1, 1]} : vector<208x8xf32> to vector<208x1xf32>
    %squeeze3A = vector.shape_cast %slice3A : vector<208x1xf32> to vector<208xf32>
    %convert_element_type3A = arith.fptosi %squeeze3A : vector<208xf32> to vector<208xi32>
    %slice3A_8 = vector.extract_strided_slice %get3A_7 {offsets = [0, 1], sizes = [208, 1], strides = [1, 1]} : vector<208x8xf32> to vector<208x1xf32>
    %squeeze3A_9 = vector.shape_cast %slice3A_8 : vector<208x1xf32> to vector<208xf32>
    %convert_element_type3A_10 = arith.fptosi %squeeze3A_9 : vector<208xf32> to vector<208xi32>
    %slice3A_11 = vector.extract_strided_slice %get3A_7 {offsets = [0, 2], sizes = [208, 1], strides = [1, 1]} : vector<208x8xf32> to vector<208x1xf32>
    %squeeze3A_12 = vector.shape_cast %slice3A_11 : vector<208x1xf32> to vector<208xf32>
    %slice3A_13 = vector.extract_strided_slice %get3A_7 {offsets = [0, 3], sizes = [208, 1], strides = [1, 1]} : vector<208x8xf32> to vector<208x1xf32>
    %squeeze3A_14 = vector.shape_cast %slice3A_13 : vector<208x1xf32> to vector<208xf32>
    %slice3A_15 = vector.extract_strided_slice %get3A_7 {offsets = [0, 4], sizes = [208, 1], strides = [1, 1]} : vector<208x8xf32> to vector<208x1xf32>
    %squeeze3A_16 = vector.shape_cast %slice3A_15 : vector<208x1xf32> to vector<208xf32>
    %slice3A_17 = vector.extract_strided_slice %get3A_7 {offsets = [0, 5], sizes = [208, 1], strides = [1, 1]} : vector<208x8xf32> to vector<208x1xf32>
    %squeeze3A_18 = vector.shape_cast %slice3A_17 : vector<208x1xf32> to vector<208xf32>
    %iota3A = tpu.iota {dimensions = array<i32: 0>} : vector<208x208xi32>
    %iota3A_19 = tpu.iota {dimensions = array<i32: 1>} : vector<208x208xi32>
    %lt3A = arith.constant 200 : i32
    %lt3A_20 = vector.broadcast %lt3A : i32 to vector<208x208xi32>
    %lt3A_21 = arith.cmpi slt, %iota3A_19, %lt3A_20 : vector<208x208xi32>
    %gt3A = arith.cmpi sgt, %iota3A_19, %iota3A : vector<208x208xi32>
    %and3A = arith.andi %lt3A_21, %gt3A : vector<208x208xi1>
    %iota3A_22 = tpu.iota {dimensions = array<i32: 1>} : vector<1x208xi32>
    %iota3A_23 = vector.shape_cast %iota3A_22 : vector<1x208xi32> to vector<208xi32>
    %lt3A_24 = arith.constant 200 : i32
    %lt3A_25 = vector.broadcast %lt3A_24 : i32 to vector<208xi32>
    %lt3A_26 = arith.cmpi slt, %iota3A_23, %lt3A_25 : vector<208xi32>
    %convert_element_type3A_27 = arith.extui %lt3A_26 : vector<208xi1> to vector<208xi32>
    %convert_element_type3A_28 = arith.sitofp %convert_element_type3A_27 : vector<208xi32> to vector<208xf32>
    %broadcast_in_dim3A = vector.shape_cast %convert_element_type3A_10 : vector<208xi32> to vector<208x1xi32>
    %broadcast_in_dim3A_29 = vector.shape_cast %convert_element_type3A_10 : vector<208xi32> to vector<1x208xi32>
    %eq3A = vector.broadcast %broadcast_in_dim3A : vector<208x1xi32> to vector<208x208xi32>
    %eq3A_30 = vector.broadcast %broadcast_in_dim3A_29 : vector<1x208xi32> to vector<208x208xi32>
    %eq3A_31 = arith.cmpi eq, %eq3A, %eq3A_30 : vector<208x208xi32>
    %iota3A_32 = tpu.iota {dimensions = array<i32: 1>} : vector<208x80xi32>
    %broadcast_in_dim3A_33 = vector.shape_cast %convert_element_type3A_10 : vector<208xi32> to vector<208x1xi32>
    %eq3A_34 = vector.broadcast %broadcast_in_dim3A_33 : vector<208x1xi32> to vector<208x80xi32>
    %eq3A_35 = arith.cmpi eq, %eq3A_34, %iota3A_32 : vector<208x80xi32>
    %jit3A = arith.constant 1.000000e+00 : f32
    %jit3A_36 = arith.constant 0.000000e+00 : f32
    %broadcast_in_dim3A_37 = vector.broadcast %jit3A : f32 to vector<208x80xf32>
    %broadcast_in_dim3A_38 = vector.broadcast %jit3A_36 : f32 to vector<208x80xf32>
    %select_n3A = arith.select %eq3A_35, %broadcast_in_dim3A_37, %broadcast_in_dim3A_38 : vector<208x80xi1>, vector<208x80xf32>
    %mul3A = vector.broadcast %get3A_1 : f32 to vector<208xf32>
    %mul3A_39 = arith.mulf %squeeze3A_12, %mul3A : vector<208xf32>
    %div3A = arith.constant 8.000000e+00 : f32
    %div3A_40 = vector.broadcast %div3A : f32 to vector<208xf32>
    %div3A_41 = arith.divf %mul3A_39, %div3A_40 : vector<208xf32>
    %convert_element_type3A_42 = arith.fptosi %div3A_41 : vector<208xf32> to vector<208xi32>
    %jit3A_43 = arith.constant 0 : i32
    %jit3A_44 = arith.constant 79 : i32
    %max3A = vector.broadcast %jit3A_43 : i32 to vector<208xi32>
    %max3A_45 = arith.maxsi %max3A, %convert_element_type3A_42 : vector<208xi32>
    %min3A = vector.broadcast %jit3A_44 : i32 to vector<208xi32>
    %min3A_46 = arith.minsi %min3A, %max3A_45 : vector<208xi32>
    %mul3A_47 = vector.broadcast %get3A_1 : f32 to vector<208xf32>
    %mul3A_48 = arith.mulf %squeeze3A_14, %mul3A_47 : vector<208xf32>
    %div3A_49 = arith.constant 8.000000e+00 : f32
    %div3A_50 = vector.broadcast %div3A_49 : f32 to vector<208xf32>
    %div3A_51 = arith.divf %mul3A_48, %div3A_50 : vector<208xf32>
    %convert_element_type3A_52 = arith.fptosi %div3A_51 : vector<208xf32> to vector<208xi32>
    %jit3A_53 = arith.constant 0 : i32
    %jit3A_54 = arith.constant 79 : i32
    %max3A_55 = vector.broadcast %jit3A_53 : i32 to vector<208xi32>
    %max3A_56 = arith.maxsi %max3A_55, %convert_element_type3A_52 : vector<208xi32>
    %min3A_57 = vector.broadcast %jit3A_54 : i32 to vector<208xi32>
    %min3A_58 = arith.minsi %min3A_57, %max3A_56 : vector<208xi32>
    %mul3A_59 = arith.constant 8400 : i32
    %mul3A_60 = vector.broadcast %mul3A_59 : i32 to vector<208xi32>
    %mul3A_61 = arith.muli %convert_element_type3A, %mul3A_60 : vector<208xi32>
    %mul3A_62 = arith.constant 80 : i32
    %mul3A_63 = vector.broadcast %mul3A_62 : i32 to vector<208xi32>
    %mul3A_64 = arith.muli %min3A_58, %mul3A_63 : vector<208xi32>
    %add3A = arith.addi %mul3A_61, %mul3A_64 : vector<208xi32>
    %add3A_65 = arith.addi %add3A, %min3A_46 : vector<208xi32>
    %add3A_66 = arith.constant 0 : i32
    %add3A_67 = vector.broadcast %add3A_66 : i32 to vector<208xi32>
    %add3A_68 = arith.addi %add3A_65, %add3A_67 : vector<208xi32>
    %broadcast_in_dim3A_69 = vector.shape_cast %add3A_68 : vector<208xi32> to vector<208x1xi32>
    %broadcast_in_dim3A_70 = vector.shape_cast %add3A_68 : vector<208xi32> to vector<1x208xi32>
    %eq3A_71 = vector.broadcast %broadcast_in_dim3A_69 : vector<208x1xi32> to vector<208x208xi32>
    %eq3A_72 = vector.broadcast %broadcast_in_dim3A_70 : vector<1x208xi32> to vector<208x208xi32>
    %eq3A_73 = arith.cmpi eq, %eq3A_71, %eq3A_72 : vector<208x208xi32>
    %and3A_74 = arith.andi %eq3A_73, %and3A : vector<208x208xi1>
    %jit3A_75 = arith.constant 1.000000e+00 : f32
    %jit3A_76 = arith.constant 0.000000e+00 : f32
    %broadcast_in_dim3A_77 = vector.broadcast %jit3A_75 : f32 to vector<208x208xf32>
    %broadcast_in_dim3A_78 = vector.broadcast %jit3A_76 : f32 to vector<208x208xf32>
    %select_n3A_79 = arith.select %and3A_74, %broadcast_in_dim3A_77, %broadcast_in_dim3A_78 : vector<208x208xi1>, vector<208x208xf32>
    %reduce_sum3A = arith.constant dense<0.000000e+00> : vector<208xf32>
    %reduce_sum3A_80 = vector.multi_reduction <add>, %select_n3A_79, %reduce_sum3A [1] : vector<208x208xf32> to vector<208xf32>
    %gt3A_81 = arith.constant 0.000000e+00 : f32
    %gt3A_82 = vector.broadcast %gt3A_81 : f32 to vector<208xf32>
    %gt3A_83 = arith.cmpf ogt, %reduce_sum3A_80, %gt3A_82 : vector<208xf32>
    %jit3A_84 = arith.constant 0.000000e+00 : f32
    %jit3A_85 = arith.constant 1.000000e+00 : f32
    %broadcast_in_dim3A_86 = vector.broadcast %jit3A_84 : f32 to vector<208xf32>
    %broadcast_in_dim3A_87 = vector.broadcast %jit3A_85 : f32 to vector<208xf32>
    %select_n3A_88 = arith.select %gt3A_83, %broadcast_in_dim3A_86, %broadcast_in_dim3A_87 : vector<208xi1>, vector<208xf32>
    %mul3A_89 = arith.mulf %convert_element_type3A_28, %select_n3A_88 : vector<208xf32>
    %and3A_90 = arith.andi %eq3A_73, %eq3A_31 : vector<208x208xi1>
    %and3A_91 = arith.andi %and3A_90, %and3A : vector<208x208xi1>
    %jit3A_92 = arith.constant 1.000000e+00 : f32
    %jit3A_93 = arith.constant 0.000000e+00 : f32
    %broadcast_in_dim3A_94 = vector.broadcast %jit3A_92 : f32 to vector<208x208xf32>
    %broadcast_in_dim3A_95 = vector.broadcast %jit3A_93 : f32 to vector<208x208xf32>
    %select_n3A_96 = arith.select %and3A_91, %broadcast_in_dim3A_94, %broadcast_in_dim3A_95 : vector<208x208xi1>, vector<208x208xf32>
    %reduce_sum3A_97 = arith.constant dense<0.000000e+00> : vector<208xf32>
    %reduce_sum3A_98 = vector.multi_reduction <add>, %select_n3A_96, %reduce_sum3A_97 [1] : vector<208x208xf32> to vector<208xf32>
    %gt3A_99 = arith.constant 0.000000e+00 : f32
    %gt3A_100 = vector.broadcast %gt3A_99 : f32 to vector<208xf32>
    %gt3A_101 = arith.cmpf ogt, %reduce_sum3A_98, %gt3A_100 : vector<208xf32>
    %jit3A_102 = arith.constant 0.000000e+00 : f32
    %jit3A_103 = arith.constant 1.000000e+00 : f32
    %broadcast_in_dim3A_104 = vector.broadcast %jit3A_102 : f32 to vector<208xf32>
    %broadcast_in_dim3A_105 = vector.broadcast %jit3A_103 : f32 to vector<208xf32>
    %select_n3A_106 = arith.select %gt3A_101, %broadcast_in_dim3A_104, %broadcast_in_dim3A_105 : vector<208xi1>, vector<208xf32>
    %mul3A_107 = arith.mulf %convert_element_type3A_28, %select_n3A_106 : vector<208xf32>
    %get3A_108 = arith.constant 0 : index
    %get3A_109 = arith.constant 0 : index
    %get3A_110 = vector.load %arg0[%get3A_108, %get3A_109] : memref<640x128xf32, #tpu.memory_space<vmem>>, vector<208x1xf32>
    %get3A_111 = vector.shape_cast %get3A_110 : vector<208x1xf32> to vector<208xf32>
    %get3A_112 = arith.constant 0 : index
    %get3A_113 = arith.constant 1 : index
    %get3A_114 = vector.load %arg0[%get3A_112, %get3A_113] : memref<640x128xf32, #tpu.memory_space<vmem>>, vector<208x1xf32>
    %get3A_115 = vector.shape_cast %get3A_114 : vector<208x1xf32> to vector<208xf32>
    %get3A_116 = arith.constant 0 : index
    %get3A_117 = arith.constant 2 : index
    %get3A_118 = vector.load %arg0[%get3A_116, %get3A_117] : memref<640x128xf32, #tpu.memory_space<vmem>>, vector<208x1xf32>
    %get3A_119 = vector.shape_cast %get3A_118 : vector<208x1xf32> to vector<208xf32>
    %get3A_120 = arith.constant 0 : index
    %get3A_121 = arith.constant 3 : index
    %get3A_122 = vector.load %arg0[%get3A_120, %get3A_121] : memref<640x128xf32, #tpu.memory_space<vmem>>, vector<208x1xf32>
    %get3A_123 = vector.shape_cast %get3A_122 : vector<208x1xf32> to vector<208xf32>
    %get3A_124 = arith.constant 0 : index
    %get3A_125 = arith.constant 4 : index
    %get3A_126 = vector.load %arg0[%get3A_124, %get3A_125] : memref<640x128xf32, #tpu.memory_space<vmem>>, vector<208x1xf32>
    %get3A_127 = vector.shape_cast %get3A_126 : vector<208x1xf32> to vector<208xf32>
    %get3A_128 = arith.constant 0 : index
    %get3A_129 = arith.constant 5 : index
    %get3A_130 = vector.load %arg0[%get3A_128, %get3A_129] : memref<640x128xf32, #tpu.memory_space<vmem>>, vector<208x80xf32>
    %neg3A = arith.constant 0.000000e+00 : f32
    %neg3A_131 = vector.broadcast %neg3A : f32 to vector<208xf32>
    %neg3A_132 = arith.subf %neg3A_131, %get3A_111 : vector<208xf32>
    %exp3A = math.exp %neg3A_132 : vector<208xf32>
    %add3A_133 = arith.constant 1.000000e+00 : f32
    %add3A_134 = vector.broadcast %add3A_133 : f32 to vector<208xf32>
    %add3A_135 = arith.addf %add3A_134, %exp3A : vector<208xf32>
    %div3A_136 = arith.constant 1.000000e+00 : f32
    %div3A_137 = vector.broadcast %div3A_136 : f32 to vector<208xf32>
    %div3A_138 = arith.divf %div3A_137, %add3A_135 : vector<208xf32>
    %convert_element_type3A_139 = arith.sitofp %min3A_46 : vector<208xi32> to vector<208xf32>
    %add3A_140 = arith.addf %div3A_138, %convert_element_type3A_139 : vector<208xf32>
    %mul3A_141 = arith.constant 8.000000e+00 : f32
    %mul3A_142 = vector.broadcast %mul3A_141 : f32 to vector<208xf32>
    %mul3A_143 = arith.mulf %add3A_140, %mul3A_142 : vector<208xf32>
    %div3A_144 = vector.broadcast %get3A_1 : f32 to vector<208xf32>
    %div3A_145 = arith.divf %mul3A_143, %div3A_144 : vector<208xf32>
    %neg3A_146 = arith.constant 0.000000e+00 : f32
    %neg3A_147 = vector.broadcast %neg3A_146 : f32 to vector<208xf32>
    %neg3A_148 = arith.subf %neg3A_147, %get3A_115 : vector<208xf32>
    %exp3A_149 = math.exp %neg3A_148 : vector<208xf32>
    %add3A_150 = arith.constant 1.000000e+00 : f32
    %add3A_151 = vector.broadcast %add3A_150 : f32 to vector<208xf32>
    %add3A_152 = arith.addf %add3A_151, %exp3A_149 : vector<208xf32>
    %div3A_153 = arith.constant 1.000000e+00 : f32
    %div3A_154 = vector.broadcast %div3A_153 : f32 to vector<208xf32>
    %div3A_155 = arith.divf %div3A_154, %add3A_152 : vector<208xf32>
    %convert_element_type3A_156 = arith.sitofp %min3A_58 : vector<208xi32> to vector<208xf32>
    %add3A_157 = arith.addf %div3A_155, %convert_element_type3A_156 : vector<208xf32>
    %mul3A_158 = arith.constant 8.000000e+00 : f32
    %mul3A_159 = vector.broadcast %mul3A_158 : f32 to vector<208xf32>
    %mul3A_160 = arith.mulf %add3A_157, %mul3A_159 : vector<208xf32>
    %div3A_161 = vector.broadcast %get3A_1 : f32 to vector<208xf32>
    %div3A_162 = arith.divf %mul3A_160, %div3A_161 : vector<208xf32>
    %neg3A_163 = arith.constant 0.000000e+00 : f32
    %neg3A_164 = vector.broadcast %neg3A_163 : f32 to vector<208xf32>
    %neg3A_165 = arith.subf %neg3A_164, %get3A_119 : vector<208xf32>
    %exp3A_166 = math.exp %neg3A_165 : vector<208xf32>
    %add3A_167 = arith.constant 1.000000e+00 : f32
    %add3A_168 = vector.broadcast %add3A_167 : f32 to vector<208xf32>
    %add3A_169 = arith.addf %add3A_168, %exp3A_166 : vector<208xf32>
    %div3A_170 = arith.constant 1.000000e+00 : f32
    %div3A_171 = vector.broadcast %div3A_170 : f32 to vector<208xf32>
    %div3A_172 = arith.divf %div3A_171, %add3A_169 : vector<208xf32>
    %neg3A_173 = arith.constant 0.000000e+00 : f32
    %neg3A_174 = vector.broadcast %neg3A_173 : f32 to vector<208xf32>
    %neg3A_175 = arith.subf %neg3A_174, %get3A_123 : vector<208xf32>
    %exp3A_176 = math.exp %neg3A_175 : vector<208xf32>
    %add3A_177 = arith.constant 1.000000e+00 : f32
    %add3A_178 = vector.broadcast %add3A_177 : f32 to vector<208xf32>
    %add3A_179 = arith.addf %add3A_178, %exp3A_176 : vector<208xf32>
    %div3A_180 = arith.constant 1.000000e+00 : f32
    %div3A_181 = vector.broadcast %div3A_180 : f32 to vector<208xf32>
    %div3A_182 = arith.divf %div3A_181, %add3A_179 : vector<208xf32>
    %div3A_183 = arith.constant 2.000000e+00 : f32
    %div3A_184 = vector.broadcast %div3A_183 : f32 to vector<208xf32>
    %div3A_185 = arith.divf %div3A_172, %div3A_184 : vector<208xf32>
    %sub3A = arith.subf %div3A_145, %div3A_185 : vector<208xf32>
    %div3A_186 = arith.constant 2.000000e+00 : f32
    %div3A_187 = vector.broadcast %div3A_186 : f32 to vector<208xf32>
    %div3A_188 = arith.divf %div3A_172, %div3A_187 : vector<208xf32>
    %add3A_189 = arith.addf %div3A_145, %div3A_188 : vector<208xf32>
    %div3A_190 = arith.constant 2.000000e+00 : f32
    %div3A_191 = vector.broadcast %div3A_190 : f32 to vector<208xf32>
    %div3A_192 = arith.divf %div3A_182, %div3A_191 : vector<208xf32>
    %sub3A_193 = arith.subf %div3A_162, %div3A_192 : vector<208xf32>
    %div3A_194 = arith.constant 2.000000e+00 : f32
    %div3A_195 = vector.broadcast %div3A_194 : f32 to vector<208xf32>
    %div3A_196 = arith.divf %div3A_182, %div3A_195 : vector<208xf32>
    %add3A_197 = arith.addf %div3A_162, %div3A_196 : vector<208xf32>
    %div3A_198 = arith.constant 2.000000e+00 : f32
    %div3A_199 = vector.broadcast %div3A_198 : f32 to vector<208xf32>
    %div3A_200 = arith.divf %squeeze3A_16, %div3A_199 : vector<208xf32>
    %sub3A_201 = arith.subf %squeeze3A_12, %div3A_200 : vector<208xf32>
    %div3A_202 = arith.constant 2.000000e+00 : f32
    %div3A_203 = vector.broadcast %div3A_202 : f32 to vector<208xf32>
    %div3A_204 = arith.divf %squeeze3A_16, %div3A_203 : vector<208xf32>
    %add3A_205 = arith.addf %squeeze3A_12, %div3A_204 : vector<208xf32>
    %div3A_206 = arith.constant 2.000000e+00 : f32
    %div3A_207 = vector.broadcast %div3A_206 : f32 to vector<208xf32>
    %div3A_208 = arith.divf %squeeze3A_18, %div3A_207 : vector<208xf32>
    %sub3A_209 = arith.subf %squeeze3A_14, %div3A_208 : vector<208xf32>
    %div3A_210 = arith.constant 2.000000e+00 : f32
    %div3A_211 = vector.broadcast %div3A_210 : f32 to vector<208xf32>
    %div3A_212 = arith.divf %squeeze3A_18, %div3A_211 : vector<208xf32>
    %add3A_213 = arith.addf %squeeze3A_14, %div3A_212 : vector<208xf32>
    %max3A_214 = arith.maximumf %sub3A, %sub3A_201 : vector<208xf32>
    %max3A_215 = arith.maximumf %sub3A_193, %sub3A_209 : vector<208xf32>
    %min3A_216 = arith.minimumf %add3A_189, %add3A_205 : vector<208xf32>
    %min3A_217 = arith.minimumf %add3A_197, %add3A_213 : vector<208xf32>
    %sub3A_218 = arith.subf %min3A_216, %max3A_214 : vector<208xf32>
    %jit3A_219 = arith.constant 0.000000e+00 : f32
    %max3A_220 = vector.broadcast %jit3A_219 : f32 to vector<208xf32>
    %max3A_221 = arith.maximumf %max3A_220, %sub3A_218 : vector<208xf32>
    %sub3A_222 = arith.subf %min3A_217, %max3A_215 : vector<208xf32>
    %jit3A_223 = arith.constant 0.000000e+00 : f32
    %max3A_224 = vector.broadcast %jit3A_223 : f32 to vector<208xf32>
    %max3A_225 = arith.maximumf %max3A_224, %sub3A_222 : vector<208xf32>
    %mul3A_226 = arith.mulf %max3A_221, %max3A_225 : vector<208xf32>
    %sub3A_227 = arith.subf %add3A_189, %sub3A : vector<208xf32>
    %sub3A_228 = arith.subf %add3A_197, %sub3A_193 : vector<208xf32>
    %mul3A_229 = arith.mulf %sub3A_227, %sub3A_228 : vector<208xf32>
    %sub3A_230 = arith.subf %add3A_205, %sub3A_201 : vector<208xf32>
    %sub3A_231 = arith.subf %add3A_213, %sub3A_209 : vector<208xf32>
    %mul3A_232 = arith.mulf %sub3A_230, %sub3A_231 : vector<208xf32>
    %add3A_233 = arith.addf %mul3A_229, %mul3A_232 : vector<208xf32>
    %sub3A_234 = arith.subf %add3A_233, %mul3A_226 : vector<208xf32>
    %add3A_235 = arith.constant 1.000000e-07 : f32
    %add3A_236 = vector.broadcast %add3A_235 : f32 to vector<208xf32>
    %add3A_237 = arith.addf %sub3A_234, %add3A_236 : vector<208xf32>
    %div3A_238 = arith.divf %mul3A_226, %add3A_237 : vector<208xf32>
    %min3A_239 = arith.minimumf %sub3A, %sub3A_201 : vector<208xf32>
    %min3A_240 = arith.minimumf %sub3A_193, %sub3A_209 : vector<208xf32>
    %max3A_241 = arith.maximumf %add3A_189, %add3A_205 : vector<208xf32>
    %max3A_242 = arith.maximumf %add3A_197, %add3A_213 : vector<208xf32>
    %sub3A_243 = arith.subf %max3A_241, %min3A_239 : vector<208xf32>
    %integer_pow3A = arith.mulf %sub3A_243, %sub3A_243 : vector<208xf32>
    %sub3A_244 = arith.subf %max3A_242, %min3A_240 : vector<208xf32>
    %integer_pow3A_245 = arith.mulf %sub3A_244, %sub3A_244 : vector<208xf32>
    %add3A_246 = arith.addf %integer_pow3A, %integer_pow3A_245 : vector<208xf32>
    %add3A_247 = arith.constant 1.000000e-07 : f32
    %add3A_248 = vector.broadcast %add3A_247 : f32 to vector<208xf32>
    %add3A_249 = arith.addf %add3A_246, %add3A_248 : vector<208xf32>
    %add3A_250 = arith.addf %sub3A, %add3A_189 : vector<208xf32>
    %div3A_251 = arith.constant 2.000000e+00 : f32
    %div3A_252 = vector.broadcast %div3A_251 : f32 to vector<208xf32>
    %div3A_253 = arith.divf %add3A_250, %div3A_252 : vector<208xf32>
    %add3A_254 = arith.addf %sub3A_193, %add3A_197 : vector<208xf32>
    %div3A_255 = arith.constant 2.000000e+00 : f32
    %div3A_256 = vector.broadcast %div3A_255 : f32 to vector<208xf32>
    %div3A_257 = arith.divf %add3A_254, %div3A_256 : vector<208xf32>
    %add3A_258 = arith.addf %sub3A_201, %add3A_205 : vector<208xf32>
    %div3A_259 = arith.constant 2.000000e+00 : f32
    %div3A_260 = vector.broadcast %div3A_259 : f32 to vector<208xf32>
    %div3A_261 = arith.divf %add3A_258, %div3A_260 : vector<208xf32>
    %add3A_262 = arith.addf %sub3A_209, %add3A_213 : vector<208xf32>
    %div3A_263 = arith.constant 2.000000e+00 : f32
    %div3A_264 = vector.broadcast %div3A_263 : f32 to vector<208xf32>
    %div3A_265 = arith.divf %add3A_262, %div3A_264 : vector<208xf32>
    %sub3A_266 = arith.subf %div3A_253, %div3A_261 : vector<208xf32>
    %integer_pow3A_267 = arith.mulf %sub3A_266, %sub3A_266 : vector<208xf32>
    %sub3A_268 = arith.subf %div3A_257, %div3A_265 : vector<208xf32>
    %integer_pow3A_269 = arith.mulf %sub3A_268, %sub3A_268 : vector<208xf32>
    %add3A_270 = arith.addf %integer_pow3A_267, %integer_pow3A_269 : vector<208xf32>
    %add3A_271 = arith.constant 1.000000e-07 : f32
    %add3A_272 = vector.broadcast %add3A_271 : f32 to vector<208xf32>
    %add3A_273 = arith.addf %squeeze3A_18, %add3A_272 : vector<208xf32>
    %div3A_274 = arith.divf %squeeze3A_16, %add3A_273 : vector<208xf32>
    %gt3A_275 = arith.constant 2.41421366 : f32
    %gt3A_276 = vector.broadcast %gt3A_275 : f32 to vector<208xf32>
    %gt3A_277 = arith.cmpf ogt, %div3A_274, %gt3A_276 : vector<208xf32>
    %div3A_278 = arith.constant -1.000000e+00 : f32
    %div3A_279 = vector.broadcast %div3A_278 : f32 to vector<208xf32>
    %div3A_280 = arith.divf %div3A_279, %div3A_274 : vector<208xf32>
    %gt3A_281 = arith.constant 0.414213568 : f32
    %gt3A_282 = vector.broadcast %gt3A_281 : f32 to vector<208xf32>
    %gt3A_283 = arith.cmpf ogt, %div3A_274, %gt3A_282 : vector<208xf32>
    %sub3A_284 = arith.constant 1.000000e+00 : f32
    %sub3A_285 = vector.broadcast %sub3A_284 : f32 to vector<208xf32>
    %sub3A_286 = arith.subf %div3A_274, %sub3A_285 : vector<208xf32>
    %add3A_287 = arith.constant 1.000000e+00 : f32
    %add3A_288 = vector.broadcast %add3A_287 : f32 to vector<208xf32>
    %add3A_289 = arith.addf %div3A_274, %add3A_288 : vector<208xf32>
    %div3A_290 = arith.divf %sub3A_286, %add3A_289 : vector<208xf32>
    %select_n3A_291 = arith.select %gt3A_283, %div3A_290, %div3A_274 : vector<208xi1>, vector<208xf32>
    %select_n3A_292 = arith.select %gt3A_277, %div3A_280, %select_n3A_291 : vector<208xi1>, vector<208xf32>
    %gt3A_293 = arith.constant 2.41421366 : f32
    %gt3A_294 = vector.broadcast %gt3A_293 : f32 to vector<208xf32>
    %gt3A_295 = arith.cmpf ogt, %div3A_274, %gt3A_294 : vector<208xf32>
    %gt3A_296 = arith.constant 0.414213568 : f32
    %gt3A_297 = vector.broadcast %gt3A_296 : f32 to vector<208xf32>
    %gt3A_298 = arith.cmpf ogt, %div3A_274, %gt3A_297 : vector<208xf32>
    %jit3A_299 = arith.constant 0.785398185 : f32
    %jit3A_300 = arith.constant 0.000000e+00 : f32
    %broadcast_in_dim3A_301 = vector.broadcast %jit3A_299 : f32 to vector<208xf32>
    %broadcast_in_dim3A_302 = vector.broadcast %jit3A_300 : f32 to vector<208xf32>
    %select_n3A_303 = arith.select %gt3A_298, %broadcast_in_dim3A_301, %broadcast_in_dim3A_302 : vector<208xi1>, vector<208xf32>
    %jit3A_304 = arith.constant 1.57079637 : f32
    %broadcast_in_dim3A_305 = vector.broadcast %jit3A_304 : f32 to vector<208xf32>
    %select_n3A_306 = arith.select %gt3A_295, %broadcast_in_dim3A_305, %select_n3A_303 : vector<208xi1>, vector<208xf32>
    %mul3A_307 = arith.mulf %select_n3A_292, %select_n3A_292 : vector<208xf32>
    %mul3A_308 = arith.constant 0.0805374458 : f32
    %mul3A_309 = vector.broadcast %mul3A_308 : f32 to vector<208xf32>
    %mul3A_310 = arith.mulf %mul3A_309, %mul3A_307 : vector<208xf32>
    %sub3A_311 = arith.constant 0.138776854 : f32
    %sub3A_312 = vector.broadcast %sub3A_311 : f32 to vector<208xf32>
    %sub3A_313 = arith.subf %mul3A_310, %sub3A_312 : vector<208xf32>
    %mul3A_314 = arith.mulf %sub3A_313, %mul3A_307 : vector<208xf32>
    %add3A_315 = arith.constant 0.199777111 : f32
    %add3A_316 = vector.broadcast %add3A_315 : f32 to vector<208xf32>
    %add3A_317 = arith.addf %mul3A_314, %add3A_316 : vector<208xf32>
    %mul3A_318 = arith.mulf %add3A_317, %mul3A_307 : vector<208xf32>
    %sub3A_319 = arith.constant 0.333329499 : f32
    %sub3A_320 = vector.broadcast %sub3A_319 : f32 to vector<208xf32>
    %sub3A_321 = arith.subf %mul3A_318, %sub3A_320 : vector<208xf32>
    %mul3A_322 = arith.mulf %sub3A_321, %mul3A_307 : vector<208xf32>
    %mul3A_323 = arith.mulf %mul3A_322, %select_n3A_292 : vector<208xf32>
    %add3A_324 = arith.addf %mul3A_323, %select_n3A_292 : vector<208xf32>
    %add3A_325 = arith.addf %select_n3A_306, %add3A_324 : vector<208xf32>
    %add3A_326 = arith.constant 1.000000e-07 : f32
    %add3A_327 = vector.broadcast %add3A_326 : f32 to vector<208xf32>
    %add3A_328 = arith.addf %div3A_182, %add3A_327 : vector<208xf32>
    %div3A_329 = arith.divf %div3A_172, %add3A_328 : vector<208xf32>
    %gt3A_330 = arith.constant 2.41421366 : f32
    %gt3A_331 = vector.broadcast %gt3A_330 : f32 to vector<208xf32>
    %gt3A_332 = arith.cmpf ogt, %div3A_329, %gt3A_331 : vector<208xf32>
    %div3A_333 = arith.constant -1.000000e+00 : f32
    %div3A_334 = vector.broadcast %div3A_333 : f32 to vector<208xf32>
    %div3A_335 = arith.divf %div3A_334, %div3A_329 : vector<208xf32>
    %gt3A_336 = arith.constant 0.414213568 : f32
    %gt3A_337 = vector.broadcast %gt3A_336 : f32 to vector<208xf32>
    %gt3A_338 = arith.cmpf ogt, %div3A_329, %gt3A_337 : vector<208xf32>
    %sub3A_339 = arith.constant 1.000000e+00 : f32
    %sub3A_340 = vector.broadcast %sub3A_339 : f32 to vector<208xf32>
    %sub3A_341 = arith.subf %div3A_329, %sub3A_340 : vector<208xf32>
    %add3A_342 = arith.constant 1.000000e+00 : f32
    %add3A_343 = vector.broadcast %add3A_342 : f32 to vector<208xf32>
    %add3A_344 = arith.addf %div3A_329, %add3A_343 : vector<208xf32>
    %div3A_345 = arith.divf %sub3A_341, %add3A_344 : vector<208xf32>
    %select_n3A_346 = arith.select %gt3A_338, %div3A_345, %div3A_329 : vector<208xi1>, vector<208xf32>
    %select_n3A_347 = arith.select %gt3A_332, %div3A_335, %select_n3A_346 : vector<208xi1>, vector<208xf32>
    %gt3A_348 = arith.constant 2.41421366 : f32
    %gt3A_349 = vector.broadcast %gt3A_348 : f32 to vector<208xf32>
    %gt3A_350 = arith.cmpf ogt, %div3A_329, %gt3A_349 : vector<208xf32>
    %gt3A_351 = arith.constant 0.414213568 : f32
    %gt3A_352 = vector.broadcast %gt3A_351 : f32 to vector<208xf32>
    %gt3A_353 = arith.cmpf ogt, %div3A_329, %gt3A_352 : vector<208xf32>
    %jit3A_354 = arith.constant 0.785398185 : f32
    %jit3A_355 = arith.constant 0.000000e+00 : f32
    %broadcast_in_dim3A_356 = vector.broadcast %jit3A_354 : f32 to vector<208xf32>
    %broadcast_in_dim3A_357 = vector.broadcast %jit3A_355 : f32 to vector<208xf32>
    %select_n3A_358 = arith.select %gt3A_353, %broadcast_in_dim3A_356, %broadcast_in_dim3A_357 : vector<208xi1>, vector<208xf32>
    %jit3A_359 = arith.constant 1.57079637 : f32
    %broadcast_in_dim3A_360 = vector.broadcast %jit3A_359 : f32 to vector<208xf32>
    %select_n3A_361 = arith.select %gt3A_350, %broadcast_in_dim3A_360, %select_n3A_358 : vector<208xi1>, vector<208xf32>
    %mul3A_362 = arith.mulf %select_n3A_347, %select_n3A_347 : vector<208xf32>
    %mul3A_363 = arith.constant 0.0805374458 : f32
    %mul3A_364 = vector.broadcast %mul3A_363 : f32 to vector<208xf32>
    %mul3A_365 = arith.mulf %mul3A_364, %mul3A_362 : vector<208xf32>
    %sub3A_366 = arith.constant 0.138776854 : f32
    %sub3A_367 = vector.broadcast %sub3A_366 : f32 to vector<208xf32>
    %sub3A_368 = arith.subf %mul3A_365, %sub3A_367 : vector<208xf32>
    %mul3A_369 = arith.mulf %sub3A_368, %mul3A_362 : vector<208xf32>
    %add3A_370 = arith.constant 0.199777111 : f32
    %add3A_371 = vector.broadcast %add3A_370 : f32 to vector<208xf32>
    %add3A_372 = arith.addf %mul3A_369, %add3A_371 : vector<208xf32>
    %mul3A_373 = arith.mulf %add3A_372, %mul3A_362 : vector<208xf32>
    %sub3A_374 = arith.constant 0.333329499 : f32
    %sub3A_375 = vector.broadcast %sub3A_374 : f32 to vector<208xf32>
    %sub3A_376 = arith.subf %mul3A_373, %sub3A_375 : vector<208xf32>
    %mul3A_377 = arith.mulf %sub3A_376, %mul3A_362 : vector<208xf32>
    %mul3A_378 = arith.mulf %mul3A_377, %select_n3A_347 : vector<208xf32>
    %add3A_379 = arith.addf %mul3A_378, %select_n3A_347 : vector<208xf32>
    %add3A_380 = arith.addf %select_n3A_361, %add3A_379 : vector<208xf32>
    %sub3A_381 = arith.subf %add3A_325, %add3A_380 : vector<208xf32>
    %integer_pow3A_382 = arith.mulf %sub3A_381, %sub3A_381 : vector<208xf32>
    %mul3A_383 = arith.constant 0.405284733 : f32
    %mul3A_384 = vector.broadcast %mul3A_383 : f32 to vector<208xf32>
    %mul3A_385 = arith.mulf %mul3A_384, %integer_pow3A_382 : vector<208xf32>
    %sub3A_386 = arith.constant 1.000000e+00 : f32
    %sub3A_387 = vector.broadcast %sub3A_386 : f32 to vector<208xf32>
    %sub3A_388 = arith.subf %sub3A_387, %div3A_238 : vector<208xf32>
    %add3A_389 = arith.addf %sub3A_388, %mul3A_385 : vector<208xf32>
    %add3A_390 = arith.constant 1.000000e-07 : f32
    %add3A_391 = vector.broadcast %add3A_390 : f32 to vector<208xf32>
    %add3A_392 = arith.addf %add3A_389, %add3A_391 : vector<208xf32>
    %div3A_393 = arith.divf %mul3A_385, %add3A_392 : vector<208xf32>
    %div3A_394 = arith.divf %add3A_270, %add3A_249 : vector<208xf32>
    %sub3A_395 = arith.subf %div3A_238, %div3A_394 : vector<208xf32>
    %mul3A_396 = arith.mulf %div3A_393, %mul3A_385 : vector<208xf32>
    %sub3A_397 = arith.subf %sub3A_395, %mul3A_396 : vector<208xf32>
    %reduce_sum3A_398 = vector.shape_cast %mul3A_89 : vector<208xf32> to vector<1x208xf32>
    %reduce_sum3A_399 = arith.constant dense<0.000000e+00> : vector<1xf32>
    %reduce_sum3A_400 = vector.multi_reduction <add>, %reduce_sum3A_398, %reduce_sum3A_399 [1] : vector<1x208xf32> to vector<1xf32>
    %reduce_sum3A_401 = vector.shape_cast %reduce_sum3A_400 : vector<1xf32> to vector<1x1xf32>
    %reduce_sum3A_402 = vector.extract %reduce_sum3A_401[0, 0] : f32 from vector<1x1xf32>
    %add3A_403 = arith.constant 0.000000e+00 : f32
    %add3A_404 = arith.addf %add3A_403, %reduce_sum3A_402 : f32
    %mul3A_405 = arith.mulf %mul3A_89, %get3A_127 : vector<208xf32>
    %reduce_sum3A_406 = vector.shape_cast %mul3A_405 : vector<208xf32> to vector<1x208xf32>
    %reduce_sum3A_407 = arith.constant dense<0.000000e+00> : vector<1xf32>
    %reduce_sum3A_408 = vector.multi_reduction <add>, %reduce_sum3A_406, %reduce_sum3A_407 [1] : vector<1x208xf32> to vector<1xf32>
    %reduce_sum3A_409 = vector.shape_cast %reduce_sum3A_408 : vector<1xf32> to vector<1x1xf32>
    %reduce_sum3A_410 = vector.extract %reduce_sum3A_409[0, 0] : f32 from vector<1x1xf32>
    %add3A_411 = arith.constant 0.000000e+00 : f32
    %add3A_412 = arith.addf %add3A_411, %reduce_sum3A_410 : f32
    %sub3A_413 = arith.constant 1.000000e+00 : f32
    %sub3A_414 = vector.broadcast %sub3A_413 : f32 to vector<208xf32>
    %sub3A_415 = arith.subf %sub3A_414, %sub3A_397 : vector<208xf32>
    %mul3A_416 = arith.mulf %mul3A_89, %sub3A_415 : vector<208xf32>
    %reduce_sum3A_417 = vector.shape_cast %mul3A_416 : vector<208xf32> to vector<1x208xf32>
    %reduce_sum3A_418 = arith.constant dense<0.000000e+00> : vector<1xf32>
    %reduce_sum3A_419 = vector.multi_reduction <add>, %reduce_sum3A_417, %reduce_sum3A_418 [1] : vector<1x208xf32> to vector<1xf32>
    %reduce_sum3A_420 = vector.shape_cast %reduce_sum3A_419 : vector<1xf32> to vector<1x1xf32>
    %reduce_sum3A_421 = vector.extract %reduce_sum3A_420[0, 0] : f32 from vector<1x1xf32>
    %add3A_422 = arith.constant 0.000000e+00 : f32
    %add3A_423 = arith.addf %add3A_422, %reduce_sum3A_421 : f32
    %broadcast_in_dim3A_424 = vector.shape_cast %mul3A_89 : vector<208xf32> to vector<208x1xf32>
    %max3A_425 = arith.constant 0.000000e+00 : f32
    %max3A_426 = vector.broadcast %max3A_425 : f32 to vector<208x80xf32>
    %max3A_427 = arith.maximumf %get3A_130, %max3A_426 : vector<208x80xf32>
    %abs3A = math.absf %get3A_130 : vector<208x80xf32>
    %neg3A_428 = arith.constant 0.000000e+00 : f32
    %neg3A_429 = vector.broadcast %neg3A_428 : f32 to vector<208x80xf32>
    %neg3A_430 = arith.subf %neg3A_429, %abs3A : vector<208x80xf32>
    %exp3A_431 = math.exp %neg3A_430 : vector<208x80xf32>
    %log1p3A = math.log1p %exp3A_431 : vector<208x80xf32>
    %add3A_432 = arith.addf %max3A_427, %log1p3A : vector<208x80xf32>
    %mul3A_433 = vector.broadcast %broadcast_in_dim3A_424 : vector<208x1xf32> to vector<208x80xf32>
    %mul3A_434 = arith.mulf %mul3A_433, %add3A_432 : vector<208x80xf32>
    %reduce_sum3A_435 = vector.shape_cast %mul3A_434 : vector<208x80xf32> to vector<1x208x80xf32>
    %reduce_sum3A_436 = arith.constant dense<0.000000e+00> : vector<1xf32>
    %reduce_sum3A_437 = vector.multi_reduction <add>, %reduce_sum3A_435, %reduce_sum3A_436 [1, 2] : vector<1x208x80xf32> to vector<1xf32>
    %reduce_sum3A_438 = vector.shape_cast %reduce_sum3A_437 : vector<1xf32> to vector<1x1x1xf32>
    %reduce_sum3A_439 = vector.extract %reduce_sum3A_438[0, 0, 0] : f32 from vector<1x1x1xf32>
    %add3A_440 = arith.constant 0.000000e+00 : f32
    %add3A_441 = arith.addf %add3A_440, %reduce_sum3A_439 : f32
    %broadcast_in_dim3A_442 = vector.shape_cast %mul3A_107 : vector<208xf32> to vector<208x1xf32>
    %mul3A_443 = vector.broadcast %broadcast_in_dim3A_442 : vector<208x1xf32> to vector<208x80xf32>
    %mul3A_444 = arith.mulf %mul3A_443, %select_n3A : vector<208x80xf32>
    %mul3A_445 = arith.mulf %mul3A_444, %get3A_130 : vector<208x80xf32>
    %reduce_sum3A_446 = vector.shape_cast %mul3A_445 : vector<208x80xf32> to vector<1x208x80xf32>
    %reduce_sum3A_447 = arith.constant dense<0.000000e+00> : vector<1xf32>
    %reduce_sum3A_448 = vector.multi_reduction <add>, %reduce_sum3A_446, %reduce_sum3A_447 [1, 2] : vector<1x208x80xf32> to vector<1xf32>
    %reduce_sum3A_449 = vector.shape_cast %reduce_sum3A_448 : vector<1xf32> to vector<1x1x1xf32>
    %reduce_sum3A_450 = vector.extract %reduce_sum3A_449[0, 0, 0] : f32 from vector<1x1x1xf32>
    %add3A_451 = arith.constant 0.000000e+00 : f32
    %add3A_452 = arith.addf %add3A_451, %reduce_sum3A_450 : f32
    %mul3A_453 = vector.broadcast %get3A_1 : f32 to vector<208xf32>
    %mul3A_454 = arith.mulf %squeeze3A_12, %mul3A_453 : vector<208xf32>
    %div3A_455 = arith.constant 1.600000e+01 : f32
    %div3A_456 = vector.broadcast %div3A_455 : f32 to vector<208xf32>
    %div3A_457 = arith.divf %mul3A_454, %div3A_456 : vector<208xf32>
    %convert_element_type3A_458 = arith.fptosi %div3A_457 : vector<208xf32> to vector<208xi32>
    %jit3A_459 = arith.constant 0 : i32
    %jit3A_460 = arith.constant 39 : i32
    %max3A_461 = vector.broadcast %jit3A_459 : i32 to vector<208xi32>
    %max3A_462 = arith.maxsi %max3A_461, %convert_element_type3A_458 : vector<208xi32>
    %min3A_463 = vector.broadcast %jit3A_460 : i32 to vector<208xi32>
    %min3A_464 = arith.minsi %min3A_463, %max3A_462 : vector<208xi32>
    %mul3A_465 = vector.broadcast %get3A_1 : f32 to vector<208xf32>
    %mul3A_466 = arith.mulf %squeeze3A_14, %mul3A_465 : vector<208xf32>
    %div3A_467 = arith.constant 1.600000e+01 : f32
    %div3A_468 = vector.broadcast %div3A_467 : f32 to vector<208xf32>
    %div3A_469 = arith.divf %mul3A_466, %div3A_468 : vector<208xf32>
    %convert_element_type3A_470 = arith.fptosi %div3A_469 : vector<208xf32> to vector<208xi32>
    %jit3A_471 = arith.constant 0 : i32
    %jit3A_472 = arith.constant 39 : i32
    %max3A_473 = vector.broadcast %jit3A_471 : i32 to vector<208xi32>
    %max3A_474 = arith.maxsi %max3A_473, %convert_element_type3A_470 : vector<208xi32>
    %min3A_475 = vector.broadcast %jit3A_472 : i32 to vector<208xi32>
    %min3A_476 = arith.minsi %min3A_475, %max3A_474 : vector<208xi32>
    %mul3A_477 = arith.constant 8400 : i32
    %mul3A_478 = vector.broadcast %mul3A_477 : i32 to vector<208xi32>
    %mul3A_479 = arith.muli %convert_element_type3A, %mul3A_478 : vector<208xi32>
    %mul3A_480 = arith.constant 40 : i32
    %mul3A_481 = vector.broadcast %mul3A_480 : i32 to vector<208xi32>
    %mul3A_482 = arith.muli %min3A_476, %mul3A_481 : vector<208xi32>
    %add3A_483 = arith.addi %mul3A_479, %mul3A_482 : vector<208xi32>
    %add3A_484 = arith.addi %add3A_483, %min3A_464 : vector<208xi32>
    %add3A_485 = arith.constant 6400 : i32
    %add3A_486 = vector.broadcast %add3A_485 : i32 to vector<208xi32>
    %add3A_487 = arith.addi %add3A_484, %add3A_486 : vector<208xi32>
    %broadcast_in_dim3A_488 = vector.shape_cast %add3A_487 : vector<208xi32> to vector<208x1xi32>
    %broadcast_in_dim3A_489 = vector.shape_cast %add3A_487 : vector<208xi32> to vector<1x208xi32>
    %eq3A_490 = vector.broadcast %broadcast_in_dim3A_488 : vector<208x1xi32> to vector<208x208xi32>
    %eq3A_491 = vector.broadcast %broadcast_in_dim3A_489 : vector<1x208xi32> to vector<208x208xi32>
    %eq3A_492 = arith.cmpi eq, %eq3A_490, %eq3A_491 : vector<208x208xi32>
    %and3A_493 = arith.andi %eq3A_492, %and3A : vector<208x208xi1>
    %jit3A_494 = arith.constant 1.000000e+00 : f32
    %jit3A_495 = arith.constant 0.000000e+00 : f32
    %broadcast_in_dim3A_496 = vector.broadcast %jit3A_494 : f32 to vector<208x208xf32>
    %broadcast_in_dim3A_497 = vector.broadcast %jit3A_495 : f32 to vector<208x208xf32>
    %select_n3A_498 = arith.select %and3A_493, %broadcast_in_dim3A_496, %broadcast_in_dim3A_497 : vector<208x208xi1>, vector<208x208xf32>
    %reduce_sum3A_499 = arith.constant dense<0.000000e+00> : vector<208xf32>
    %reduce_sum3A_500 = vector.multi_reduction <add>, %select_n3A_498, %reduce_sum3A_499 [1] : vector<208x208xf32> to vector<208xf32>
    %gt3A_501 = arith.constant 0.000000e+00 : f32
    %gt3A_502 = vector.broadcast %gt3A_501 : f32 to vector<208xf32>
    %gt3A_503 = arith.cmpf ogt, %reduce_sum3A_500, %gt3A_502 : vector<208xf32>
    %jit3A_504 = arith.constant 0.000000e+00 : f32
    %jit3A_505 = arith.constant 1.000000e+00 : f32
    %broadcast_in_dim3A_506 = vector.broadcast %jit3A_504 : f32 to vector<208xf32>
    %broadcast_in_dim3A_507 = vector.broadcast %jit3A_505 : f32 to vector<208xf32>
    %select_n3A_508 = arith.select %gt3A_503, %broadcast_in_dim3A_506, %broadcast_in_dim3A_507 : vector<208xi1>, vector<208xf32>
    %mul3A_509 = arith.mulf %convert_element_type3A_28, %select_n3A_508 : vector<208xf32>
    %and3A_510 = arith.andi %eq3A_492, %eq3A_31 : vector<208x208xi1>
    %and3A_511 = arith.andi %and3A_510, %and3A : vector<208x208xi1>
    %jit3A_512 = arith.constant 1.000000e+00 : f32
    %jit3A_513 = arith.constant 0.000000e+00 : f32
    %broadcast_in_dim3A_514 = vector.broadcast %jit3A_512 : f32 to vector<208x208xf32>
    %broadcast_in_dim3A_515 = vector.broadcast %jit3A_513 : f32 to vector<208x208xf32>
    %select_n3A_516 = arith.select %and3A_511, %broadcast_in_dim3A_514, %broadcast_in_dim3A_515 : vector<208x208xi1>, vector<208x208xf32>
    %reduce_sum3A_517 = arith.constant dense<0.000000e+00> : vector<208xf32>
    %reduce_sum3A_518 = vector.multi_reduction <add>, %select_n3A_516, %reduce_sum3A_517 [1] : vector<208x208xf32> to vector<208xf32>
    %gt3A_519 = arith.constant 0.000000e+00 : f32
    %gt3A_520 = vector.broadcast %gt3A_519 : f32 to vector<208xf32>
    %gt3A_521 = arith.cmpf ogt, %reduce_sum3A_518, %gt3A_520 : vector<208xf32>
    %jit3A_522 = arith.constant 0.000000e+00 : f32
    %jit3A_523 = arith.constant 1.000000e+00 : f32
    %broadcast_in_dim3A_524 = vector.broadcast %jit3A_522 : f32 to vector<208xf32>
    %broadcast_in_dim3A_525 = vector.broadcast %jit3A_523 : f32 to vector<208xf32>
    %select_n3A_526 = arith.select %gt3A_521, %broadcast_in_dim3A_524, %broadcast_in_dim3A_525 : vector<208xi1>, vector<208xf32>
    %mul3A_527 = arith.mulf %convert_element_type3A_28, %select_n3A_526 : vector<208xf32>
    %get3A_528 = arith.constant 208 : index
    %get3A_529 = arith.constant 0 : index
    %get3A_530 = vector.load %arg0[%get3A_528, %get3A_529] : memref<640x128xf32, #tpu.memory_space<vmem>>, vector<208x1xf32>
    %get3A_531 = vector.shape_cast %get3A_530 : vector<208x1xf32> to vector<208xf32>
    %get3A_532 = arith.constant 208 : index
    %get3A_533 = arith.constant 1 : index
    %get3A_534 = vector.load %arg0[%get3A_532, %get3A_533] : memref<640x128xf32, #tpu.memory_space<vmem>>, vector<208x1xf32>
    %get3A_535 = vector.shape_cast %get3A_534 : vector<208x1xf32> to vector<208xf32>
    %get3A_536 = arith.constant 208 : index
    %get3A_537 = arith.constant 2 : index
    %get3A_538 = vector.load %arg0[%get3A_536, %get3A_537] : memref<640x128xf32, #tpu.memory_space<vmem>>, vector<208x1xf32>
    %get3A_539 = vector.shape_cast %get3A_538 : vector<208x1xf32> to vector<208xf32>
    %get3A_540 = arith.constant 208 : index
    %get3A_541 = arith.constant 3 : index
    %get3A_542 = vector.load %arg0[%get3A_540, %get3A_541] : memref<640x128xf32, #tpu.memory_space<vmem>>, vector<208x1xf32>
    %get3A_543 = vector.shape_cast %get3A_542 : vector<208x1xf32> to vector<208xf32>
    %get3A_544 = arith.constant 208 : index
    %get3A_545 = arith.constant 4 : index
    %get3A_546 = vector.load %arg0[%get3A_544, %get3A_545] : memref<640x128xf32, #tpu.memory_space<vmem>>, vector<208x1xf32>
    %get3A_547 = vector.shape_cast %get3A_546 : vector<208x1xf32> to vector<208xf32>
    %get3A_548 = arith.constant 208 : index
    %get3A_549 = arith.constant 5 : index
    %get3A_550 = vector.load %arg0[%get3A_548, %get3A_549] : memref<640x128xf32, #tpu.memory_space<vmem>>, vector<208x80xf32>
    %neg3A_551 = arith.constant 0.000000e+00 : f32
    %neg3A_552 = vector.broadcast %neg3A_551 : f32 to vector<208xf32>
    %neg3A_553 = arith.subf %neg3A_552, %get3A_531 : vector<208xf32>
    %exp3A_554 = math.exp %neg3A_553 : vector<208xf32>
    %add3A_555 = arith.constant 1.000000e+00 : f32
    %add3A_556 = vector.broadcast %add3A_555 : f32 to vector<208xf32>
    %add3A_557 = arith.addf %add3A_556, %exp3A_554 : vector<208xf32>
    %div3A_558 = arith.constant 1.000000e+00 : f32
    %div3A_559 = vector.broadcast %div3A_558 : f32 to vector<208xf32>
    %div3A_560 = arith.divf %div3A_559, %add3A_557 : vector<208xf32>
    %convert_element_type3A_561 = arith.sitofp %min3A_464 : vector<208xi32> to vector<208xf32>
    %add3A_562 = arith.addf %div3A_560, %convert_element_type3A_561 : vector<208xf32>
    %mul3A_563 = arith.constant 1.600000e+01 : f32
    %mul3A_564 = vector.broadcast %mul3A_563 : f32 to vector<208xf32>
    %mul3A_565 = arith.mulf %add3A_562, %mul3A_564 : vector<208xf32>
    %div3A_566 = vector.broadcast %get3A_1 : f32 to vector<208xf32>
    %div3A_567 = arith.divf %mul3A_565, %div3A_566 : vector<208xf32>
    %neg3A_568 = arith.constant 0.000000e+00 : f32
    %neg3A_569 = vector.broadcast %neg3A_568 : f32 to vector<208xf32>
    %neg3A_570 = arith.subf %neg3A_569, %get3A_535 : vector<208xf32>
    %exp3A_571 = math.exp %neg3A_570 : vector<208xf32>
    %add3A_572 = arith.constant 1.000000e+00 : f32
    %add3A_573 = vector.broadcast %add3A_572 : f32 to vector<208xf32>
    %add3A_574 = arith.addf %add3A_573, %exp3A_571 : vector<208xf32>
    %div3A_575 = arith.constant 1.000000e+00 : f32
    %div3A_576 = vector.broadcast %div3A_575 : f32 to vector<208xf32>
    %div3A_577 = arith.divf %div3A_576, %add3A_574 : vector<208xf32>
    %convert_element_type3A_578 = arith.sitofp %min3A_476 : vector<208xi32> to vector<208xf32>
    %add3A_579 = arith.addf %div3A_577, %convert_element_type3A_578 : vector<208xf32>
    %mul3A_580 = arith.constant 1.600000e+01 : f32
    %mul3A_581 = vector.broadcast %mul3A_580 : f32 to vector<208xf32>
    %mul3A_582 = arith.mulf %add3A_579, %mul3A_581 : vector<208xf32>
    %div3A_583 = vector.broadcast %get3A_1 : f32 to vector<208xf32>
    %div3A_584 = arith.divf %mul3A_582, %div3A_583 : vector<208xf32>
    %neg3A_585 = arith.constant 0.000000e+00 : f32
    %neg3A_586 = vector.broadcast %neg3A_585 : f32 to vector<208xf32>
    %neg3A_587 = arith.subf %neg3A_586, %get3A_539 : vector<208xf32>
    %exp3A_588 = math.exp %neg3A_587 : vector<208xf32>
    %add3A_589 = arith.constant 1.000000e+00 : f32
    %add3A_590 = vector.broadcast %add3A_589 : f32 to vector<208xf32>
    %add3A_591 = arith.addf %add3A_590, %exp3A_588 : vector<208xf32>
    %div3A_592 = arith.constant 1.000000e+00 : f32
    %div3A_593 = vector.broadcast %div3A_592 : f32 to vector<208xf32>
    %div3A_594 = arith.divf %div3A_593, %add3A_591 : vector<208xf32>
    %neg3A_595 = arith.constant 0.000000e+00 : f32
    %neg3A_596 = vector.broadcast %neg3A_595 : f32 to vector<208xf32>
    %neg3A_597 = arith.subf %neg3A_596, %get3A_543 : vector<208xf32>
    %exp3A_598 = math.exp %neg3A_597 : vector<208xf32>
    %add3A_599 = arith.constant 1.000000e+00 : f32
    %add3A_600 = vector.broadcast %add3A_599 : f32 to vector<208xf32>
    %add3A_601 = arith.addf %add3A_600, %exp3A_598 : vector<208xf32>
    %div3A_602 = arith.constant 1.000000e+00 : f32
    %div3A_603 = vector.broadcast %div3A_602 : f32 to vector<208xf32>
    %div3A_604 = arith.divf %div3A_603, %add3A_601 : vector<208xf32>
    %div3A_605 = arith.constant 2.000000e+00 : f32
    %div3A_606 = vector.broadcast %div3A_605 : f32 to vector<208xf32>
    %div3A_607 = arith.divf %div3A_594, %div3A_606 : vector<208xf32>
    %sub3A_608 = arith.subf %div3A_567, %div3A_607 : vector<208xf32>
    %div3A_609 = arith.constant 2.000000e+00 : f32
    %div3A_610 = vector.broadcast %div3A_609 : f32 to vector<208xf32>
    %div3A_611 = arith.divf %div3A_594, %div3A_610 : vector<208xf32>
    %add3A_612 = arith.addf %div3A_567, %div3A_611 : vector<208xf32>
    %div3A_613 = arith.constant 2.000000e+00 : f32
    %div3A_614 = vector.broadcast %div3A_613 : f32 to vector<208xf32>
    %div3A_615 = arith.divf %div3A_604, %div3A_614 : vector<208xf32>
    %sub3A_616 = arith.subf %div3A_584, %div3A_615 : vector<208xf32>
    %div3A_617 = arith.constant 2.000000e+00 : f32
    %div3A_618 = vector.broadcast %div3A_617 : f32 to vector<208xf32>
    %div3A_619 = arith.divf %div3A_604, %div3A_618 : vector<208xf32>
    %add3A_620 = arith.addf %div3A_584, %div3A_619 : vector<208xf32>
    %div3A_621 = arith.constant 2.000000e+00 : f32
    %div3A_622 = vector.broadcast %div3A_621 : f32 to vector<208xf32>
    %div3A_623 = arith.divf %squeeze3A_16, %div3A_622 : vector<208xf32>
    %sub3A_624 = arith.subf %squeeze3A_12, %div3A_623 : vector<208xf32>
    %div3A_625 = arith.constant 2.000000e+00 : f32
    %div3A_626 = vector.broadcast %div3A_625 : f32 to vector<208xf32>
    %div3A_627 = arith.divf %squeeze3A_16, %div3A_626 : vector<208xf32>
    %add3A_628 = arith.addf %squeeze3A_12, %div3A_627 : vector<208xf32>
    %div3A_629 = arith.constant 2.000000e+00 : f32
    %div3A_630 = vector.broadcast %div3A_629 : f32 to vector<208xf32>
    %div3A_631 = arith.divf %squeeze3A_18, %div3A_630 : vector<208xf32>
    %sub3A_632 = arith.subf %squeeze3A_14, %div3A_631 : vector<208xf32>
    %div3A_633 = arith.constant 2.000000e+00 : f32
    %div3A_634 = vector.broadcast %div3A_633 : f32 to vector<208xf32>
    %div3A_635 = arith.divf %squeeze3A_18, %div3A_634 : vector<208xf32>
    %add3A_636 = arith.addf %squeeze3A_14, %div3A_635 : vector<208xf32>
    %max3A_637 = arith.maximumf %sub3A_608, %sub3A_624 : vector<208xf32>
    %max3A_638 = arith.maximumf %sub3A_616, %sub3A_632 : vector<208xf32>
    %min3A_639 = arith.minimumf %add3A_612, %add3A_628 : vector<208xf32>
    %min3A_640 = arith.minimumf %add3A_620, %add3A_636 : vector<208xf32>
    %sub3A_641 = arith.subf %min3A_639, %max3A_637 : vector<208xf32>
    %jit3A_642 = arith.constant 0.000000e+00 : f32
    %max3A_643 = vector.broadcast %jit3A_642 : f32 to vector<208xf32>
    %max3A_644 = arith.maximumf %max3A_643, %sub3A_641 : vector<208xf32>
    %sub3A_645 = arith.subf %min3A_640, %max3A_638 : vector<208xf32>
    %jit3A_646 = arith.constant 0.000000e+00 : f32
    %max3A_647 = vector.broadcast %jit3A_646 : f32 to vector<208xf32>
    %max3A_648 = arith.maximumf %max3A_647, %sub3A_645 : vector<208xf32>
    %mul3A_649 = arith.mulf %max3A_644, %max3A_648 : vector<208xf32>
    %sub3A_650 = arith.subf %add3A_612, %sub3A_608 : vector<208xf32>
    %sub3A_651 = arith.subf %add3A_620, %sub3A_616 : vector<208xf32>
    %mul3A_652 = arith.mulf %sub3A_650, %sub3A_651 : vector<208xf32>
    %sub3A_653 = arith.subf %add3A_628, %sub3A_624 : vector<208xf32>
    %sub3A_654 = arith.subf %add3A_636, %sub3A_632 : vector<208xf32>
    %mul3A_655 = arith.mulf %sub3A_653, %sub3A_654 : vector<208xf32>
    %add3A_656 = arith.addf %mul3A_652, %mul3A_655 : vector<208xf32>
    %sub3A_657 = arith.subf %add3A_656, %mul3A_649 : vector<208xf32>
    %add3A_658 = arith.constant 1.000000e-07 : f32
    %add3A_659 = vector.broadcast %add3A_658 : f32 to vector<208xf32>
    %add3A_660 = arith.addf %sub3A_657, %add3A_659 : vector<208xf32>
    %div3A_661 = arith.divf %mul3A_649, %add3A_660 : vector<208xf32>
    %min3A_662 = arith.minimumf %sub3A_608, %sub3A_624 : vector<208xf32>
    %min3A_663 = arith.minimumf %sub3A_616, %sub3A_632 : vector<208xf32>
    %max3A_664 = arith.maximumf %add3A_612, %add3A_628 : vector<208xf32>
    %max3A_665 = arith.maximumf %add3A_620, %add3A_636 : vector<208xf32>
    %sub3A_666 = arith.subf %max3A_664, %min3A_662 : vector<208xf32>
    %integer_pow3A_667 = arith.mulf %sub3A_666, %sub3A_666 : vector<208xf32>
    %sub3A_668 = arith.subf %max3A_665, %min3A_663 : vector<208xf32>
    %integer_pow3A_669 = arith.mulf %sub3A_668, %sub3A_668 : vector<208xf32>
    %add3A_670 = arith.addf %integer_pow3A_667, %integer_pow3A_669 : vector<208xf32>
    %add3A_671 = arith.constant 1.000000e-07 : f32
    %add3A_672 = vector.broadcast %add3A_671 : f32 to vector<208xf32>
    %add3A_673 = arith.addf %add3A_670, %add3A_672 : vector<208xf32>
    %add3A_674 = arith.addf %sub3A_608, %add3A_612 : vector<208xf32>
    %div3A_675 = arith.constant 2.000000e+00 : f32
    %div3A_676 = vector.broadcast %div3A_675 : f32 to vector<208xf32>
    %div3A_677 = arith.divf %add3A_674, %div3A_676 : vector<208xf32>
    %add3A_678 = arith.addf %sub3A_616, %add3A_620 : vector<208xf32>
    %div3A_679 = arith.constant 2.000000e+00 : f32
    %div3A_680 = vector.broadcast %div3A_679 : f32 to vector<208xf32>
    %div3A_681 = arith.divf %add3A_678, %div3A_680 : vector<208xf32>
    %add3A_682 = arith.addf %sub3A_624, %add3A_628 : vector<208xf32>
    %div3A_683 = arith.constant 2.000000e+00 : f32
    %div3A_684 = vector.broadcast %div3A_683 : f32 to vector<208xf32>
    %div3A_685 = arith.divf %add3A_682, %div3A_684 : vector<208xf32>
    %add3A_686 = arith.addf %sub3A_632, %add3A_636 : vector<208xf32>
    %div3A_687 = arith.constant 2.000000e+00 : f32
    %div3A_688 = vector.broadcast %div3A_687 : f32 to vector<208xf32>
    %div3A_689 = arith.divf %add3A_686, %div3A_688 : vector<208xf32>
    %sub3A_690 = arith.subf %div3A_677, %div3A_685 : vector<208xf32>
    %integer_pow3A_691 = arith.mulf %sub3A_690, %sub3A_690 : vector<208xf32>
    %sub3A_692 = arith.subf %div3A_681, %div3A_689 : vector<208xf32>
    %integer_pow3A_693 = arith.mulf %sub3A_692, %sub3A_692 : vector<208xf32>
    %add3A_694 = arith.addf %integer_pow3A_691, %integer_pow3A_693 : vector<208xf32>
    %add3A_695 = arith.constant 1.000000e-07 : f32
    %add3A_696 = vector.broadcast %add3A_695 : f32 to vector<208xf32>
    %add3A_697 = arith.addf %squeeze3A_18, %add3A_696 : vector<208xf32>
    %div3A_698 = arith.divf %squeeze3A_16, %add3A_697 : vector<208xf32>
    %gt3A_699 = arith.constant 2.41421366 : f32
    %gt3A_700 = vector.broadcast %gt3A_699 : f32 to vector<208xf32>
    %gt3A_701 = arith.cmpf ogt, %div3A_698, %gt3A_700 : vector<208xf32>
    %div3A_702 = arith.constant -1.000000e+00 : f32
    %div3A_703 = vector.broadcast %div3A_702 : f32 to vector<208xf32>
    %div3A_704 = arith.divf %div3A_703, %div3A_698 : vector<208xf32>
    %gt3A_705 = arith.constant 0.414213568 : f32
    %gt3A_706 = vector.broadcast %gt3A_705 : f32 to vector<208xf32>
    %gt3A_707 = arith.cmpf ogt, %div3A_698, %gt3A_706 : vector<208xf32>
    %sub3A_708 = arith.constant 1.000000e+00 : f32
    %sub3A_709 = vector.broadcast %sub3A_708 : f32 to vector<208xf32>
    %sub3A_710 = arith.subf %div3A_698, %sub3A_709 : vector<208xf32>
    %add3A_711 = arith.constant 1.000000e+00 : f32
    %add3A_712 = vector.broadcast %add3A_711 : f32 to vector<208xf32>
    %add3A_713 = arith.addf %div3A_698, %add3A_712 : vector<208xf32>
    %div3A_714 = arith.divf %sub3A_710, %add3A_713 : vector<208xf32>
    %select_n3A_715 = arith.select %gt3A_707, %div3A_714, %div3A_698 : vector<208xi1>, vector<208xf32>
    %select_n3A_716 = arith.select %gt3A_701, %div3A_704, %select_n3A_715 : vector<208xi1>, vector<208xf32>
    %gt3A_717 = arith.constant 2.41421366 : f32
    %gt3A_718 = vector.broadcast %gt3A_717 : f32 to vector<208xf32>
    %gt3A_719 = arith.cmpf ogt, %div3A_698, %gt3A_718 : vector<208xf32>
    %gt3A_720 = arith.constant 0.414213568 : f32
    %gt3A_721 = vector.broadcast %gt3A_720 : f32 to vector<208xf32>
    %gt3A_722 = arith.cmpf ogt, %div3A_698, %gt3A_721 : vector<208xf32>
    %jit3A_723 = arith.constant 0.785398185 : f32
    %jit3A_724 = arith.constant 0.000000e+00 : f32
    %broadcast_in_dim3A_725 = vector.broadcast %jit3A_723 : f32 to vector<208xf32>
    %broadcast_in_dim3A_726 = vector.broadcast %jit3A_724 : f32 to vector<208xf32>
    %select_n3A_727 = arith.select %gt3A_722, %broadcast_in_dim3A_725, %broadcast_in_dim3A_726 : vector<208xi1>, vector<208xf32>
    %jit3A_728 = arith.constant 1.57079637 : f32
    %broadcast_in_dim3A_729 = vector.broadcast %jit3A_728 : f32 to vector<208xf32>
    %select_n3A_730 = arith.select %gt3A_719, %broadcast_in_dim3A_729, %select_n3A_727 : vector<208xi1>, vector<208xf32>
    %mul3A_731 = arith.mulf %select_n3A_716, %select_n3A_716 : vector<208xf32>
    %mul3A_732 = arith.constant 0.0805374458 : f32
    %mul3A_733 = vector.broadcast %mul3A_732 : f32 to vector<208xf32>
    %mul3A_734 = arith.mulf %mul3A_733, %mul3A_731 : vector<208xf32>
    %sub3A_735 = arith.constant 0.138776854 : f32
    %sub3A_736 = vector.broadcast %sub3A_735 : f32 to vector<208xf32>
    %sub3A_737 = arith.subf %mul3A_734, %sub3A_736 : vector<208xf32>
    %mul3A_738 = arith.mulf %sub3A_737, %mul3A_731 : vector<208xf32>
    %add3A_739 = arith.constant 0.199777111 : f32
    %add3A_740 = vector.broadcast %add3A_739 : f32 to vector<208xf32>
    %add3A_741 = arith.addf %mul3A_738, %add3A_740 : vector<208xf32>
    %mul3A_742 = arith.mulf %add3A_741, %mul3A_731 : vector<208xf32>
    %sub3A_743 = arith.constant 0.333329499 : f32
    %sub3A_744 = vector.broadcast %sub3A_743 : f32 to vector<208xf32>
    %sub3A_745 = arith.subf %mul3A_742, %sub3A_744 : vector<208xf32>
    %mul3A_746 = arith.mulf %sub3A_745, %mul3A_731 : vector<208xf32>
    %mul3A_747 = arith.mulf %mul3A_746, %select_n3A_716 : vector<208xf32>
    %add3A_748 = arith.addf %mul3A_747, %select_n3A_716 : vector<208xf32>
    %add3A_749 = arith.addf %select_n3A_730, %add3A_748 : vector<208xf32>
    %add3A_750 = arith.constant 1.000000e-07 : f32
    %add3A_751 = vector.broadcast %add3A_750 : f32 to vector<208xf32>
    %add3A_752 = arith.addf %div3A_604, %add3A_751 : vector<208xf32>
    %div3A_753 = arith.divf %div3A_594, %add3A_752 : vector<208xf32>
    %gt3A_754 = arith.constant 2.41421366 : f32
    %gt3A_755 = vector.broadcast %gt3A_754 : f32 to vector<208xf32>
    %gt3A_756 = arith.cmpf ogt, %div3A_753, %gt3A_755 : vector<208xf32>
    %div3A_757 = arith.constant -1.000000e+00 : f32
    %div3A_758 = vector.broadcast %div3A_757 : f32 to vector<208xf32>
    %div3A_759 = arith.divf %div3A_758, %div3A_753 : vector<208xf32>
    %gt3A_760 = arith.constant 0.414213568 : f32
    %gt3A_761 = vector.broadcast %gt3A_760 : f32 to vector<208xf32>
    %gt3A_762 = arith.cmpf ogt, %div3A_753, %gt3A_761 : vector<208xf32>
    %sub3A_763 = arith.constant 1.000000e+00 : f32
    %sub3A_764 = vector.broadcast %sub3A_763 : f32 to vector<208xf32>
    %sub3A_765 = arith.subf %div3A_753, %sub3A_764 : vector<208xf32>
    %add3A_766 = arith.constant 1.000000e+00 : f32
    %add3A_767 = vector.broadcast %add3A_766 : f32 to vector<208xf32>
    %add3A_768 = arith.addf %div3A_753, %add3A_767 : vector<208xf32>
    %div3A_769 = arith.divf %sub3A_765, %add3A_768 : vector<208xf32>
    %select_n3A_770 = arith.select %gt3A_762, %div3A_769, %div3A_753 : vector<208xi1>, vector<208xf32>
    %select_n3A_771 = arith.select %gt3A_756, %div3A_759, %select_n3A_770 : vector<208xi1>, vector<208xf32>
    %gt3A_772 = arith.constant 2.41421366 : f32
    %gt3A_773 = vector.broadcast %gt3A_772 : f32 to vector<208xf32>
    %gt3A_774 = arith.cmpf ogt, %div3A_753, %gt3A_773 : vector<208xf32>
    %gt3A_775 = arith.constant 0.414213568 : f32
    %gt3A_776 = vector.broadcast %gt3A_775 : f32 to vector<208xf32>
    %gt3A_777 = arith.cmpf ogt, %div3A_753, %gt3A_776 : vector<208xf32>
    %jit3A_778 = arith.constant 0.785398185 : f32
    %jit3A_779 = arith.constant 0.000000e+00 : f32
    %broadcast_in_dim3A_780 = vector.broadcast %jit3A_778 : f32 to vector<208xf32>
    %broadcast_in_dim3A_781 = vector.broadcast %jit3A_779 : f32 to vector<208xf32>
    %select_n3A_782 = arith.select %gt3A_777, %broadcast_in_dim3A_780, %broadcast_in_dim3A_781 : vector<208xi1>, vector<208xf32>
    %jit3A_783 = arith.constant 1.57079637 : f32
    %broadcast_in_dim3A_784 = vector.broadcast %jit3A_783 : f32 to vector<208xf32>
    %select_n3A_785 = arith.select %gt3A_774, %broadcast_in_dim3A_784, %select_n3A_782 : vector<208xi1>, vector<208xf32>
    %mul3A_786 = arith.mulf %select_n3A_771, %select_n3A_771 : vector<208xf32>
    %mul3A_787 = arith.constant 0.0805374458 : f32
    %mul3A_788 = vector.broadcast %mul3A_787 : f32 to vector<208xf32>
    %mul3A_789 = arith.mulf %mul3A_788, %mul3A_786 : vector<208xf32>
    %sub3A_790 = arith.constant 0.138776854 : f32
    %sub3A_791 = vector.broadcast %sub3A_790 : f32 to vector<208xf32>
    %sub3A_792 = arith.subf %mul3A_789, %sub3A_791 : vector<208xf32>
    %mul3A_793 = arith.mulf %sub3A_792, %mul3A_786 : vector<208xf32>
    %add3A_794 = arith.constant 0.199777111 : f32
    %add3A_795 = vector.broadcast %add3A_794 : f32 to vector<208xf32>
    %add3A_796 = arith.addf %mul3A_793, %add3A_795 : vector<208xf32>
    %mul3A_797 = arith.mulf %add3A_796, %mul3A_786 : vector<208xf32>
    %sub3A_798 = arith.constant 0.333329499 : f32
    %sub3A_799 = vector.broadcast %sub3A_798 : f32 to vector<208xf32>
    %sub3A_800 = arith.subf %mul3A_797, %sub3A_799 : vector<208xf32>
    %mul3A_801 = arith.mulf %sub3A_800, %mul3A_786 : vector<208xf32>
    %mul3A_802 = arith.mulf %mul3A_801, %select_n3A_771 : vector<208xf32>
    %add3A_803 = arith.addf %mul3A_802, %select_n3A_771 : vector<208xf32>
    %add3A_804 = arith.addf %select_n3A_785, %add3A_803 : vector<208xf32>
    %sub3A_805 = arith.subf %add3A_749, %add3A_804 : vector<208xf32>
    %integer_pow3A_806 = arith.mulf %sub3A_805, %sub3A_805 : vector<208xf32>
    %mul3A_807 = arith.constant 0.405284733 : f32
    %mul3A_808 = vector.broadcast %mul3A_807 : f32 to vector<208xf32>
    %mul3A_809 = arith.mulf %mul3A_808, %integer_pow3A_806 : vector<208xf32>
    %sub3A_810 = arith.constant 1.000000e+00 : f32
    %sub3A_811 = vector.broadcast %sub3A_810 : f32 to vector<208xf32>
    %sub3A_812 = arith.subf %sub3A_811, %div3A_661 : vector<208xf32>
    %add3A_813 = arith.addf %sub3A_812, %mul3A_809 : vector<208xf32>
    %add3A_814 = arith.constant 1.000000e-07 : f32
    %add3A_815 = vector.broadcast %add3A_814 : f32 to vector<208xf32>
    %add3A_816 = arith.addf %add3A_813, %add3A_815 : vector<208xf32>
    %div3A_817 = arith.divf %mul3A_809, %add3A_816 : vector<208xf32>
    %div3A_818 = arith.divf %add3A_694, %add3A_673 : vector<208xf32>
    %sub3A_819 = arith.subf %div3A_661, %div3A_818 : vector<208xf32>
    %mul3A_820 = arith.mulf %div3A_817, %mul3A_809 : vector<208xf32>
    %sub3A_821 = arith.subf %sub3A_819, %mul3A_820 : vector<208xf32>
    %reduce_sum3A_822 = vector.shape_cast %mul3A_509 : vector<208xf32> to vector<1x208xf32>
    %reduce_sum3A_823 = arith.constant dense<0.000000e+00> : vector<1xf32>
    %reduce_sum3A_824 = vector.multi_reduction <add>, %reduce_sum3A_822, %reduce_sum3A_823 [1] : vector<1x208xf32> to vector<1xf32>
    %reduce_sum3A_825 = vector.shape_cast %reduce_sum3A_824 : vector<1xf32> to vector<1x1xf32>
    %reduce_sum3A_826 = vector.extract %reduce_sum3A_825[0, 0] : f32 from vector<1x1xf32>
    %add3A_827 = arith.addf %add3A_404, %reduce_sum3A_826 : f32
    %mul3A_828 = arith.mulf %mul3A_509, %get3A_547 : vector<208xf32>
    %reduce_sum3A_829 = vector.shape_cast %mul3A_828 : vector<208xf32> to vector<1x208xf32>
    %reduce_sum3A_830 = arith.constant dense<0.000000e+00> : vector<1xf32>
    %reduce_sum3A_831 = vector.multi_reduction <add>, %reduce_sum3A_829, %reduce_sum3A_830 [1] : vector<1x208xf32> to vector<1xf32>
    %reduce_sum3A_832 = vector.shape_cast %reduce_sum3A_831 : vector<1xf32> to vector<1x1xf32>
    %reduce_sum3A_833 = vector.extract %reduce_sum3A_832[0, 0] : f32 from vector<1x1xf32>
    %add3A_834 = arith.addf %add3A_412, %reduce_sum3A_833 : f32
    %sub3A_835 = arith.constant 1.000000e+00 : f32
    %sub3A_836 = vector.broadcast %sub3A_835 : f32 to vector<208xf32>
    %sub3A_837 = arith.subf %sub3A_836, %sub3A_821 : vector<208xf32>
    %mul3A_838 = arith.mulf %mul3A_509, %sub3A_837 : vector<208xf32>
    %reduce_sum3A_839 = vector.shape_cast %mul3A_838 : vector<208xf32> to vector<1x208xf32>
    %reduce_sum3A_840 = arith.constant dense<0.000000e+00> : vector<1xf32>
    %reduce_sum3A_841 = vector.multi_reduction <add>, %reduce_sum3A_839, %reduce_sum3A_840 [1] : vector<1x208xf32> to vector<1xf32>
    %reduce_sum3A_842 = vector.shape_cast %reduce_sum3A_841 : vector<1xf32> to vector<1x1xf32>
    %reduce_sum3A_843 = vector.extract %reduce_sum3A_842[0, 0] : f32 from vector<1x1xf32>
    %add3A_844 = arith.addf %add3A_423, %reduce_sum3A_843 : f32
    %broadcast_in_dim3A_845 = vector.shape_cast %mul3A_509 : vector<208xf32> to vector<208x1xf32>
    %max3A_846 = arith.constant 0.000000e+00 : f32
    %max3A_847 = vector.broadcast %max3A_846 : f32 to vector<208x80xf32>
    %max3A_848 = arith.maximumf %get3A_550, %max3A_847 : vector<208x80xf32>
    %abs3A_849 = math.absf %get3A_550 : vector<208x80xf32>
    %neg3A_850 = arith.constant 0.000000e+00 : f32
    %neg3A_851 = vector.broadcast %neg3A_850 : f32 to vector<208x80xf32>
    %neg3A_852 = arith.subf %neg3A_851, %abs3A_849 : vector<208x80xf32>
    %exp3A_853 = math.exp %neg3A_852 : vector<208x80xf32>
    %log1p3A_854 = math.log1p %exp3A_853 : vector<208x80xf32>
    %add3A_855 = arith.addf %max3A_848, %log1p3A_854 : vector<208x80xf32>
    %mul3A_856 = vector.broadcast %broadcast_in_dim3A_845 : vector<208x1xf32> to vector<208x80xf32>
    %mul3A_857 = arith.mulf %mul3A_856, %add3A_855 : vector<208x80xf32>
    %reduce_sum3A_858 = vector.shape_cast %mul3A_857 : vector<208x80xf32> to vector<1x208x80xf32>
    %reduce_sum3A_859 = arith.constant dense<0.000000e+00> : vector<1xf32>
    %reduce_sum3A_860 = vector.multi_reduction <add>, %reduce_sum3A_858, %reduce_sum3A_859 [1, 2] : vector<1x208x80xf32> to vector<1xf32>
    %reduce_sum3A_861 = vector.shape_cast %reduce_sum3A_860 : vector<1xf32> to vector<1x1x1xf32>
    %reduce_sum3A_862 = vector.extract %reduce_sum3A_861[0, 0, 0] : f32 from vector<1x1x1xf32>
    %add3A_863 = arith.addf %add3A_441, %reduce_sum3A_862 : f32
    %broadcast_in_dim3A_864 = vector.shape_cast %mul3A_527 : vector<208xf32> to vector<208x1xf32>
    %mul3A_865 = vector.broadcast %broadcast_in_dim3A_864 : vector<208x1xf32> to vector<208x80xf32>
    %mul3A_866 = arith.mulf %mul3A_865, %select_n3A : vector<208x80xf32>
    %mul3A_867 = arith.mulf %mul3A_866, %get3A_550 : vector<208x80xf32>
    %reduce_sum3A_868 = vector.shape_cast %mul3A_867 : vector<208x80xf32> to vector<1x208x80xf32>
    %reduce_sum3A_869 = arith.constant dense<0.000000e+00> : vector<1xf32>
    %reduce_sum3A_870 = vector.multi_reduction <add>, %reduce_sum3A_868, %reduce_sum3A_869 [1, 2] : vector<1x208x80xf32> to vector<1xf32>
    %reduce_sum3A_871 = vector.shape_cast %reduce_sum3A_870 : vector<1xf32> to vector<1x1x1xf32>
    %reduce_sum3A_872 = vector.extract %reduce_sum3A_871[0, 0, 0] : f32 from vector<1x1x1xf32>
    %add3A_873 = arith.addf %add3A_452, %reduce_sum3A_872 : f32
    %mul3A_874 = vector.broadcast %get3A_1 : f32 to vector<208xf32>
    %mul3A_875 = arith.mulf %squeeze3A_12, %mul3A_874 : vector<208xf32>
    %div3A_876 = arith.constant 3.200000e+01 : f32
    %div3A_877 = vector.broadcast %div3A_876 : f32 to vector<208xf32>
    %div3A_878 = arith.divf %mul3A_875, %div3A_877 : vector<208xf32>
    %convert_element_type3A_879 = arith.fptosi %div3A_878 : vector<208xf32> to vector<208xi32>
    %jit3A_880 = arith.constant 0 : i32
    %jit3A_881 = arith.constant 19 : i32
    %max3A_882 = vector.broadcast %jit3A_880 : i32 to vector<208xi32>
    %max3A_883 = arith.maxsi %max3A_882, %convert_element_type3A_879 : vector<208xi32>
    %min3A_884 = vector.broadcast %jit3A_881 : i32 to vector<208xi32>
    %min3A_885 = arith.minsi %min3A_884, %max3A_883 : vector<208xi32>
    %mul3A_886 = vector.broadcast %get3A_1 : f32 to vector<208xf32>
    %mul3A_887 = arith.mulf %squeeze3A_14, %mul3A_886 : vector<208xf32>
    %div3A_888 = arith.constant 3.200000e+01 : f32
    %div3A_889 = vector.broadcast %div3A_888 : f32 to vector<208xf32>
    %div3A_890 = arith.divf %mul3A_887, %div3A_889 : vector<208xf32>
    %convert_element_type3A_891 = arith.fptosi %div3A_890 : vector<208xf32> to vector<208xi32>
    %jit3A_892 = arith.constant 0 : i32
    %jit3A_893 = arith.constant 19 : i32
    %max3A_894 = vector.broadcast %jit3A_892 : i32 to vector<208xi32>
    %max3A_895 = arith.maxsi %max3A_894, %convert_element_type3A_891 : vector<208xi32>
    %min3A_896 = vector.broadcast %jit3A_893 : i32 to vector<208xi32>
    %min3A_897 = arith.minsi %min3A_896, %max3A_895 : vector<208xi32>
    %mul3A_898 = arith.constant 8400 : i32
    %mul3A_899 = vector.broadcast %mul3A_898 : i32 to vector<208xi32>
    %mul3A_900 = arith.muli %convert_element_type3A, %mul3A_899 : vector<208xi32>
    %mul3A_901 = arith.constant 20 : i32
    %mul3A_902 = vector.broadcast %mul3A_901 : i32 to vector<208xi32>
    %mul3A_903 = arith.muli %min3A_897, %mul3A_902 : vector<208xi32>
    %add3A_904 = arith.addi %mul3A_900, %mul3A_903 : vector<208xi32>
    %add3A_905 = arith.addi %add3A_904, %min3A_885 : vector<208xi32>
    %add3A_906 = arith.constant 8000 : i32
    %add3A_907 = vector.broadcast %add3A_906 : i32 to vector<208xi32>
    %add3A_908 = arith.addi %add3A_905, %add3A_907 : vector<208xi32>
    %broadcast_in_dim3A_909 = vector.shape_cast %add3A_908 : vector<208xi32> to vector<208x1xi32>
    %broadcast_in_dim3A_910 = vector.shape_cast %add3A_908 : vector<208xi32> to vector<1x208xi32>
    %eq3A_911 = vector.broadcast %broadcast_in_dim3A_909 : vector<208x1xi32> to vector<208x208xi32>
    %eq3A_912 = vector.broadcast %broadcast_in_dim3A_910 : vector<1x208xi32> to vector<208x208xi32>
    %eq3A_913 = arith.cmpi eq, %eq3A_911, %eq3A_912 : vector<208x208xi32>
    %and3A_914 = arith.andi %eq3A_913, %and3A : vector<208x208xi1>
    %jit3A_915 = arith.constant 1.000000e+00 : f32
    %jit3A_916 = arith.constant 0.000000e+00 : f32
    %broadcast_in_dim3A_917 = vector.broadcast %jit3A_915 : f32 to vector<208x208xf32>
    %broadcast_in_dim3A_918 = vector.broadcast %jit3A_916 : f32 to vector<208x208xf32>
    %select_n3A_919 = arith.select %and3A_914, %broadcast_in_dim3A_917, %broadcast_in_dim3A_918 : vector<208x208xi1>, vector<208x208xf32>
    %reduce_sum3A_920 = arith.constant dense<0.000000e+00> : vector<208xf32>
    %reduce_sum3A_921 = vector.multi_reduction <add>, %select_n3A_919, %reduce_sum3A_920 [1] : vector<208x208xf32> to vector<208xf32>
    %gt3A_922 = arith.constant 0.000000e+00 : f32
    %gt3A_923 = vector.broadcast %gt3A_922 : f32 to vector<208xf32>
    %gt3A_924 = arith.cmpf ogt, %reduce_sum3A_921, %gt3A_923 : vector<208xf32>
    %jit3A_925 = arith.constant 0.000000e+00 : f32
    %jit3A_926 = arith.constant 1.000000e+00 : f32
    %broadcast_in_dim3A_927 = vector.broadcast %jit3A_925 : f32 to vector<208xf32>
    %broadcast_in_dim3A_928 = vector.broadcast %jit3A_926 : f32 to vector<208xf32>
    %select_n3A_929 = arith.select %gt3A_924, %broadcast_in_dim3A_927, %broadcast_in_dim3A_928 : vector<208xi1>, vector<208xf32>
    %mul3A_930 = arith.mulf %convert_element_type3A_28, %select_n3A_929 : vector<208xf32>
    %and3A_931 = arith.andi %eq3A_913, %eq3A_31 : vector<208x208xi1>
    %and3A_932 = arith.andi %and3A_931, %and3A : vector<208x208xi1>
    %jit3A_933 = arith.constant 1.000000e+00 : f32
    %jit3A_934 = arith.constant 0.000000e+00 : f32
    %broadcast_in_dim3A_935 = vector.broadcast %jit3A_933 : f32 to vector<208x208xf32>
    %broadcast_in_dim3A_936 = vector.broadcast %jit3A_934 : f32 to vector<208x208xf32>
    %select_n3A_937 = arith.select %and3A_932, %broadcast_in_dim3A_935, %broadcast_in_dim3A_936 : vector<208x208xi1>, vector<208x208xf32>
    %reduce_sum3A_938 = arith.constant dense<0.000000e+00> : vector<208xf32>
    %reduce_sum3A_939 = vector.multi_reduction <add>, %select_n3A_937, %reduce_sum3A_938 [1] : vector<208x208xf32> to vector<208xf32>
    %gt3A_940 = arith.constant 0.000000e+00 : f32
    %gt3A_941 = vector.broadcast %gt3A_940 : f32 to vector<208xf32>
    %gt3A_942 = arith.cmpf ogt, %reduce_sum3A_939, %gt3A_941 : vector<208xf32>
    %jit3A_943 = arith.constant 0.000000e+00 : f32
    %jit3A_944 = arith.constant 1.000000e+00 : f32
    %broadcast_in_dim3A_945 = vector.broadcast %jit3A_943 : f32 to vector<208xf32>
    %broadcast_in_dim3A_946 = vector.broadcast %jit3A_944 : f32 to vector<208xf32>
    %select_n3A_947 = arith.select %gt3A_942, %broadcast_in_dim3A_945, %broadcast_in_dim3A_946 : vector<208xi1>, vector<208xf32>
    %mul3A_948 = arith.mulf %convert_element_type3A_28, %select_n3A_947 : vector<208xf32>
    %get3A_949 = arith.constant 416 : index
    %get3A_950 = arith.constant 0 : index
    %get3A_951 = vector.load %arg0[%get3A_949, %get3A_950] : memref<640x128xf32, #tpu.memory_space<vmem>>, vector<208x1xf32>
    %get3A_952 = vector.shape_cast %get3A_951 : vector<208x1xf32> to vector<208xf32>
    %get3A_953 = arith.constant 416 : index
    %get3A_954 = arith.constant 1 : index
    %get3A_955 = vector.load %arg0[%get3A_953, %get3A_954] : memref<640x128xf32, #tpu.memory_space<vmem>>, vector<208x1xf32>
    %get3A_956 = vector.shape_cast %get3A_955 : vector<208x1xf32> to vector<208xf32>
    %get3A_957 = arith.constant 416 : index
    %get3A_958 = arith.constant 2 : index
    %get3A_959 = vector.load %arg0[%get3A_957, %get3A_958] : memref<640x128xf32, #tpu.memory_space<vmem>>, vector<208x1xf32>
    %get3A_960 = vector.shape_cast %get3A_959 : vector<208x1xf32> to vector<208xf32>
    %get3A_961 = arith.constant 416 : index
    %get3A_962 = arith.constant 3 : index
    %get3A_963 = vector.load %arg0[%get3A_961, %get3A_962] : memref<640x128xf32, #tpu.memory_space<vmem>>, vector<208x1xf32>
    %get3A_964 = vector.shape_cast %get3A_963 : vector<208x1xf32> to vector<208xf32>
    %get3A_965 = arith.constant 416 : index
    %get3A_966 = arith.constant 4 : index
    %get3A_967 = vector.load %arg0[%get3A_965, %get3A_966] : memref<640x128xf32, #tpu.memory_space<vmem>>, vector<208x1xf32>
    %get3A_968 = vector.shape_cast %get3A_967 : vector<208x1xf32> to vector<208xf32>
    %get3A_969 = arith.constant 416 : index
    %get3A_970 = arith.constant 5 : index
    %get3A_971 = vector.load %arg0[%get3A_969, %get3A_970] : memref<640x128xf32, #tpu.memory_space<vmem>>, vector<208x80xf32>
    %neg3A_972 = arith.constant 0.000000e+00 : f32
    %neg3A_973 = vector.broadcast %neg3A_972 : f32 to vector<208xf32>
    %neg3A_974 = arith.subf %neg3A_973, %get3A_952 : vector<208xf32>
    %exp3A_975 = math.exp %neg3A_974 : vector<208xf32>
    %add3A_976 = arith.constant 1.000000e+00 : f32
    %add3A_977 = vector.broadcast %add3A_976 : f32 to vector<208xf32>
    %add3A_978 = arith.addf %add3A_977, %exp3A_975 : vector<208xf32>
    %div3A_979 = arith.constant 1.000000e+00 : f32
    %div3A_980 = vector.broadcast %div3A_979 : f32 to vector<208xf32>
    %div3A_981 = arith.divf %div3A_980, %add3A_978 : vector<208xf32>
    %convert_element_type3A_982 = arith.sitofp %min3A_885 : vector<208xi32> to vector<208xf32>
    %add3A_983 = arith.addf %div3A_981, %convert_element_type3A_982 : vector<208xf32>
    %mul3A_984 = arith.constant 3.200000e+01 : f32
    %mul3A_985 = vector.broadcast %mul3A_984 : f32 to vector<208xf32>
    %mul3A_986 = arith.mulf %add3A_983, %mul3A_985 : vector<208xf32>
    %div3A_987 = vector.broadcast %get3A_1 : f32 to vector<208xf32>
    %div3A_988 = arith.divf %mul3A_986, %div3A_987 : vector<208xf32>
    %neg3A_989 = arith.constant 0.000000e+00 : f32
    %neg3A_990 = vector.broadcast %neg3A_989 : f32 to vector<208xf32>
    %neg3A_991 = arith.subf %neg3A_990, %get3A_956 : vector<208xf32>
    %exp3A_992 = math.exp %neg3A_991 : vector<208xf32>
    %add3A_993 = arith.constant 1.000000e+00 : f32
    %add3A_994 = vector.broadcast %add3A_993 : f32 to vector<208xf32>
    %add3A_995 = arith.addf %add3A_994, %exp3A_992 : vector<208xf32>
    %div3A_996 = arith.constant 1.000000e+00 : f32
    %div3A_997 = vector.broadcast %div3A_996 : f32 to vector<208xf32>
    %div3A_998 = arith.divf %div3A_997, %add3A_995 : vector<208xf32>
    %convert_element_type3A_999 = arith.sitofp %min3A_897 : vector<208xi32> to vector<208xf32>
    %add3A_1000 = arith.addf %div3A_998, %convert_element_type3A_999 : vector<208xf32>
    %mul3A_1001 = arith.constant 3.200000e+01 : f32
    %mul3A_1002 = vector.broadcast %mul3A_1001 : f32 to vector<208xf32>
    %mul3A_1003 = arith.mulf %add3A_1000, %mul3A_1002 : vector<208xf32>
    %div3A_1004 = vector.broadcast %get3A_1 : f32 to vector<208xf32>
    %div3A_1005 = arith.divf %mul3A_1003, %div3A_1004 : vector<208xf32>
    %neg3A_1006 = arith.constant 0.000000e+00 : f32
    %neg3A_1007 = vector.broadcast %neg3A_1006 : f32 to vector<208xf32>
    %neg3A_1008 = arith.subf %neg3A_1007, %get3A_960 : vector<208xf32>
    %exp3A_1009 = math.exp %neg3A_1008 : vector<208xf32>
    %add3A_1010 = arith.constant 1.000000e+00 : f32
    %add3A_1011 = vector.broadcast %add3A_1010 : f32 to vector<208xf32>
    %add3A_1012 = arith.addf %add3A_1011, %exp3A_1009 : vector<208xf32>
    %div3A_1013 = arith.constant 1.000000e+00 : f32
    %div3A_1014 = vector.broadcast %div3A_1013 : f32 to vector<208xf32>
    %div3A_1015 = arith.divf %div3A_1014, %add3A_1012 : vector<208xf32>
    %neg3A_1016 = arith.constant 0.000000e+00 : f32
    %neg3A_1017 = vector.broadcast %neg3A_1016 : f32 to vector<208xf32>
    %neg3A_1018 = arith.subf %neg3A_1017, %get3A_964 : vector<208xf32>
    %exp3A_1019 = math.exp %neg3A_1018 : vector<208xf32>
    %add3A_1020 = arith.constant 1.000000e+00 : f32
    %add3A_1021 = vector.broadcast %add3A_1020 : f32 to vector<208xf32>
    %add3A_1022 = arith.addf %add3A_1021, %exp3A_1019 : vector<208xf32>
    %div3A_1023 = arith.constant 1.000000e+00 : f32
    %div3A_1024 = vector.broadcast %div3A_1023 : f32 to vector<208xf32>
    %div3A_1025 = arith.divf %div3A_1024, %add3A_1022 : vector<208xf32>
    %div3A_1026 = arith.constant 2.000000e+00 : f32
    %div3A_1027 = vector.broadcast %div3A_1026 : f32 to vector<208xf32>
    %div3A_1028 = arith.divf %div3A_1015, %div3A_1027 : vector<208xf32>
    %sub3A_1029 = arith.subf %div3A_988, %div3A_1028 : vector<208xf32>
    %div3A_1030 = arith.constant 2.000000e+00 : f32
    %div3A_1031 = vector.broadcast %div3A_1030 : f32 to vector<208xf32>
    %div3A_1032 = arith.divf %div3A_1015, %div3A_1031 : vector<208xf32>
    %add3A_1033 = arith.addf %div3A_988, %div3A_1032 : vector<208xf32>
    %div3A_1034 = arith.constant 2.000000e+00 : f32
    %div3A_1035 = vector.broadcast %div3A_1034 : f32 to vector<208xf32>
    %div3A_1036 = arith.divf %div3A_1025, %div3A_1035 : vector<208xf32>
    %sub3A_1037 = arith.subf %div3A_1005, %div3A_1036 : vector<208xf32>
    %div3A_1038 = arith.constant 2.000000e+00 : f32
    %div3A_1039 = vector.broadcast %div3A_1038 : f32 to vector<208xf32>
    %div3A_1040 = arith.divf %div3A_1025, %div3A_1039 : vector<208xf32>
    %add3A_1041 = arith.addf %div3A_1005, %div3A_1040 : vector<208xf32>
    %div3A_1042 = arith.constant 2.000000e+00 : f32
    %div3A_1043 = vector.broadcast %div3A_1042 : f32 to vector<208xf32>
    %div3A_1044 = arith.divf %squeeze3A_16, %div3A_1043 : vector<208xf32>
    %sub3A_1045 = arith.subf %squeeze3A_12, %div3A_1044 : vector<208xf32>
    %div3A_1046 = arith.constant 2.000000e+00 : f32
    %div3A_1047 = vector.broadcast %div3A_1046 : f32 to vector<208xf32>
    %div3A_1048 = arith.divf %squeeze3A_16, %div3A_1047 : vector<208xf32>
    %add3A_1049 = arith.addf %squeeze3A_12, %div3A_1048 : vector<208xf32>
    %div3A_1050 = arith.constant 2.000000e+00 : f32
    %div3A_1051 = vector.broadcast %div3A_1050 : f32 to vector<208xf32>
    %div3A_1052 = arith.divf %squeeze3A_18, %div3A_1051 : vector<208xf32>
    %sub3A_1053 = arith.subf %squeeze3A_14, %div3A_1052 : vector<208xf32>
    %div3A_1054 = arith.constant 2.000000e+00 : f32
    %div3A_1055 = vector.broadcast %div3A_1054 : f32 to vector<208xf32>
    %div3A_1056 = arith.divf %squeeze3A_18, %div3A_1055 : vector<208xf32>
    %add3A_1057 = arith.addf %squeeze3A_14, %div3A_1056 : vector<208xf32>
    %max3A_1058 = arith.maximumf %sub3A_1029, %sub3A_1045 : vector<208xf32>
    %max3A_1059 = arith.maximumf %sub3A_1037, %sub3A_1053 : vector<208xf32>
    %min3A_1060 = arith.minimumf %add3A_1033, %add3A_1049 : vector<208xf32>
    %min3A_1061 = arith.minimumf %add3A_1041, %add3A_1057 : vector<208xf32>
    %sub3A_1062 = arith.subf %min3A_1060, %max3A_1058 : vector<208xf32>
    %jit3A_1063 = arith.constant 0.000000e+00 : f32
    %max3A_1064 = vector.broadcast %jit3A_1063 : f32 to vector<208xf32>
    %max3A_1065 = arith.maximumf %max3A_1064, %sub3A_1062 : vector<208xf32>
    %sub3A_1066 = arith.subf %min3A_1061, %max3A_1059 : vector<208xf32>
    %jit3A_1067 = arith.constant 0.000000e+00 : f32
    %max3A_1068 = vector.broadcast %jit3A_1067 : f32 to vector<208xf32>
    %max3A_1069 = arith.maximumf %max3A_1068, %sub3A_1066 : vector<208xf32>
    %mul3A_1070 = arith.mulf %max3A_1065, %max3A_1069 : vector<208xf32>
    %sub3A_1071 = arith.subf %add3A_1033, %sub3A_1029 : vector<208xf32>
    %sub3A_1072 = arith.subf %add3A_1041, %sub3A_1037 : vector<208xf32>
    %mul3A_1073 = arith.mulf %sub3A_1071, %sub3A_1072 : vector<208xf32>
    %sub3A_1074 = arith.subf %add3A_1049, %sub3A_1045 : vector<208xf32>
    %sub3A_1075 = arith.subf %add3A_1057, %sub3A_1053 : vector<208xf32>
    %mul3A_1076 = arith.mulf %sub3A_1074, %sub3A_1075 : vector<208xf32>
    %add3A_1077 = arith.addf %mul3A_1073, %mul3A_1076 : vector<208xf32>
    %sub3A_1078 = arith.subf %add3A_1077, %mul3A_1070 : vector<208xf32>
    %add3A_1079 = arith.constant 1.000000e-07 : f32
    %add3A_1080 = vector.broadcast %add3A_1079 : f32 to vector<208xf32>
    %add3A_1081 = arith.addf %sub3A_1078, %add3A_1080 : vector<208xf32>
    %div3A_1082 = arith.divf %mul3A_1070, %add3A_1081 : vector<208xf32>
    %min3A_1083 = arith.minimumf %sub3A_1029, %sub3A_1045 : vector<208xf32>
    %min3A_1084 = arith.minimumf %sub3A_1037, %sub3A_1053 : vector<208xf32>
    %max3A_1085 = arith.maximumf %add3A_1033, %add3A_1049 : vector<208xf32>
    %max3A_1086 = arith.maximumf %add3A_1041, %add3A_1057 : vector<208xf32>
    %sub3A_1087 = arith.subf %max3A_1085, %min3A_1083 : vector<208xf32>
    %integer_pow3A_1088 = arith.mulf %sub3A_1087, %sub3A_1087 : vector<208xf32>
    %sub3A_1089 = arith.subf %max3A_1086, %min3A_1084 : vector<208xf32>
    %integer_pow3A_1090 = arith.mulf %sub3A_1089, %sub3A_1089 : vector<208xf32>
    %add3A_1091 = arith.addf %integer_pow3A_1088, %integer_pow3A_1090 : vector<208xf32>
    %add3A_1092 = arith.constant 1.000000e-07 : f32
    %add3A_1093 = vector.broadcast %add3A_1092 : f32 to vector<208xf32>
    %add3A_1094 = arith.addf %add3A_1091, %add3A_1093 : vector<208xf32>
    %add3A_1095 = arith.addf %sub3A_1029, %add3A_1033 : vector<208xf32>
    %div3A_1096 = arith.constant 2.000000e+00 : f32
    %div3A_1097 = vector.broadcast %div3A_1096 : f32 to vector<208xf32>
    %div3A_1098 = arith.divf %add3A_1095, %div3A_1097 : vector<208xf32>
    %add3A_1099 = arith.addf %sub3A_1037, %add3A_1041 : vector<208xf32>
    %div3A_1100 = arith.constant 2.000000e+00 : f32
    %div3A_1101 = vector.broadcast %div3A_1100 : f32 to vector<208xf32>
    %div3A_1102 = arith.divf %add3A_1099, %div3A_1101 : vector<208xf32>
    %add3A_1103 = arith.addf %sub3A_1045, %add3A_1049 : vector<208xf32>
    %div3A_1104 = arith.constant 2.000000e+00 : f32
    %div3A_1105 = vector.broadcast %div3A_1104 : f32 to vector<208xf32>
    %div3A_1106 = arith.divf %add3A_1103, %div3A_1105 : vector<208xf32>
    %add3A_1107 = arith.addf %sub3A_1053, %add3A_1057 : vector<208xf32>
    %div3A_1108 = arith.constant 2.000000e+00 : f32
    %div3A_1109 = vector.broadcast %div3A_1108 : f32 to vector<208xf32>
    %div3A_1110 = arith.divf %add3A_1107, %div3A_1109 : vector<208xf32>
    %sub3A_1111 = arith.subf %div3A_1098, %div3A_1106 : vector<208xf32>
    %integer_pow3A_1112 = arith.mulf %sub3A_1111, %sub3A_1111 : vector<208xf32>
    %sub3A_1113 = arith.subf %div3A_1102, %div3A_1110 : vector<208xf32>
    %integer_pow3A_1114 = arith.mulf %sub3A_1113, %sub3A_1113 : vector<208xf32>
    %add3A_1115 = arith.addf %integer_pow3A_1112, %integer_pow3A_1114 : vector<208xf32>
    %add3A_1116 = arith.constant 1.000000e-07 : f32
    %add3A_1117 = vector.broadcast %add3A_1116 : f32 to vector<208xf32>
    %add3A_1118 = arith.addf %squeeze3A_18, %add3A_1117 : vector<208xf32>
    %div3A_1119 = arith.divf %squeeze3A_16, %add3A_1118 : vector<208xf32>
    %gt3A_1120 = arith.constant 2.41421366 : f32
    %gt3A_1121 = vector.broadcast %gt3A_1120 : f32 to vector<208xf32>
    %gt3A_1122 = arith.cmpf ogt, %div3A_1119, %gt3A_1121 : vector<208xf32>
    %div3A_1123 = arith.constant -1.000000e+00 : f32
    %div3A_1124 = vector.broadcast %div3A_1123 : f32 to vector<208xf32>
    %div3A_1125 = arith.divf %div3A_1124, %div3A_1119 : vector<208xf32>
    %gt3A_1126 = arith.constant 0.414213568 : f32
    %gt3A_1127 = vector.broadcast %gt3A_1126 : f32 to vector<208xf32>
    %gt3A_1128 = arith.cmpf ogt, %div3A_1119, %gt3A_1127 : vector<208xf32>
    %sub3A_1129 = arith.constant 1.000000e+00 : f32
    %sub3A_1130 = vector.broadcast %sub3A_1129 : f32 to vector<208xf32>
    %sub3A_1131 = arith.subf %div3A_1119, %sub3A_1130 : vector<208xf32>
    %add3A_1132 = arith.constant 1.000000e+00 : f32
    %add3A_1133 = vector.broadcast %add3A_1132 : f32 to vector<208xf32>
    %add3A_1134 = arith.addf %div3A_1119, %add3A_1133 : vector<208xf32>
    %div3A_1135 = arith.divf %sub3A_1131, %add3A_1134 : vector<208xf32>
    %select_n3A_1136 = arith.select %gt3A_1128, %div3A_1135, %div3A_1119 : vector<208xi1>, vector<208xf32>
    %select_n3A_1137 = arith.select %gt3A_1122, %div3A_1125, %select_n3A_1136 : vector<208xi1>, vector<208xf32>
    %gt3A_1138 = arith.constant 2.41421366 : f32
    %gt3A_1139 = vector.broadcast %gt3A_1138 : f32 to vector<208xf32>
    %gt3A_1140 = arith.cmpf ogt, %div3A_1119, %gt3A_1139 : vector<208xf32>
    %gt3A_1141 = arith.constant 0.414213568 : f32
    %gt3A_1142 = vector.broadcast %gt3A_1141 : f32 to vector<208xf32>
    %gt3A_1143 = arith.cmpf ogt, %div3A_1119, %gt3A_1142 : vector<208xf32>
    %jit3A_1144 = arith.constant 0.785398185 : f32
    %jit3A_1145 = arith.constant 0.000000e+00 : f32
    %broadcast_in_dim3A_1146 = vector.broadcast %jit3A_1144 : f32 to vector<208xf32>
    %broadcast_in_dim3A_1147 = vector.broadcast %jit3A_1145 : f32 to vector<208xf32>
    %select_n3A_1148 = arith.select %gt3A_1143, %broadcast_in_dim3A_1146, %broadcast_in_dim3A_1147 : vector<208xi1>, vector<208xf32>
    %jit3A_1149 = arith.constant 1.57079637 : f32
    %broadcast_in_dim3A_1150 = vector.broadcast %jit3A_1149 : f32 to vector<208xf32>
    %select_n3A_1151 = arith.select %gt3A_1140, %broadcast_in_dim3A_1150, %select_n3A_1148 : vector<208xi1>, vector<208xf32>
    %mul3A_1152 = arith.mulf %select_n3A_1137, %select_n3A_1137 : vector<208xf32>
    %mul3A_1153 = arith.constant 0.0805374458 : f32
    %mul3A_1154 = vector.broadcast %mul3A_1153 : f32 to vector<208xf32>
    %mul3A_1155 = arith.mulf %mul3A_1154, %mul3A_1152 : vector<208xf32>
    %sub3A_1156 = arith.constant 0.138776854 : f32
    %sub3A_1157 = vector.broadcast %sub3A_1156 : f32 to vector<208xf32>
    %sub3A_1158 = arith.subf %mul3A_1155, %sub3A_1157 : vector<208xf32>
    %mul3A_1159 = arith.mulf %sub3A_1158, %mul3A_1152 : vector<208xf32>
    %add3A_1160 = arith.constant 0.199777111 : f32
    %add3A_1161 = vector.broadcast %add3A_1160 : f32 to vector<208xf32>
    %add3A_1162 = arith.addf %mul3A_1159, %add3A_1161 : vector<208xf32>
    %mul3A_1163 = arith.mulf %add3A_1162, %mul3A_1152 : vector<208xf32>
    %sub3A_1164 = arith.constant 0.333329499 : f32
    %sub3A_1165 = vector.broadcast %sub3A_1164 : f32 to vector<208xf32>
    %sub3A_1166 = arith.subf %mul3A_1163, %sub3A_1165 : vector<208xf32>
    %mul3A_1167 = arith.mulf %sub3A_1166, %mul3A_1152 : vector<208xf32>
    %mul3A_1168 = arith.mulf %mul3A_1167, %select_n3A_1137 : vector<208xf32>
    %add3A_1169 = arith.addf %mul3A_1168, %select_n3A_1137 : vector<208xf32>
    %add3A_1170 = arith.addf %select_n3A_1151, %add3A_1169 : vector<208xf32>
    %add3A_1171 = arith.constant 1.000000e-07 : f32
    %add3A_1172 = vector.broadcast %add3A_1171 : f32 to vector<208xf32>
    %add3A_1173 = arith.addf %div3A_1025, %add3A_1172 : vector<208xf32>
    %div3A_1174 = arith.divf %div3A_1015, %add3A_1173 : vector<208xf32>
    %gt3A_1175 = arith.constant 2.41421366 : f32
    %gt3A_1176 = vector.broadcast %gt3A_1175 : f32 to vector<208xf32>
    %gt3A_1177 = arith.cmpf ogt, %div3A_1174, %gt3A_1176 : vector<208xf32>
    %div3A_1178 = arith.constant -1.000000e+00 : f32
    %div3A_1179 = vector.broadcast %div3A_1178 : f32 to vector<208xf32>
    %div3A_1180 = arith.divf %div3A_1179, %div3A_1174 : vector<208xf32>
    %gt3A_1181 = arith.constant 0.414213568 : f32
    %gt3A_1182 = vector.broadcast %gt3A_1181 : f32 to vector<208xf32>
    %gt3A_1183 = arith.cmpf ogt, %div3A_1174, %gt3A_1182 : vector<208xf32>
    %sub3A_1184 = arith.constant 1.000000e+00 : f32
    %sub3A_1185 = vector.broadcast %sub3A_1184 : f32 to vector<208xf32>
    %sub3A_1186 = arith.subf %div3A_1174, %sub3A_1185 : vector<208xf32>
    %add3A_1187 = arith.constant 1.000000e+00 : f32
    %add3A_1188 = vector.broadcast %add3A_1187 : f32 to vector<208xf32>
    %add3A_1189 = arith.addf %div3A_1174, %add3A_1188 : vector<208xf32>
    %div3A_1190 = arith.divf %sub3A_1186, %add3A_1189 : vector<208xf32>
    %select_n3A_1191 = arith.select %gt3A_1183, %div3A_1190, %div3A_1174 : vector<208xi1>, vector<208xf32>
    %select_n3A_1192 = arith.select %gt3A_1177, %div3A_1180, %select_n3A_1191 : vector<208xi1>, vector<208xf32>
    %gt3A_1193 = arith.constant 2.41421366 : f32
    %gt3A_1194 = vector.broadcast %gt3A_1193 : f32 to vector<208xf32>
    %gt3A_1195 = arith.cmpf ogt, %div3A_1174, %gt3A_1194 : vector<208xf32>
    %gt3A_1196 = arith.constant 0.414213568 : f32
    %gt3A_1197 = vector.broadcast %gt3A_1196 : f32 to vector<208xf32>
    %gt3A_1198 = arith.cmpf ogt, %div3A_1174, %gt3A_1197 : vector<208xf32>
    %jit3A_1199 = arith.constant 0.785398185 : f32
    %jit3A_1200 = arith.constant 0.000000e+00 : f32
    %broadcast_in_dim3A_1201 = vector.broadcast %jit3A_1199 : f32 to vector<208xf32>
    %broadcast_in_dim3A_1202 = vector.broadcast %jit3A_1200 : f32 to vector<208xf32>
    %select_n3A_1203 = arith.select %gt3A_1198, %broadcast_in_dim3A_1201, %broadcast_in_dim3A_1202 : vector<208xi1>, vector<208xf32>
    %jit3A_1204 = arith.constant 1.57079637 : f32
    %broadcast_in_dim3A_1205 = vector.broadcast %jit3A_1204 : f32 to vector<208xf32>
    %select_n3A_1206 = arith.select %gt3A_1195, %broadcast_in_dim3A_1205, %select_n3A_1203 : vector<208xi1>, vector<208xf32>
    %mul3A_1207 = arith.mulf %select_n3A_1192, %select_n3A_1192 : vector<208xf32>
    %mul3A_1208 = arith.constant 0.0805374458 : f32
    %mul3A_1209 = vector.broadcast %mul3A_1208 : f32 to vector<208xf32>
    %mul3A_1210 = arith.mulf %mul3A_1209, %mul3A_1207 : vector<208xf32>
    %sub3A_1211 = arith.constant 0.138776854 : f32
    %sub3A_1212 = vector.broadcast %sub3A_1211 : f32 to vector<208xf32>
    %sub3A_1213 = arith.subf %mul3A_1210, %sub3A_1212 : vector<208xf32>
    %mul3A_1214 = arith.mulf %sub3A_1213, %mul3A_1207 : vector<208xf32>
    %add3A_1215 = arith.constant 0.199777111 : f32
    %add3A_1216 = vector.broadcast %add3A_1215 : f32 to vector<208xf32>
    %add3A_1217 = arith.addf %mul3A_1214, %add3A_1216 : vector<208xf32>
    %mul3A_1218 = arith.mulf %add3A_1217, %mul3A_1207 : vector<208xf32>
    %sub3A_1219 = arith.constant 0.333329499 : f32
    %sub3A_1220 = vector.broadcast %sub3A_1219 : f32 to vector<208xf32>
    %sub3A_1221 = arith.subf %mul3A_1218, %sub3A_1220 : vector<208xf32>
    %mul3A_1222 = arith.mulf %sub3A_1221, %mul3A_1207 : vector<208xf32>
    %mul3A_1223 = arith.mulf %mul3A_1222, %select_n3A_1192 : vector<208xf32>
    %add3A_1224 = arith.addf %mul3A_1223, %select_n3A_1192 : vector<208xf32>
    %add3A_1225 = arith.addf %select_n3A_1206, %add3A_1224 : vector<208xf32>
    %sub3A_1226 = arith.subf %add3A_1170, %add3A_1225 : vector<208xf32>
    %integer_pow3A_1227 = arith.mulf %sub3A_1226, %sub3A_1226 : vector<208xf32>
    %mul3A_1228 = arith.constant 0.405284733 : f32
    %mul3A_1229 = vector.broadcast %mul3A_1228 : f32 to vector<208xf32>
    %mul3A_1230 = arith.mulf %mul3A_1229, %integer_pow3A_1227 : vector<208xf32>
    %sub3A_1231 = arith.constant 1.000000e+00 : f32
    %sub3A_1232 = vector.broadcast %sub3A_1231 : f32 to vector<208xf32>
    %sub3A_1233 = arith.subf %sub3A_1232, %div3A_1082 : vector<208xf32>
    %add3A_1234 = arith.addf %sub3A_1233, %mul3A_1230 : vector<208xf32>
    %add3A_1235 = arith.constant 1.000000e-07 : f32
    %add3A_1236 = vector.broadcast %add3A_1235 : f32 to vector<208xf32>
    %add3A_1237 = arith.addf %add3A_1234, %add3A_1236 : vector<208xf32>
    %div3A_1238 = arith.divf %mul3A_1230, %add3A_1237 : vector<208xf32>
    %div3A_1239 = arith.divf %add3A_1115, %add3A_1094 : vector<208xf32>
    %sub3A_1240 = arith.subf %div3A_1082, %div3A_1239 : vector<208xf32>
    %mul3A_1241 = arith.mulf %div3A_1238, %mul3A_1230 : vector<208xf32>
    %sub3A_1242 = arith.subf %sub3A_1240, %mul3A_1241 : vector<208xf32>
    %reduce_sum3A_1243 = vector.shape_cast %mul3A_930 : vector<208xf32> to vector<1x208xf32>
    %reduce_sum3A_1244 = arith.constant dense<0.000000e+00> : vector<1xf32>
    %reduce_sum3A_1245 = vector.multi_reduction <add>, %reduce_sum3A_1243, %reduce_sum3A_1244 [1] : vector<1x208xf32> to vector<1xf32>
    %reduce_sum3A_1246 = vector.shape_cast %reduce_sum3A_1245 : vector<1xf32> to vector<1x1xf32>
    %reduce_sum3A_1247 = vector.extract %reduce_sum3A_1246[0, 0] : f32 from vector<1x1xf32>
    %add3A_1248 = arith.addf %add3A_827, %reduce_sum3A_1247 : f32
    %mul3A_1249 = arith.mulf %mul3A_930, %get3A_968 : vector<208xf32>
    %reduce_sum3A_1250 = vector.shape_cast %mul3A_1249 : vector<208xf32> to vector<1x208xf32>
    %reduce_sum3A_1251 = arith.constant dense<0.000000e+00> : vector<1xf32>
    %reduce_sum3A_1252 = vector.multi_reduction <add>, %reduce_sum3A_1250, %reduce_sum3A_1251 [1] : vector<1x208xf32> to vector<1xf32>
    %reduce_sum3A_1253 = vector.shape_cast %reduce_sum3A_1252 : vector<1xf32> to vector<1x1xf32>
    %reduce_sum3A_1254 = vector.extract %reduce_sum3A_1253[0, 0] : f32 from vector<1x1xf32>
    %add3A_1255 = arith.addf %add3A_834, %reduce_sum3A_1254 : f32
    %sub3A_1256 = arith.constant 1.000000e+00 : f32
    %sub3A_1257 = vector.broadcast %sub3A_1256 : f32 to vector<208xf32>
    %sub3A_1258 = arith.subf %sub3A_1257, %sub3A_1242 : vector<208xf32>
    %mul3A_1259 = arith.mulf %mul3A_930, %sub3A_1258 : vector<208xf32>
    %reduce_sum3A_1260 = vector.shape_cast %mul3A_1259 : vector<208xf32> to vector<1x208xf32>
    %reduce_sum3A_1261 = arith.constant dense<0.000000e+00> : vector<1xf32>
    %reduce_sum3A_1262 = vector.multi_reduction <add>, %reduce_sum3A_1260, %reduce_sum3A_1261 [1] : vector<1x208xf32> to vector<1xf32>
    %reduce_sum3A_1263 = vector.shape_cast %reduce_sum3A_1262 : vector<1xf32> to vector<1x1xf32>
    %reduce_sum3A_1264 = vector.extract %reduce_sum3A_1263[0, 0] : f32 from vector<1x1xf32>
    %add3A_1265 = arith.addf %add3A_844, %reduce_sum3A_1264 : f32
    %broadcast_in_dim3A_1266 = vector.shape_cast %mul3A_930 : vector<208xf32> to vector<208x1xf32>
    %max3A_1267 = arith.constant 0.000000e+00 : f32
    %max3A_1268 = vector.broadcast %max3A_1267 : f32 to vector<208x80xf32>
    %max3A_1269 = arith.maximumf %get3A_971, %max3A_1268 : vector<208x80xf32>
    %abs3A_1270 = math.absf %get3A_971 : vector<208x80xf32>
    %neg3A_1271 = arith.constant 0.000000e+00 : f32
    %neg3A_1272 = vector.broadcast %neg3A_1271 : f32 to vector<208x80xf32>
    %neg3A_1273 = arith.subf %neg3A_1272, %abs3A_1270 : vector<208x80xf32>
    %exp3A_1274 = math.exp %neg3A_1273 : vector<208x80xf32>
    %log1p3A_1275 = math.log1p %exp3A_1274 : vector<208x80xf32>
    %add3A_1276 = arith.addf %max3A_1269, %log1p3A_1275 : vector<208x80xf32>
    %mul3A_1277 = vector.broadcast %broadcast_in_dim3A_1266 : vector<208x1xf32> to vector<208x80xf32>
    %mul3A_1278 = arith.mulf %mul3A_1277, %add3A_1276 : vector<208x80xf32>
    %reduce_sum3A_1279 = vector.shape_cast %mul3A_1278 : vector<208x80xf32> to vector<1x208x80xf32>
    %reduce_sum3A_1280 = arith.constant dense<0.000000e+00> : vector<1xf32>
    %reduce_sum3A_1281 = vector.multi_reduction <add>, %reduce_sum3A_1279, %reduce_sum3A_1280 [1, 2] : vector<1x208x80xf32> to vector<1xf32>
    %reduce_sum3A_1282 = vector.shape_cast %reduce_sum3A_1281 : vector<1xf32> to vector<1x1x1xf32>
    %reduce_sum3A_1283 = vector.extract %reduce_sum3A_1282[0, 0, 0] : f32 from vector<1x1x1xf32>
    %add3A_1284 = arith.addf %add3A_863, %reduce_sum3A_1283 : f32
    %broadcast_in_dim3A_1285 = vector.shape_cast %mul3A_948 : vector<208xf32> to vector<208x1xf32>
    %mul3A_1286 = vector.broadcast %broadcast_in_dim3A_1285 : vector<208x1xf32> to vector<208x80xf32>
    %mul3A_1287 = arith.mulf %mul3A_1286, %select_n3A : vector<208x80xf32>
    %mul3A_1288 = arith.mulf %mul3A_1287, %get3A_971 : vector<208x80xf32>
    %reduce_sum3A_1289 = vector.shape_cast %mul3A_1288 : vector<208x80xf32> to vector<1x208x80xf32>
    %reduce_sum3A_1290 = arith.constant dense<0.000000e+00> : vector<1xf32>
    %reduce_sum3A_1291 = vector.multi_reduction <add>, %reduce_sum3A_1289, %reduce_sum3A_1290 [1, 2] : vector<1x208x80xf32> to vector<1xf32>
    %reduce_sum3A_1292 = vector.shape_cast %reduce_sum3A_1291 : vector<1xf32> to vector<1x1x1xf32>
    %reduce_sum3A_1293 = vector.extract %reduce_sum3A_1292[0, 0, 0] : f32 from vector<1x1x1xf32>
    %add3A_1294 = arith.addf %add3A_873, %reduce_sum3A_1293 : f32
    %sub3A_1295 = arith.subf %get3A_4, %add3A_1255 : f32
    %div3A_1296 = arith.constant 2.688000e+05 : f32
    %div3A_1297 = arith.divf %sub3A_1295, %div3A_1296 : f32
    %max3A_1298 = arith.constant 1.000000e+00 : f32
    %max3A_1299 = arith.maximumf %add3A_1248, %max3A_1298 : f32
    %div3A_1300 = arith.divf %add3A_1265, %max3A_1299 : f32
    %sub3A_1301 = arith.subf %add3A_1284, %add3A_1294 : f32
    %mul3A_1302 = arith.constant 8.000000e+01 : f32
    %mul3A_1303 = arith.mulf %add3A_1248, %mul3A_1302 : f32
    %max3A_1304 = arith.constant 1.000000e+00 : f32
    %max3A_1305 = arith.maximumf %mul3A_1303, %max3A_1304 : f32
    %div3A_1306 = arith.divf %sub3A_1301, %max3A_1305 : f32
    %mul3A_1307 = arith.constant 5.000000e+00 : f32
    %mul3A_1308 = arith.mulf %mul3A_1307, %div3A_1300 : f32
    %add3A_1309 = arith.addf %mul3A_1308, %div3A_1297 : f32
    %add3A_1310 = arith.addf %add3A_1309, %div3A_1306 : f32
    %swap3A = arith.constant 0 : index
    %swap3A_1311 = arith.constant 0 : index
    %swap3A_1312 = memref.load %arg4[%swap3A, %swap3A_1311] : memref<1x1xf32, #tpu.memory_space<smem>>
    memref.store %add3A_1310, %arg4[%swap3A, %swap3A_1311] : memref<1x1xf32, #tpu.memory_space<smem>>
    return
  }
}

</mosaic_0001>

<sc_bundles>
// kernel: kernel.6.cloned.1.call-start
scs
__scs_entry_jumppad:
0x0: {  	(pc) =	sbr.rel $0x88, $3  }
0x1: {  	(tag) =	ssettag $0x0;
	lr =	simm.s32 $0x1  }
0x2: {  	[smem:$0x3F9E] =	sst lr;
	_ =	strace $0xD0000000  }
0x3: {  	_ = 	snop  }
0x4: {  	_ = 	snop  }
0x5: {  	_ = 	snop  }
0x6: {  	_ = 	snop  }
0x7: {  	_ = 	snop  }
__scs_overlays_trampoline_lowered:
0x8: {  	[smem:$0x3FAD] =	sst s0  }
0x9: {  	[smem:$0x3FAE] =	sst s1  }
0xa: {  	[smem:$0x3FAF] =	sst s2  }
0xb: {  	[smem:$0x3FB0] =	sst s3  }
0xc: {  	[smem:$0x3FB1] =	sst s4  }
0xd: {  	[smem:$0x3FB2] =	sst s5  }
0xe: {  	[smem:$0x3FB3] =	sst s6  }
0xf: {  	[smem:$0x3FB4] =	sst s7  }
0x10: {  	[smem:$0x3FB5] =	sst s8  }
0x11: {  	[smem:$0x3FB6] =	sst s9;
	s0 =	simm.s32 @!p0 $0x0  }
0x12: {  	s1 =	sld [smem:$0x3F9C];
	s0 =	simm.s32 @p0 $0x1  }
0x13: {  	[smem:$0x3FB7] =	sst s0;
	s0 =	simm.s32 @!p1 $0x0  }
0x14: {  	s2 =	sld [smem:$0x3F9B];
	s0 =	simm.s32 @p1 $0x1  }
0x15: {  	[smem:$0x3FB8] =	sst s0;
	s0 =	simm.s32 @!p2 $0x0  }
0x16: {  	s3 =	sld [smem:$0x3FDB];
	s0 =	simm.s32 @p2 $0x1  }
0x17: {  	s4 =	simm.s32 $0x1BF5;
	[smem:$0x3FBA] =	sst s0  }
0x18: {  	s0 =	sld [smem:$0x3F9D];
	_ =	swait.ge [sflag:s4], $0x0  }
0x19: {  	s7 =	sld [smem:$0x3F9E]  }
0x1a: {  	s8 =	sadd.s32 $0xFFFFE003, lr  }
0x1b: {  	s9 =	sadd.s32 $0xFFFFFEF7, lr;
	s5 =	simm.s32 $0xFFFFFFFF;
	p2 =	slt.u32 s8, $0xFFFFF086  }
0x1c: {  	p1 =	slt.u32 s9, $0xF7A;
	s5 =	simm.s32 @!p2 $0x0  }
0x1d: {  	s5 =	simm.s32 @p1 $0x1;
	p0 =	seq.s32 s7, s2  }
0x1e: {  	s7 =	smul.u32 @!p0 $0xF7A, s2;
	p2 =	seq.s32 @!p0 s5, $0x0  }
0x1f: {  	s9 =	smul.u32 $0xF7A, s1;
	s8 =	simm.s32 @!p0 $0x1BF5;
	p2 =	por !p2, p0  }
0x20: {  	[sflag:s8] =	ssyncset.s32 @!p0 $0xFFFFF086;
	s6 =	sadd.s32 @!p0 s3, s7;
	s7 =	simm.s32 @!p0 $0x108  }
0x21: {  	s3 =	sadd.s32 s3, s9;
	s6 =	sadd.s32 @!p0 $0x88, s6;
	s7 =	simm.s32 @p2 $0x1082  }
0x22: {  	[simem:s7], [sflag:s8] =	dma.local @!p0 [hbm:s6], $0xF7A  }
0x23: {  	s9 =	sor.u32 $0xD0000000, s2;
	s6 =	simm.s32 $0x108;
	_ =	swait.ge @!p0 [sflag:s8], $0x0  }
0x24: {  	s3 =	sadd.s32 $0x88, s3;
	s6 =	simm.s32 @!p1 $0x1082;
	[sflag:s4] =	ssyncset.s32 $0xFFFFF086  }
0x25: {  	[simem:s6], [sflag:s4] =	dma.local [hbm:s3], $0xF7A  }
0x26: {  	[smem:$0x3F9E] =	sst s1;
	(tag) =	ssettag s2;
	_ =	strace s9  }
0x27: {  	s1 =	sld [smem:$0x3FAE]  }
0x28: {  	s2 =	sld [smem:$0x3FAF]  }
0x29: {  	s4 =	sld [smem:$0x3FB1]  }
0x2a: {  	p0 =	seq.s32 s5, $0x0;
	s5 =	sld [smem:$0x3FB2]  }
0x2b: {  	s6 =	sld [smem:$0x3FB3]  }
0x2c: {  	s7 =	sld [smem:$0x3FB4]  }
0x2d: {  	s3 =	simm.s32 $0x108;
	s8 =	sld [smem:$0x3FB5]  }
0x2e: {  	s3 =	simm.s32 @!p0 $0x1082;
	s9 =	sld [smem:$0x3FB6]  }
0x2f: {  	lr =	sadd.s32 s0, s3;
	s0 =	sld [smem:$0x3FAD]  }
0x30: {  	s3 =	sld [smem:$0x3FB0]  }
0x31: {  	[smem:$0x3FB9] =	sst s10  }
0x32: {  	s10 =	sld [smem:$0x3FB7];
	_ =	sdelay $0x3  }
0x33: {  	p0 =	seq.s32 s10, $0x1;
	s10 =	sld [smem:$0x3FB9];
	_ =	sdelay $0x3  }
0x34: {  	[smem:$0x3FB9] =	sst s10  }
0x35: {  	s10 =	sld [smem:$0x3FB8];
	_ =	sdelay $0x3  }
0x36: {  	p1 =	seq.s32 s10, $0x1;
	s10 =	sld [smem:$0x3FB9];
	_ =	sdelay $0x3  }
0x37: {  	[smem:$0x3FB9] =	sst s10  }
0x38: {  	s10 =	sld [smem:$0x3FBA]  }
0x39: {  	_ = 	snop;
	(pc) =	sbr.ind lr, $3  }
0x3a: {  	_ = 	snop  }
0x3b: {  	_ = 	snop  }
0x3c: {  	p2 =	seq.s32 s10, $0x1;
	s10 =	sld [smem:$0x3FB9]  }
0x3d: {  	_ =	shalt  }
0x3e: {  	_ =	shalt  }
0x3f: {  	_ =	shalt  }
0x40: {  	_ =	shalt  }
0x41: {  	_ =	shalt  }
0x42: {  	_ =	shalt  }
0x43: {  	_ =	shalt  }
0x44: {  	_ =	shalt  }
0x45: {  	_ =	shalt  }
0x46: {  	_ =	shalt  }
0x47: {  	_ =	shalt  }
0x48: {  	_ =	shalt  }
0x49: {  	_ =	shalt  }
0x4a: {  	_ =	shalt  }
0x4b: {  	_ =	shalt  }
0x4c: {  	_ =	shalt  }
0x4d: {  	_ =	shalt  }
0x4e: {  	_ =	shalt  }
0x4f: {  	_ =	shalt  }
0x50: {  	_ =	shalt  }
0x51: {  	_ =	shalt  }
0x52: {  	_ =	shalt  }
0x53: {  	_ =	shalt  }
0x54: {  	_ =	shalt  }
0x55: {  	_ =	shalt  }
0x56: {  	_ =	shalt  }
0x57: {  	_ =	shalt  }
0x58: {  	_ =	shalt  }
0x59: {  	_ =	shalt  }
0x5a: {  	_ =	shalt  }
0x5b: {  	_ =	shalt  }
0x5c: {  	_ =	shalt  }
0x5d: {  	_ =	shalt  }
0x5e: {  	_ =	shalt  }
0x5f: {  	_ =	shalt  }
0x60: {  	_ =	shalt  }
0x61: {  	_ =	shalt  }
0x62: {  	_ =	shalt  }
0x63: {  	_ =	shalt  }
0x64: {  	_ =	shalt  }
0x65: {  	_ =	shalt  }
0x66: {  	_ =	shalt  }
0x67: {  	_ =	shalt  }
0x68: {  	_ =	shalt  }
0x69: {  	_ =	shalt  }
0x6a: {  	_ =	shalt  }
0x6b: {  	_ =	shalt  }
0x6c: {  	_ =	shalt  }
0x6d: {  	_ =	shalt  }
0x6e: {  	_ =	shalt  }
0x6f: {  	_ =	shalt  }
0x70: {  	_ =	shalt  }
0x71: {  	_ =	shalt  }
0x72: {  	_ =	shalt  }
0x73: {  	_ =	shalt  }
0x74: {  	_ =	shalt  }
0x75: {  	_ =	shalt  }
0x76: {  	_ =	shalt  }
0x77: {  	_ =	shalt  }
0x78: {  	_ =	shalt  }
0x79: {  	_ =	shalt  }
0x7a: {  	_ =	shalt  }
0x7b: {  	_ =	shalt  }
0x7c: {  	_ =	shalt  }
0x7d: {  	_ =	shalt  }
0x7e: {  	_ =	shalt  }
0x7f: {  	_ =	shalt  }
0x80: {  	_ =	shalt  }
0x81: {  	_ =	shalt  }
0x82: {  	_ =	shalt  }
0x83: {  	_ =	shalt  }
0x84: {  	_ =	shalt  }
0x85: {  	_ =	shalt  }
0x86: {  	_ =	shalt  }
0x87: {  	_ =	shalt  }
.Lfunc_end0:
.L_simem_size_0:
called_computation_lowered:
.L_overlay_start_0:
0x88: {  	s2 =	sld [smem:$0x3FD9]  }
0x89: {  	s3 =	sld [smem:$0x3FFE];
	_ =	sdelay $0x1  }
0x8a: {  	s1 =	srdreg.scid  }
0x8b: {  	s0 =	sand.u32 $0x1, s1  }
0x8c: {  	s17 =	sshll.u32 s0, $0xA;
	s2 =	sadd.s32 s3, s2  }
0x8d: {  	s2 =	sadd.s32 s2, s17  }
0x8e: {  	[smem:$0x3FC5] =	sst s2  }
0x8f: {  	_ = 	snop  }
0x90: {  	s2 =	sld [smem:$0x3FD0];
	(tm) =	ssettm $0x1  }
0x91: {  	s18 =	sld [smem:$0x3FFB];
	_ =	sdelay $0x3  }
0x92: {  	_ =	strace s18  }
0x93: {  	s3 =	sld [smem:$0x3FFC];
	_ =	sdelay $0x3  }
0x94: {  	_ =	strace s3  }
0x95: {  	s3 =	sld [smem:$0x3FFD];
	_ =	sdelay $0x3  }
0x96: {  	_ =	strace s3  }
0x97: {  	_ =	strace $0x8FFFFFFF  }
0x98: {  	s19 =	sld [smem:$0x3FDB];
	_ =	sdelay $0x1  }
0x99: {  	s4 =	simm.s32 $_scs_section_size  }
0x9a: {  	s5 =	simm.s32 $_size__tile_overlayer_lowered;
	s6 =	simm.s32 $_tile_overlayer_lowered  }
0x9b: {  	s22 =	simm.s32 $0x1BFF;
	s21 =	sshll.u32 s6, $0x1;
	s3 =	sadd.s32 s4, s19  }
0x9c: {  	s7 =	simm.s32 $0x0;
	s20 =	sshll.u32 s5, $0x1;
	s5 =	sadd.s32 s21, s3  }
0x9d: {  	[timem:s7], [sflag:s22] =	dma.local [hbm:s5], s20  }
0x9e: {  	_ =	swait.ge [sflag:s22], s20  }
0x9f: {  	s4 =	ssub.s32 $0x0, s20;
	[sflag:s22] =	ssyncset.done $0x0  }
0xa0: {  	[sflag:s22] =	ssyncadd.s32 s4;
	_ =	sdelay $0x1  }
0xa1: {  	s23 =	simm.s32 $0x1B8B  }
0xa2: {  	_ =	swait.ge [sflag:s23], $0x1  }
0xa3: {  	[sflag:s23] =	ssyncset.done $0x0  }
0xa4: {  	s25 =	simm.s32 $0x1B8E;
	s24 =	sld [smem:$0x3FFE];
	[sflag:s23] =	ssyncadd.s32 $0xFFFFFFFF  }
0xa5: {  	s26 =	simm.s32 $execute0_lowered;
	[smem:$0x3FD2] =	sst s25  }
0xa6: {  	s5 =	sshll.u32 s26, $0x1;
	_ =	strace $0x80000046;
	[dreg:$0x1] =	wrdreg $0xFFFFFFFF  }
0xa7: {  	s28 =	simm.s32 $_size_execute0_lowered;
	s3 =	sadd.s32 s3, s5;
	[dreg:$0x0] =	wrdreg $0x0  }
0xa8: {  	s5 =	sshll.u32 s28, $0x1;
	[dreg:$0x2] =	wrdreg s3  }
0xa9: {  	[dreg:$0x3] =	wrdreg s5  }
0xaa: {  	[dreg:$0x4] =	wrdreg $0xC0  }
0xab: {  	_ =	task [dreg:s7], $0x5FFFF  }
0xac: {  	[dreg:$0x1] =	wrdreg $0xFFFFFFFF  }
0xad: {  	[dreg:$0x0] =	wrdreg $0x60  }
0xae: {  	[dreg:$0x2] =	wrdreg s24  }
0xaf: {  	[dreg:$0x3] =	wrdreg s2  }
0xb0: {  	[dreg:$0x4] =	wrdreg $0x9  }
0xb1: {  	_ =	task.clear_ibuf [dreg:s7], $0x5FFFF;
	_ =	strace $0x90000046  }
0xb2: {  	s29 =	simm.s32 $0x9;
	_ =	strace $0x80000048  }
0xb3: {  	_ =	swait.ge [sflag:s29], $0x1  }
0xb4: {  	[sflag:s29] =	ssyncadd.s32 $0xFFFFFFFF  }
0xb5: {  	_ =	strace $0x90000048  }
0xb6: {  	_ =	sfence  }
0xb7: {  	s30 =	sld [smem:$0x0];
	_ =	sdelay $0x2  }
0xb8: {  	s31 =	sshll.u32 s1, $0xD;
	s1 =	sshrl.u32 s1, $0x2  }
0xb9: {  	s3 =	sand.u32 $0x4000, s31;
	s1 =	sadd.s32 s1, s30  }
0xba: {  	s0 =	sor.u32 s3, s0;
	s1 =	sshll.u32 s1, $0x11  }
0xbb: {  	s0 =	sor.u32 s1, s0  }
0xbc: {  	s0 =	sadd.s32 $0x8F2B, s0  }
0xbd: {  	[sflag:s0] =	ssyncadd.remote.s32 $0x1  }
0xbe: {  	_ =	sfence.sel $0xFFFF  }
0xbf: {  	[dreg:$0x0] =	wrdreg $0xFFFFFFFF;
	(pc) =	sbr.abs _section_cstart, $3  }
0xc0: {  	[dreg:$0x1] =	wrdreg $0xFFFFFFFF  }
0xc1: {  	_ =	task.clear_ibuf [dreg:s7], $0x2FFFF;
	_ =	strace $0x9FFFFFFF  }
0xc2: {  	(tm) =	ssettm $0x7FFFFFFF  }
0xc3: {  	_ =	shalt  }
tec
execute0_lowered:
.L_overlay_start_1:
0x0: {  	(tag) =	ssettag $0x1  }
0x1: {  	s1 =	srdreg.scid  }
0x2: {  	s0 =	stileid.u32;
	s12 =	sand.u32 $0x1, s1  }
0x3: {  	s31 =	sshll.u32 s0, $0x6;
	s2 =	sshll.u32 s12, $0x5  }
0x4: {  	v0 =	vlaneseq.u32;
	s2 =	sor.u32 s2, s31  }
0x5: {  	v0 =	vor.u32 $0xFFFFFF30, v0;
	v1 =	vmov s2  }
0x6: {  	s11 =	rddreg [dreg:$0x0];
	s5 =	sor.u32 $0x10, s2;
	vm2 =	vlt.u32 v1, $0xD0;
	v1 =	vadd.s32 s2, v0  }
0x7: {  	s3 =	rddreg [dreg:$0x1];
	s4 =	simm.s32 $0x0;
	v0 =	vadd.s32 s5, v0;
	vm3 =	vlt.u32 v1, $0xD0;
	v1 =	vimm.f32 $3.200000000e+01  }
0x8: {  	[smem:$0x7FF] =	sst s4;
	v3 =	vmov s5;
	vm1 =	vlt.u32 v0, $0xD0;
	v2 =	vsel vm3, $0x41800000, v1  }
0x9: {  	s1 =	rddreg [dreg:$0x2];
	_ =	strace $0x80000047;
	vm0 =	vlt.u32 v3, $0xD0;
	v1 =	vsel vm1, $0x41800000, v1;
	v0 =	vsel vm2, $0x41000000, v2  }
0xa: {  	(erf) = vrcp.f32 v0;
	v0 =	vsel vm0, $0x41000000, v1  }
0xb: {  	(erf) = vrcp.f32 v0;
	_ =	sdelay $0x7  }
0xc: {  	s6 =	simm.s32 $0x1;
	s7 =	sadd.s32 $0x1200, s11;
	v0 =	vpop (erf)  }
0xd: {  	[tilespmem:s4], [sflag:$0x1] =	stream.linear.gather [hbm4b:s7+s4], $0xC00, $0x38;
	v1 =	vpop (erf);
	[tilespmem:$0xD80] =	vst v63  }
0xe: {  	_ =	swait.ge [sflag:s6], $0xC00  }
0xf: {  	[sflag:s6] =	ssyncset.done $0x0  }
0x10: {  	s8 =	simm.s32 $0xD00;
	[sflag:s6] =	ssyncadd.s32 $0xFFFFF400  }
0x11: {  	[tilespmem:s8], [sflag:$0x1] =	stream.linear.gather [hbm4b:s3+s4], $0x80, $0x38;
	[tilespmem:$0xD80] =	vst v63  }
0x12: {  	_ =	swait.ge [sflag:s6], $0x80  }
0x13: {  	[sflag:s6] =	ssyncset.done $0x0  }
0x14: {  	[sflag:s6] =	ssyncadd.s32 $0xFFFFFF80  }
0x15: {  	s9 =	sor.u32 $0x800, s2;
	v5 =	vld [tilespmem:$0xD00]  }
0x16: {  	s10 =	sor.u32 $0x400, s2;
	v2 =	vld [tilespmem:s9+$0x0]  }
0x17: {  	v3 =	vld [tilespmem:s10+$0x0];
	_ =	sdelay $0x3  }
0x18: {  	v2 =	vmul.f32 v2, v5  }
0x19: {  	v3 =	vmul.f32 v3, v5  }
0x1a: {  	v2 =	vmul.f32 v2, v0  }
0x1b: {  	v3 =	vmul.f32 v3, v0  }
0x1c: {  	v6 =	vimm.s32 $0x14;
	v7 =	vld [tilespmem:s2+$0x0];
	v2 =	vtrunc.f32 v2  }
0x1d: {  	v8 =	vimm.s32 $0x1F40;
	v3 =	vtrunc.f32 v3;
	v9 =	vcvt.f32.s32 v2  }
0x1e: {  	v4 =	vsel vm3, $0x1900, v8;
	v2 =	vsel vm3, $0x28, v6;
	v10 =	vcvt.f32.s32 v3  }
0x1f: {  	v3 =	vsel vm2, $0x0, v4;
	v2 =	vsel vm2, $0x50, v2;
	vm12 =	vgt.s32 v9, $0x0  }
0x20: {  	v4 =	vadd.s32 $0xFFFFFFFF, v2;
	vm13 =	vgt.s32 v10, $0x0;
	v9 =	vnsel vm12, $0x0, v9  }
0x21: {  	v7 =	vtrunc.f32 v7;
	v10 =	vnsel vm13, $0x0, v10;
	v9 =	vmin.u32 v4, v9  }
0x22: {  	v7 =	vcvt.f32.s32 v7;
	v10 =	vmin.u32 v4, v10;
	v9 =	vmul.u32 v2, v9  }
0x23: {  	v10 =	vadd.s32 v3, v10  }
0x24: {  	[tilespmem:$0xC00] =	vst v7;
	v7 =	vadd.s32 v9, v10  }
0x25: {  	[tilespmem:$0xC80] =	vst v7  }
0x26: {  	v7 =	vld [tilespmem:s2+$0x810]  }
0x27: {  	v61 =	vld [tilespmem:s2+$0x410];
	_ =	sdelay $0x3  }
0x28: {  	v7 =	vmul.f32 v7, v5  }
0x29: {  	v5 =	vmul.f32 v61, v5  }
0x2a: {  	v7 =	vmul.f32 v7, v1  }
0x2b: {  	v5 =	vmul.f32 v5, v1  }
0x2c: {  	v62 =	vld [tilespmem:s5+$0x0];
	v7 =	vtrunc.f32 v7  }
0x2d: {  	v5 =	vtrunc.f32 v5;
	v63 =	vcvt.f32.s32 v7  }
0x2e: {  	v6 =	vsel vm1, $0x28, v6;
	v7 =	vsel vm1, $0x1900, v8;
	v8 =	vcvt.f32.s32 v5  }
0x2f: {  	s12 =	ssub.s32 $0x2, s12;
	v5 =	vsel vm0, $0x50, v6;
	v6 =	vsel vm0, $0x0, v7;
	vm14 =	vgt.s32 v63, $0x0  }
0x30: {  	s14 =	sshrl.u32 s12, $0x1;
	v7 =	vadd.s32 $0xFFFFFFFF, v5;
	vm15 =	vgt.s32 v8, $0x0;
	v10 =	vnsel vm14, $0x0, v63  }
0x31: {  	s12 =	ssub.s32 s12, s14;
	v9 =	vtrunc.f32 v62;
	v8 =	vnsel vm15, $0x0, v8;
	v10 =	vmin.u32 v7, v10  }
0x32: {  	s15 =	smax.u32 s12, $0x1;
	v9 =	vcvt.f32.s32 v9;
	v8 =	vmin.u32 v7, v8;
	v10 =	vmul.u32 v5, v10  }
0x33: {  	s13 =	sshrl.u32 s2, $0x3;
	p0 =	sne.s32 s15, $0x1;
	v8 =	vadd.s32 v6, v8  }
.Ltmp0:
0x34: {  	s13 =	sadd.s32 s13, s11;
	[tilespmem:$0xC10] =	vst v9;
	v8 =	vadd.s32 v10, v8;
	(pc) =	sbr.rel @!p0 .LBB2_2-.Ltmp0, $4  }
0x35: {  	s12 =	simm.s32 $0xC00;
	s11 =	sadd.s32 $0x1400, s13;
	[tilespmem:$0xC90] =	vst v8  }
0x36: {  	[hbm4b:s11+s4] =	stream.linear.scatter [tilespmem:s12], [sflag:$0x1], $0x20, $0x38;
	[tilespmem:$0xD80] =	vst v63  }
0x37: {  	s14 =	simm.s32 $0xC80;
	_ =	swait.ge [sflag:s6], $0x20  }
0x38: {  	s13 =	sadd.s32 $0x1600, s13;
	s15 =	sadd.s32 $0xFFFFFFFF, s15;
	[sflag:s6] =	ssyncset.done $0x0  }
.LBB2_1:
0x39: {  	p0 =	sne.s32 s15, $0x1;
	s15 =	sadd.s32 $0xFFFFFFFF, s15;
	[sflag:s6] =	ssyncadd.s32 $0xFFFFFFE0  }
0x3a: {  	[hbm4b:s13+s4] =	stream.linear.scatter [tilespmem:s14], [sflag:$0x1], $0x20, $0x38;
	[tilespmem:$0xD80] =	vst v63  }
0x3b: {  	_ =	swait.ge [sflag:s6], $0x20  }
0x3c: {  	[sflag:s6] =	ssyncset.done $0x0  }
0x3d: {  	[sflag:s6] =	ssyncadd.s32 $0xFFFFFFE0  }
0x3e: {  	[tilespmem:s4], [sflag:$0x1] =	stream.linear.gather [hbm4b:s7+s4], $0xC00, $0x38;
	[tilespmem:$0xD80] =	vst v63  }
0x3f: {  	_ =	swait.ge [sflag:s6], $0xC00  }
0x40: {  	[sflag:s6] =	ssyncset.done $0x0  }
0x41: {  	[sflag:s6] =	ssyncadd.s32 $0xFFFFF400  }
0x42: {  	[tilespmem:s8], [sflag:$0x1] =	stream.linear.gather [hbm4b:s3+s4], $0x80, $0x38;
	[tilespmem:$0xD80] =	vst v63  }
0x43: {  	_ =	swait.ge [sflag:s6], $0x80  }
0x44: {  	[sflag:s6] =	ssyncset.done $0x0  }
0x45: {  	[sflag:s6] =	ssyncadd.s32 $0xFFFFFF80  }
0x46: {  	v8 =	vld [tilespmem:$0xD00]  }
0x47: {  	v9 =	vld [tilespmem:s9+$0x0]  }
0x48: {  	v10 =	vld [tilespmem:s10+$0x0];
	_ =	sdelay $0x3  }
0x49: {  	v9 =	vmul.f32 v9, v8  }
0x4a: {  	v10 =	vmul.f32 v10, v8  }
0x4b: {  	v9 =	vmul.f32 v9, v0  }
0x4c: {  	v10 =	vmul.f32 v10, v0  }
0x4d: {  	v11 =	vld [tilespmem:s2+$0x0];
	v9 =	vtrunc.f32 v9  }
0x4e: {  	v10 =	vtrunc.f32 v10;
	v9 =	vcvt.f32.s32 v9  }
0x4f: {  	v10 =	vcvt.f32.s32 v10  }
0x50: {  	vm0 =	vgt.s32 v9, $0x0  }
0x51: {  	vm1 =	vgt.s32 v10, $0x0;
	v9 =	vnsel vm0, $0x0, v9  }
0x52: {  	v10 =	vnsel vm1, $0x0, v10;
	v9 =	vmin.u32 v4, v9;
	v11 =	vtrunc.f32 v11  }
0x53: {  	v10 =	vmin.u32 v4, v10;
	v11 =	vcvt.f32.s32 v11;
	v9 =	vmul.u32 v2, v9  }
0x54: {  	v10 =	vadd.s32 v3, v10  }
0x55: {  	[tilespmem:$0xC00] =	vst v11;
	v9 =	vadd.s32 v9, v10  }
0x56: {  	[tilespmem:$0xC80] =	vst v9  }
0x57: {  	v9 =	vld [tilespmem:s2+$0x410]  }
0x58: {  	v10 =	vld [tilespmem:s2+$0x810]  }
0x59: {  	v11 =	vld [tilespmem:s5+$0x0];
	_ =	sdelay $0x2  }
0x5a: {  	v9 =	vmul.f32 v9, v8  }
0x5b: {  	v8 =	vmul.f32 v10, v8  }
0x5c: {  	v9 =	vmul.f32 v9, v1;
	v10 =	vtrunc.f32 v11  }
0x5d: {  	v8 =	vmul.f32 v8, v1;
	v10 =	vcvt.f32.s32 v10  }
0x5e: {  	v9 =	vtrunc.f32 v9  }
0x5f: {  	v9 =	vcvt.f32.s32 v9;
	v8 =	vtrunc.f32 v8;
	[tilespmem:$0xC10] =	vst v10  }
0x60: {  	v8 =	vcvt.f32.s32 v8  }
0x61: {  	vm0 =	vgt.s32 v9, $0x0  }
0x62: {  	v9 =	vnsel vm0, $0x0, v9;
	vm0 =	vgt.s32 v8, $0x0  }
0x63: {  	v9 =	vmin.u32 v7, v9;
	v8 =	vnsel vm0, $0x0, v8  }
0x64: {  	v8 =	vmin.u32 v7, v8;
	v9 =	vadd.s32 v6, v9  }
0x65: {  	v8 =	vmul.u32 v5, v8;
	_ =	sdelay $0x1  }
.Ltmp1:
0x66: {  	v8 =	vadd.s32 v8, v9;
	(pc) =	sbr.rel @p0 .LBB2_1-.Ltmp1, $4  }
0x67: {  	[tilespmem:$0xC90] =	vst v8  }
0x68: {  	[hbm4b:s11+s4] =	stream.linear.scatter [tilespmem:s12], [sflag:$0x1], $0x20, $0x38;
	[tilespmem:$0xD80] =	vst v63  }
0x69: {  	_ =	swait.ge [sflag:s6], $0x20  }
0x6a: {  	[sflag:s6] =	ssyncset.done $0x0  }
.LBB2_2:
0x6b: {  	[sflag:s6] =	ssyncadd.s32 $0xFFFFFFE0  }
0x6c: {  	[hbm4b:s13+s4] =	stream.linear.scatter [tilespmem:s14], [sflag:$0x1], $0x20, $0x38;
	[tilespmem:$0xD80] =	vst v63  }
0x6d: {  	_ =	swait.ge [sflag:s6], $0x20  }
0x6e: {  	[sflag:s6] =	ssyncset.done $0x0  }
0x6f: {  	[sflag:s6] =	ssyncadd.s32 $0xFFFFFFE0  }
0x70: {  	_ =	sfence.sel $0x180000  }
0x71: {  	[bflag:$0x0] =	sbarrier.arrive $0xFFFF  }
0x72: {  	p0 =	sne.s32 s0, $0x0;
	_ =	strace $0x90000047  }
0x73: {  	s0 =	sadd.s32 @!p0 $0x100000, s1;
	[bflag:$0x2] =	sbarrier.arrive $0xFFFF  }
0x74: {  	[sflag:s0] =	ssyncadd.tile.s32 @!p0 $0x1;
	_ =	shalt  }
.Lfunc_end2:
_tile_overlayer_lowered:
.L_overlay_start_2:
0x75: {  	(tag) =	ssettag $0x2  }
0x76: {  	s0 =	rddreg [dreg:$0x0];
	s2 =	stileid.u32  }
0x77: {  	s1 =	rddreg [dreg:$0x1];
	p0 =	sne.s32 s2, $0x0  }
0x78: {  	s3 =	rddreg [dreg:$0x2];
	[bflag:$0x3] =	sbarrier.arrive $0xFFFF;
	s2 =	simm.s32 @!p0 $0x1C01  }
0x79: {  	[timem:s3], [sflag:s2] =	dma.local @!p0 [hbm:s0], s1  }
0x7a: {  	s0 =	simm.s32 @!p0 $0x1  }
0x7b: {  	_ =	swait.ge @!p0 [sflag:s0], s1  }
0x7c: {  	s1 =	ssub.s32 @!p0 $0x0, s1;
	[sflag:s0] =	ssyncset.done @!p0 $0x0  }
0x7d: {  	[sflag:s0] =	ssyncadd.s32 @!p0 s1  }
0x7e: {  	[bflag:$0x3] =	sbarrier.arrive $0xFFFF  }
0x7f: {  	_ =	shalt  }

</sc_bundles>
